<compile_context>
chip_gen: v7x
topology: tpu7x:2x2x1
jax: 0.10.2.dev20260603
libtpu: 0.0.44.dev20260713+nightly
codegen_flags: <defaults>
</compile_context>

<pallas_src>
import functools

import jax
import jax.numpy as jnp
from jax import lax
from jax.experimental import pallas as pl
from jax.experimental.pallas import tpu as pltpu
from jax.experimental.pallas import tpu_sc as plsc

N_OUT = 4096
N_IN = 4096
D = 4
K = 256
NUM_IDX = N_OUT * N_IN // D

NC = 2
NS = 16
NW = NC * NS
IDX_PER_W = NUM_IDX // NW
CHUNK = 8192
NCHUNK = IDX_PER_W // CHUNK


def _body(cb_hbm, idx_hbm, out_hbm,
          cb_v, idx_v0, idx_v1, out_v0, out_v1,
          cb_sem, in_sem0, in_sem1, out_sem0, out_sem1):
    wid = lax.axis_index("s") * NC + lax.axis_index("c")
    base = wid * IDX_PER_W

    pltpu.async_copy(cb_hbm, cb_v, cb_sem).wait()

    idx_bufs = (idx_v0, idx_v1)
    out_bufs = (out_v0, out_v1)
    in_sems = (in_sem0, in_sem1)
    out_sems = (out_sem0, out_sem1)

    lane = lax.iota(jnp.int32, 16)
    st_base = lane * 4

    def start_in(g):
        b = g % 2
        return pltpu.async_copy(
            idx_hbm.at[pl.ds(base + g * CHUNK, CHUNK)], idx_bufs[b], in_sems[b])

    def start_out(g):
        b = g % 2
        return pltpu.async_copy(
            out_bufs[b], out_hbm.at[pl.ds((base + g * CHUNK) * D, CHUNK * D)],
            out_sems[b])

    def compute(idx_ref, out_ref):
        @plsc.parallel_loop(0, CHUNK // 16, unroll=1)
        def body(i):
            a = idx_ref[pl.ds(i * 16, 16)]
            w = a * 4
            ob = i * 64
            vals = [plsc.load_gather(cb_v, [w + j]) for j in range(D)]
            for j in range(D):
                plsc.store_scatter(out_ref, [st_base + (ob + j)], vals[j])

    in_copies = [None, None]
    out_copies = [None, None]
    in_copies[0] = start_in(0)
    for g in range(NCHUNK):
        b = g % 2
        if g + 1 < NCHUNK:
            in_copies[1 - b] = start_in(g + 1)
        in_copies[b].wait()
        if out_copies[b] is not None:
            out_copies[b].wait()
        compute(idx_bufs[b], out_bufs[b])
        out_copies[b] = start_out(g)
    out_copies[0].wait()
    out_copies[1].wait()


_gather = functools.partial(
    pl.kernel,
    out_type=jax.ShapeDtypeStruct((NUM_IDX * D,), jnp.float32),
    mesh=plsc.VectorSubcoreMesh(core_axis_name="c", subcore_axis_name="s"),
    compiler_params=pltpu.CompilerParams(needs_layout_passes=False),
    scratch_types=[
        pltpu.VMEM((K * D,), jnp.float32),
        pltpu.VMEM((CHUNK,), jnp.int32),
        pltpu.VMEM((CHUNK,), jnp.int32),
        pltpu.VMEM((CHUNK * D,), jnp.float32),
        pltpu.VMEM((CHUNK * D,), jnp.float32),
        pltpu.SemaphoreType.DMA,
        pltpu.SemaphoreType.DMA,
        pltpu.SemaphoreType.DMA,
        pltpu.SemaphoreType.DMA,
        pltpu.SemaphoreType.DMA,
    ],
)(_body)


def kernel(centriods, assignments):
    out_flat = _gather(centriods.reshape(K * D), assignments)
    return out_flat.reshape(N_OUT, N_IN)

# --- scband reference (transcript-rebuilt; emitter-appended) ---
"""Pipeline reference for scband-quantize-78486232367581 (READ-ONLY COPY).

The authoritative reference and input builder live on the scoring server;
editing this copy changes nothing except your own understanding.
"""

import jax, jax.numpy as jnp
import numpy as np

N_OUT = 4096
N_IN = 4096
D = 4
K = 256
N_BLOCKS = N_OUT * N_IN // D  # 4,194,304


def setup_inputs(seed: int = 0) -> dict:
    key = jax.random.key(seed)
    k1, k2 = jax.random.split(key)
    centriods = jax.random.normal(k1, (K, D), dtype=jnp.float32)
    assignments = jax.random.randint(k2, (N_BLOCKS,), 0, K, dtype=jnp.int32)
    return {"centriods": centriods, "assignments": assignments}


def reference(centriods, assignments):
    # Quantize.forward(): weights_reconstructed = self.centriods[self.assignments]
    # then reshaped to (n_out, n_in). normalize_rowwise / normalize_columnwise are
    # False in this configuration, so no norm rescaling is applied.
    weights_reconstructed = jnp.take(centriods, assignments, axis=0)  # (N_BLOCKS, D)
    weights_reconstructed = weights_reconstructed.reshape(N_OUT, N_IN)
    return weights_reconstructed

if __name__ == "__main__":
    import jax
    _d = setup_inputs()
    print(jax.jit(kernel)(*tuple(_d.values())))

</pallas_src>

<mosaic_0001>
#map = affine_map<(d0, d1) -> (0)>
module attributes {stable_mosaic.version = 14 : i64} {
  func.func @_body(%arg0: i32, %arg1: i32, %arg2: memref<1024xf32, #tpu.memory_space<hbm>>, %arg3: memref<4194304xi32, #tpu.memory_space<hbm>>, %arg4: memref<16777216xf32, #tpu.memory_space<hbm>>, %arg5: memref<1024xf32, #tpu.memory_space<vmem>>, %arg6: memref<8192xi32, #tpu.memory_space<vmem>>, %arg7: memref<8192xi32, #tpu.memory_space<vmem>>, %arg8: memref<32768xf32, #tpu.memory_space<vmem>>, %arg9: memref<32768xf32, #tpu.memory_space<vmem>>, %arg10: memref<!tpu.dma_semaphore, #tpu.memory_space<semaphore_mem>>, %arg11: memref<!tpu.dma_semaphore, #tpu.memory_space<semaphore_mem>>, %arg12: memref<!tpu.dma_semaphore, #tpu.memory_space<semaphore_mem>>, %arg13: memref<!tpu.dma_semaphore, #tpu.memory_space<semaphore_mem>>, %arg14: memref<!tpu.dma_semaphore, #tpu.memory_space<semaphore_mem>>) attributes {dimension_semantics = [#tpu.dimension_semantics<core_parallel>, #tpu.dimension_semantics<subcore_parallel>], iteration_bounds = array<i64: 2, 16>, scalar_prefetch = 0 : i64, scratch_operands = 10 : i64, tpu.core_type = #tpu.core_type<sc_vector_subcore>, window_params = [{transform_indices = #map}, {transform_indices = #map}, {transform_indices = #map}]} {
    %mul3A = arith.constant 2 : i32
    %mul3A_0 = arith.muli %arg1, %mul3A : i32
    %add3A = arith.addi %mul3A_0, %arg0 : i32
    %mul3A_1 = arith.constant 131072 : i32
    %mul3A_2 = arith.muli %add3A, %mul3A_1 : i32
    tpu.enqueue_dma source(%arg2 : memref<1024xf32, #tpu.memory_space<hbm>>) target(%arg5 : memref<1024xf32, #tpu.memory_space<vmem>>) target_semaphore(%arg10 : memref<!tpu.dma_semaphore, #tpu.memory_space<semaphore_mem>>)
    tpu.wait_dma2 semaphore(%arg10 : memref<!tpu.dma_semaphore, #tpu.memory_space<semaphore_mem>>) src(%arg2 : memref<1024xf32, #tpu.memory_space<hbm>>) dst(%arg5 : memref<1024xf32, #tpu.memory_space<vmem>>)
    %iota3A = tpu.iota {dimensions = array<i32: 0>} : vector<16xi32>
    %mul3A_3 = arith.constant 4 : i32
    %mul3A_4 = vector.broadcast %mul3A_3 : i32 to vector<16xi32>
    %mul3A_5 = arith.muli %iota3A, %mul3A_4 : vector<16xi32>
    %add3A_6 = arith.constant 0 : i32
    %add3A_7 = arith.addi %mul3A_2, %add3A_6 : i32
    %dma_start3A = tpu.memref_slice %arg3[%add3A_7] : memref<4194304xi32, #tpu.memory_space<hbm>> -> memref<8192xi32, #tpu.memory_space<hbm>>
    %dma_start3A_8 = tpu.memref_slice %arg3[%add3A_7] : memref<4194304xi32, #tpu.memory_space<hbm>> -> memref<8192xi32, #tpu.memory_space<hbm>>
    tpu.enqueue_dma source(%dma_start3A_8 : memref<8192xi32, #tpu.memory_space<hbm>>) target(%arg6 : memref<8192xi32, #tpu.memory_space<vmem>>) target_semaphore(%arg11 : memref<!tpu.dma_semaphore, #tpu.memory_space<semaphore_mem>>)
    %add3A_9 = arith.constant 8192 : i32
    %add3A_10 = arith.addi %mul3A_2, %add3A_9 : i32
    %dma_start3A_11 = tpu.memref_slice %arg3[%add3A_10] : memref<4194304xi32, #tpu.memory_space<hbm>> -> memref<8192xi32, #tpu.memory_space<hbm>>
    %dma_start3A_12 = tpu.memref_slice %arg3[%add3A_10] : memref<4194304xi32, #tpu.memory_space<hbm>> -> memref<8192xi32, #tpu.memory_space<hbm>>
    tpu.enqueue_dma source(%dma_start3A_12 : memref<8192xi32, #tpu.memory_space<hbm>>) target(%arg7 : memref<8192xi32, #tpu.memory_space<vmem>>) target_semaphore(%arg12 : memref<!tpu.dma_semaphore, #tpu.memory_space<semaphore_mem>>)
    %dma_wait3A = tpu.memref_slice %arg3[%add3A_7] : memref<4194304xi32, #tpu.memory_space<hbm>> -> memref<8192xi32, #tpu.memory_space<hbm>>
    %dma_wait3A_13 = tpu.memref_slice %arg3[%add3A_7] : memref<4194304xi32, #tpu.memory_space<hbm>> -> memref<8192xi32, #tpu.memory_space<hbm>>
    tpu.wait_dma2 semaphore(%arg11 : memref<!tpu.dma_semaphore, #tpu.memory_space<semaphore_mem>>) src(%dma_wait3A_13 : memref<8192xi32, #tpu.memory_space<hbm>>) dst(%arg6 : memref<8192xi32, #tpu.memory_space<vmem>>)
    %parallel_loop3A = arith.constant 0 : i32
    %parallel_loop3A_14 = arith.constant 512 : i32
    %parallel_loop3A_15 = arith.constant 1 : i32
    scf.for %parallel_loop3A_275 = %parallel_loop3A to %parallel_loop3A_14 step %parallel_loop3A_15  : i32 {
      %parallel_loop3A_276 = arith.constant 16 : i32
      %parallel_loop3A_277 = arith.muli %parallel_loop3A_275, %parallel_loop3A_276 : i32
      %parallel_loop3A_278 = arith.index_cast %parallel_loop3A_277 : i32 to index
      %parallel_loop3A_279 = tpu.vector_load %arg6[%parallel_loop3A_278] {strides = array<i32>} : memref<8192xi32, #tpu.memory_space<vmem>>, vector<16xi32>,
      %parallel_loop3A_280 = arith.constant 4 : i32
      %parallel_loop3A_281 = vector.broadcast %parallel_loop3A_280 : i32 to vector<16xi32>
      %parallel_loop3A_282 = arith.muli %parallel_loop3A_279, %parallel_loop3A_281 : vector<16xi32>
      %parallel_loop3A_283 = arith.constant 64 : i32
      %parallel_loop3A_284 = arith.muli %parallel_loop3A_275, %parallel_loop3A_283 : i32
      %parallel_loop3A_285 = arith.constant 0 : i32
      %parallel_loop3A_286 = vector.broadcast %parallel_loop3A_285 : i32 to vector<16xi32>
      %parallel_loop3A_287 = arith.addi %parallel_loop3A_282, %parallel_loop3A_286 : vector<16xi32>
      %parallel_loop3A_288 = tpu.vector_load_idx %arg5[%parallel_loop3A_287] : memref<1024xf32, #tpu.memory_space<vmem>>[vector<16xi32>], vector<16xf32>,
      %parallel_loop3A_289 = arith.constant 1 : i32
      %parallel_loop3A_290 = vector.broadcast %parallel_loop3A_289 : i32 to vector<16xi32>
      %parallel_loop3A_291 = arith.addi %parallel_loop3A_282, %parallel_loop3A_290 : vector<16xi32>
      %parallel_loop3A_292 = tpu.vector_load_idx %arg5[%parallel_loop3A_291] : memref<1024xf32, #tpu.memory_space<vmem>>[vector<16xi32>], vector<16xf32>,
      %parallel_loop3A_293 = arith.constant 2 : i32
      %parallel_loop3A_294 = vector.broadcast %parallel_loop3A_293 : i32 to vector<16xi32>
      %parallel_loop3A_295 = arith.addi %parallel_loop3A_282, %parallel_loop3A_294 : vector<16xi32>
      %parallel_loop3A_296 = tpu.vector_load_idx %arg5[%parallel_loop3A_295] : memref<1024xf32, #tpu.memory_space<vmem>>[vector<16xi32>], vector<16xf32>,
      %parallel_loop3A_297 = arith.constant 3 : i32
      %parallel_loop3A_298 = vector.broadcast %parallel_loop3A_297 : i32 to vector<16xi32>
      %parallel_loop3A_299 = arith.addi %parallel_loop3A_282, %parallel_loop3A_298 : vector<16xi32>
      %parallel_loop3A_300 = tpu.vector_load_idx %arg5[%parallel_loop3A_299] : memref<1024xf32, #tpu.memory_space<vmem>>[vector<16xi32>], vector<16xf32>,
      %parallel_loop3A_301 = arith.constant 0 : i32
      %parallel_loop3A_302 = arith.addi %parallel_loop3A_284, %parallel_loop3A_301 : i32
      %parallel_loop3A_303 = vector.broadcast %parallel_loop3A_302 : i32 to vector<16xi32>
      %parallel_loop3A_304 = arith.addi %mul3A_5, %parallel_loop3A_303 : vector<16xi32>
      tpu.vector_store_idx %arg8[%parallel_loop3A_304], %parallel_loop3A_288 : memref<32768xf32, #tpu.memory_space<vmem>>[vector<16xi32>], vector<16xf32>,
      %parallel_loop3A_305 = arith.constant 1 : i32
      %parallel_loop3A_306 = arith.addi %parallel_loop3A_284, %parallel_loop3A_305 : i32
      %parallel_loop3A_307 = vector.broadcast %parallel_loop3A_306 : i32 to vector<16xi32>
      %parallel_loop3A_308 = arith.addi %mul3A_5, %parallel_loop3A_307 : vector<16xi32>
      tpu.vector_store_idx %arg8[%parallel_loop3A_308], %parallel_loop3A_292 : memref<32768xf32, #tpu.memory_space<vmem>>[vector<16xi32>], vector<16xf32>,
      %parallel_loop3A_309 = arith.constant 2 : i32
      %parallel_loop3A_310 = arith.addi %parallel_loop3A_284, %parallel_loop3A_309 : i32
      %parallel_loop3A_311 = vector.broadcast %parallel_loop3A_310 : i32 to vector<16xi32>
      %parallel_loop3A_312 = arith.addi %mul3A_5, %parallel_loop3A_311 : vector<16xi32>
      tpu.vector_store_idx %arg8[%parallel_loop3A_312], %parallel_loop3A_296 : memref<32768xf32, #tpu.memory_space<vmem>>[vector<16xi32>], vector<16xf32>,
      %parallel_loop3A_313 = arith.constant 3 : i32
      %parallel_loop3A_314 = arith.addi %parallel_loop3A_284, %parallel_loop3A_313 : i32
      %parallel_loop3A_315 = vector.broadcast %parallel_loop3A_314 : i32 to vector<16xi32>
      %parallel_loop3A_316 = arith.addi %mul3A_5, %parallel_loop3A_315 : vector<16xi32>
      tpu.vector_store_idx %arg8[%parallel_loop3A_316], %parallel_loop3A_300 : memref<32768xf32, #tpu.memory_space<vmem>>[vector<16xi32>], vector<16xf32>,
    } {sc.loop_unroll_factor = 1 : i64, sc.parallel_access}
    %add3A_16 = arith.constant 0 : i32
    %add3A_17 = arith.addi %mul3A_2, %add3A_16 : i32
    %mul3A_18 = arith.constant 4 : i32
    %mul3A_19 = arith.muli %add3A_17, %mul3A_18 : i32
    %dma_start3A_20 = tpu.memref_slice %arg4[%mul3A_19] : memref<16777216xf32, #tpu.memory_space<hbm>> -> memref<32768xf32, #tpu.memory_space<hbm>>
    %dma_start3A_21 = tpu.memref_slice %arg4[%mul3A_19] : memref<16777216xf32, #tpu.memory_space<hbm>> -> memref<32768xf32, #tpu.memory_space<hbm>>
    tpu.enqueue_dma source(%arg8 : memref<32768xf32, #tpu.memory_space<vmem>>) target(%dma_start3A_21 : memref<32768xf32, #tpu.memory_space<hbm>>) target_semaphore(%arg13 : memref<!tpu.dma_semaphore, #tpu.memory_space<semaphore_mem>>)
    %add3A_22 = arith.constant 16384 : i32
    %add3A_23 = arith.addi %mul3A_2, %add3A_22 : i32
    %dma_start3A_24 = tpu.memref_slice %arg3[%add3A_23] : memref<4194304xi32, #tpu.memory_space<hbm>> -> memref<8192xi32, #tpu.memory_space<hbm>>
    %dma_start3A_25 = tpu.memref_slice %arg3[%add3A_23] : memref<4194304xi32, #tpu.memory_space<hbm>> -> memref<8192xi32, #tpu.memory_space<hbm>>
    tpu.enqueue_dma source(%dma_start3A_25 : memref<8192xi32, #tpu.memory_space<hbm>>) target(%arg6 : memref<8192xi32, #tpu.memory_space<vmem>>) target_semaphore(%arg11 : memref<!tpu.dma_semaphore, #tpu.memory_space<semaphore_mem>>)
    %dma_wait3A_26 = tpu.memref_slice %arg3[%add3A_10] : memref<4194304xi32, #tpu.memory_space<hbm>> -> memref<8192xi32, #tpu.memory_space<hbm>>
    %dma_wait3A_27 = tpu.memref_slice %arg3[%add3A_10] : memref<4194304xi32, #tpu.memory_space<hbm>> -> memref<8192xi32, #tpu.memory_space<hbm>>
    tpu.wait_dma2 semaphore(%arg12 : memref<!tpu.dma_semaphore, #tpu.memory_space<semaphore_mem>>) src(%dma_wait3A_27 : memref<8192xi32, #tpu.memory_space<hbm>>) dst(%arg7 : memref<8192xi32, #tpu.memory_space<vmem>>)
    %parallel_loop3A_28 = arith.constant 0 : i32
    %parallel_loop3A_29 = arith.constant 512 : i32
    %parallel_loop3A_30 = arith.constant 1 : i32
    scf.for %parallel_loop3A_275 = %parallel_loop3A_28 to %parallel_loop3A_29 step %parallel_loop3A_30  : i32 {
      %parallel_loop3A_276 = arith.constant 16 : i32
      %parallel_loop3A_277 = arith.muli %parallel_loop3A_275, %parallel_loop3A_276 : i32
      %parallel_loop3A_278 = arith.index_cast %parallel_loop3A_277 : i32 to index
      %parallel_loop3A_279 = tpu.vector_load %arg7[%parallel_loop3A_278] {strides = array<i32>} : memref<8192xi32, #tpu.memory_space<vmem>>, vector<16xi32>,
      %parallel_loop3A_280 = arith.constant 4 : i32
      %parallel_loop3A_281 = vector.broadcast %parallel_loop3A_280 : i32 to vector<16xi32>
      %parallel_loop3A_282 = arith.muli %parallel_loop3A_279, %parallel_loop3A_281 : vector<16xi32>
      %parallel_loop3A_283 = arith.constant 64 : i32
      %parallel_loop3A_284 = arith.muli %parallel_loop3A_275, %parallel_loop3A_283 : i32
      %parallel_loop3A_285 = arith.constant 0 : i32
      %parallel_loop3A_286 = vector.broadcast %parallel_loop3A_285 : i32 to vector<16xi32>
      %parallel_loop3A_287 = arith.addi %parallel_loop3A_282, %parallel_loop3A_286 : vector<16xi32>
      %parallel_loop3A_288 = tpu.vector_load_idx %arg5[%parallel_loop3A_287] : memref<1024xf32, #tpu.memory_space<vmem>>[vector<16xi32>], vector<16xf32>,
      %parallel_loop3A_289 = arith.constant 1 : i32
      %parallel_loop3A_290 = vector.broadcast %parallel_loop3A_289 : i32 to vector<16xi32>
      %parallel_loop3A_291 = arith.addi %parallel_loop3A_282, %parallel_loop3A_290 : vector<16xi32>
      %parallel_loop3A_292 = tpu.vector_load_idx %arg5[%parallel_loop3A_291] : memref<1024xf32, #tpu.memory_space<vmem>>[vector<16xi32>], vector<16xf32>,
      %parallel_loop3A_293 = arith.constant 2 : i32
      %parallel_loop3A_294 = vector.broadcast %parallel_loop3A_293 : i32 to vector<16xi32>
      %parallel_loop3A_295 = arith.addi %parallel_loop3A_282, %parallel_loop3A_294 : vector<16xi32>
      %parallel_loop3A_296 = tpu.vector_load_idx %arg5[%parallel_loop3A_295] : memref<1024xf32, #tpu.memory_space<vmem>>[vector<16xi32>], vector<16xf32>,
      %parallel_loop3A_297 = arith.constant 3 : i32
      %parallel_loop3A_298 = vector.broadcast %parallel_loop3A_297 : i32 to vector<16xi32>
      %parallel_loop3A_299 = arith.addi %parallel_loop3A_282, %parallel_loop3A_298 : vector<16xi32>
      %parallel_loop3A_300 = tpu.vector_load_idx %arg5[%parallel_loop3A_299] : memref<1024xf32, #tpu.memory_space<vmem>>[vector<16xi32>], vector<16xf32>,
      %parallel_loop3A_301 = arith.constant 0 : i32
      %parallel_loop3A_302 = arith.addi %parallel_loop3A_284, %parallel_loop3A_301 : i32
      %parallel_loop3A_303 = vector.broadcast %parallel_loop3A_302 : i32 to vector<16xi32>
      %parallel_loop3A_304 = arith.addi %mul3A_5, %parallel_loop3A_303 : vector<16xi32>
      tpu.vector_store_idx %arg9[%parallel_loop3A_304], %parallel_loop3A_288 : memref<32768xf32, #tpu.memory_space<vmem>>[vector<16xi32>], vector<16xf32>,
      %parallel_loop3A_305 = arith.constant 1 : i32
      %parallel_loop3A_306 = arith.addi %parallel_loop3A_284, %parallel_loop3A_305 : i32
      %parallel_loop3A_307 = vector.broadcast %parallel_loop3A_306 : i32 to vector<16xi32>
      %parallel_loop3A_308 = arith.addi %mul3A_5, %parallel_loop3A_307 : vector<16xi32>
      tpu.vector_store_idx %arg9[%parallel_loop3A_308], %parallel_loop3A_292 : memref<32768xf32, #tpu.memory_space<vmem>>[vector<16xi32>], vector<16xf32>,
      %parallel_loop3A_309 = arith.constant 2 : i32
      %parallel_loop3A_310 = arith.addi %parallel_loop3A_284, %parallel_loop3A_309 : i32
      %parallel_loop3A_311 = vector.broadcast %parallel_loop3A_310 : i32 to vector<16xi32>
      %parallel_loop3A_312 = arith.addi %mul3A_5, %parallel_loop3A_311 : vector<16xi32>
      tpu.vector_store_idx %arg9[%parallel_loop3A_312], %parallel_loop3A_296 : memref<32768xf32, #tpu.memory_space<vmem>>[vector<16xi32>], vector<16xf32>,
      %parallel_loop3A_313 = arith.constant 3 : i32
      %parallel_loop3A_314 = arith.addi %parallel_loop3A_284, %parallel_loop3A_313 : i32
      %parallel_loop3A_315 = vector.broadcast %parallel_loop3A_314 : i32 to vector<16xi32>
      %parallel_loop3A_316 = arith.addi %mul3A_5, %parallel_loop3A_315 : vector<16xi32>
      tpu.vector_store_idx %arg9[%parallel_loop3A_316], %parallel_loop3A_300 : memref<32768xf32, #tpu.memory_space<vmem>>[vector<16xi32>], vector<16xf32>,
    } {sc.loop_unroll_factor = 1 : i64, sc.parallel_access}
    %add3A_31 = arith.constant 8192 : i32
    %add3A_32 = arith.addi %mul3A_2, %add3A_31 : i32
    %mul3A_33 = arith.constant 4 : i32
    %mul3A_34 = arith.muli %add3A_32, %mul3A_33 : i32
    %dma_start3A_35 = tpu.memref_slice %arg4[%mul3A_34] : memref<16777216xf32, #tpu.memory_space<hbm>> -> memref<32768xf32, #tpu.memory_space<hbm>>
    %dma_start3A_36 = tpu.memref_slice %arg4[%mul3A_34] : memref<16777216xf32, #tpu.memory_space<hbm>> -> memref<32768xf32, #tpu.memory_space<hbm>>
    tpu.enqueue_dma source(%arg9 : memref<32768xf32, #tpu.memory_space<vmem>>) target(%dma_start3A_36 : memref<32768xf32, #tpu.memory_space<hbm>>) target_semaphore(%arg14 : memref<!tpu.dma_semaphore, #tpu.memory_space<semaphore_mem>>)
    %add3A_37 = arith.constant 24576 : i32
    %add3A_38 = arith.addi %mul3A_2, %add3A_37 : i32
    %dma_start3A_39 = tpu.memref_slice %arg3[%add3A_38] : memref<4194304xi32, #tpu.memory_space<hbm>> -> memref<8192xi32, #tpu.memory_space<hbm>>
    %dma_start3A_40 = tpu.memref_slice %arg3[%add3A_38] : memref<4194304xi32, #tpu.memory_space<hbm>> -> memref<8192xi32, #tpu.memory_space<hbm>>
    tpu.enqueue_dma source(%dma_start3A_40 : memref<8192xi32, #tpu.memory_space<hbm>>) target(%arg7 : memref<8192xi32, #tpu.memory_space<vmem>>) target_semaphore(%arg12 : memref<!tpu.dma_semaphore, #tpu.memory_space<semaphore_mem>>)
    %dma_wait3A_41 = tpu.memref_slice %arg3[%add3A_23] : memref<4194304xi32, #tpu.memory_space<hbm>> -> memref<8192xi32, #tpu.memory_space<hbm>>
    %dma_wait3A_42 = tpu.memref_slice %arg3[%add3A_23] : memref<4194304xi32, #tpu.memory_space<hbm>> -> memref<8192xi32, #tpu.memory_space<hbm>>
    tpu.wait_dma2 semaphore(%arg11 : memref<!tpu.dma_semaphore, #tpu.memory_space<semaphore_mem>>) src(%dma_wait3A_42 : memref<8192xi32, #tpu.memory_space<hbm>>) dst(%arg6 : memref<8192xi32, #tpu.memory_space<vmem>>)
    %dma_wait3A_43 = tpu.memref_slice %arg4[%mul3A_19] : memref<16777216xf32, #tpu.memory_space<hbm>> -> memref<32768xf32, #tpu.memory_space<hbm>>
    %dma_wait3A_44 = tpu.memref_slice %arg4[%mul3A_19] : memref<16777216xf32, #tpu.memory_space<hbm>> -> memref<32768xf32, #tpu.memory_space<hbm>>
    tpu.wait_dma2 semaphore(%arg13 : memref<!tpu.dma_semaphore, #tpu.memory_space<semaphore_mem>>) src(%arg8 : memref<32768xf32, #tpu.memory_space<vmem>>) dst(%dma_wait3A_44 : memref<32768xf32, #tpu.memory_space<hbm>>)
    %parallel_loop3A_45 = arith.constant 0 : i32
    %parallel_loop3A_46 = arith.constant 512 : i32
    %parallel_loop3A_47 = arith.constant 1 : i32
    scf.for %parallel_loop3A_275 = %parallel_loop3A_45 to %parallel_loop3A_46 step %parallel_loop3A_47  : i32 {
      %parallel_loop3A_276 = arith.constant 16 : i32
      %parallel_loop3A_277 = arith.muli %parallel_loop3A_275, %parallel_loop3A_276 : i32
      %parallel_loop3A_278 = arith.index_cast %parallel_loop3A_277 : i32 to index
      %parallel_loop3A_279 = tpu.vector_load %arg6[%parallel_loop3A_278] {strides = array<i32>} : memref<8192xi32, #tpu.memory_space<vmem>>, vector<16xi32>,
      %parallel_loop3A_280 = arith.constant 4 : i32
      %parallel_loop3A_281 = vector.broadcast %parallel_loop3A_280 : i32 to vector<16xi32>
      %parallel_loop3A_282 = arith.muli %parallel_loop3A_279, %parallel_loop3A_281 : vector<16xi32>
      %parallel_loop3A_283 = arith.constant 64 : i32
      %parallel_loop3A_284 = arith.muli %parallel_loop3A_275, %parallel_loop3A_283 : i32
      %parallel_loop3A_285 = arith.constant 0 : i32
      %parallel_loop3A_286 = vector.broadcast %parallel_loop3A_285 : i32 to vector<16xi32>
      %parallel_loop3A_287 = arith.addi %parallel_loop3A_282, %parallel_loop3A_286 : vector<16xi32>
      %parallel_loop3A_288 = tpu.vector_load_idx %arg5[%parallel_loop3A_287] : memref<1024xf32, #tpu.memory_space<vmem>>[vector<16xi32>], vector<16xf32>,
      %parallel_loop3A_289 = arith.constant 1 : i32
      %parallel_loop3A_290 = vector.broadcast %parallel_loop3A_289 : i32 to vector<16xi32>
      %parallel_loop3A_291 = arith.addi %parallel_loop3A_282, %parallel_loop3A_290 : vector<16xi32>
      %parallel_loop3A_292 = tpu.vector_load_idx %arg5[%parallel_loop3A_291] : memref<1024xf32, #tpu.memory_space<vmem>>[vector<16xi32>], vector<16xf32>,
      %parallel_loop3A_293 = arith.constant 2 : i32
      %parallel_loop3A_294 = vector.broadcast %parallel_loop3A_293 : i32 to vector<16xi32>
      %parallel_loop3A_295 = arith.addi %parallel_loop3A_282, %parallel_loop3A_294 : vector<16xi32>
      %parallel_loop3A_296 = tpu.vector_load_idx %arg5[%parallel_loop3A_295] : memref<1024xf32, #tpu.memory_space<vmem>>[vector<16xi32>], vector<16xf32>,
      %parallel_loop3A_297 = arith.constant 3 : i32
      %parallel_loop3A_298 = vector.broadcast %parallel_loop3A_297 : i32 to vector<16xi32>
      %parallel_loop3A_299 = arith.addi %parallel_loop3A_282, %parallel_loop3A_298 : vector<16xi32>
      %parallel_loop3A_300 = tpu.vector_load_idx %arg5[%parallel_loop3A_299] : memref<1024xf32, #tpu.memory_space<vmem>>[vector<16xi32>], vector<16xf32>,
      %parallel_loop3A_301 = arith.constant 0 : i32
      %parallel_loop3A_302 = arith.addi %parallel_loop3A_284, %parallel_loop3A_301 : i32
      %parallel_loop3A_303 = vector.broadcast %parallel_loop3A_302 : i32 to vector<16xi32>
      %parallel_loop3A_304 = arith.addi %mul3A_5, %parallel_loop3A_303 : vector<16xi32>
      tpu.vector_store_idx %arg8[%parallel_loop3A_304], %parallel_loop3A_288 : memref<32768xf32, #tpu.memory_space<vmem>>[vector<16xi32>], vector<16xf32>,
      %parallel_loop3A_305 = arith.constant 1 : i32
      %parallel_loop3A_306 = arith.addi %parallel_loop3A_284, %parallel_loop3A_305 : i32
      %parallel_loop3A_307 = vector.broadcast %parallel_loop3A_306 : i32 to vector<16xi32>
      %parallel_loop3A_308 = arith.addi %mul3A_5, %parallel_loop3A_307 : vector<16xi32>
      tpu.vector_store_idx %arg8[%parallel_loop3A_308], %parallel_loop3A_292 : memref<32768xf32, #tpu.memory_space<vmem>>[vector<16xi32>], vector<16xf32>,
      %parallel_loop3A_309 = arith.constant 2 : i32
      %parallel_loop3A_310 = arith.addi %parallel_loop3A_284, %parallel_loop3A_309 : i32
      %parallel_loop3A_311 = vector.broadcast %parallel_loop3A_310 : i32 to vector<16xi32>
      %parallel_loop3A_312 = arith.addi %mul3A_5, %parallel_loop3A_311 : vector<16xi32>
      tpu.vector_store_idx %arg8[%parallel_loop3A_312], %parallel_loop3A_296 : memref<32768xf32, #tpu.memory_space<vmem>>[vector<16xi32>], vector<16xf32>,
      %parallel_loop3A_313 = arith.constant 3 : i32
      %parallel_loop3A_314 = arith.addi %parallel_loop3A_284, %parallel_loop3A_313 : i32
      %parallel_loop3A_315 = vector.broadcast %parallel_loop3A_314 : i32 to vector<16xi32>
      %parallel_loop3A_316 = arith.addi %mul3A_5, %parallel_loop3A_315 : vector<16xi32>
      tpu.vector_store_idx %arg8[%parallel_loop3A_316], %parallel_loop3A_300 : memref<32768xf32, #tpu.memory_space<vmem>>[vector<16xi32>], vector<16xf32>,
    } {sc.loop_unroll_factor = 1 : i64, sc.parallel_access}
    %add3A_48 = arith.constant 16384 : i32
    %add3A_49 = arith.addi %mul3A_2, %add3A_48 : i32
    %mul3A_50 = arith.constant 4 : i32
    %mul3A_51 = arith.muli %add3A_49, %mul3A_50 : i32
    %dma_start3A_52 = tpu.memref_slice %arg4[%mul3A_51] : memref<16777216xf32, #tpu.memory_space<hbm>> -> memref<32768xf32, #tpu.memory_space<hbm>>
    %dma_start3A_53 = tpu.memref_slice %arg4[%mul3A_51] : memref<16777216xf32, #tpu.memory_space<hbm>> -> memref<32768xf32, #tpu.memory_space<hbm>>
    tpu.enqueue_dma source(%arg8 : memref<32768xf32, #tpu.memory_space<vmem>>) target(%dma_start3A_53 : memref<32768xf32, #tpu.memory_space<hbm>>) target_semaphore(%arg13 : memref<!tpu.dma_semaphore, #tpu.memory_space<semaphore_mem>>)
    %add3A_54 = arith.constant 32768 : i32
    %add3A_55 = arith.addi %mul3A_2, %add3A_54 : i32
    %dma_start3A_56 = tpu.memref_slice %arg3[%add3A_55] : memref<4194304xi32, #tpu.memory_space<hbm>> -> memref<8192xi32, #tpu.memory_space<hbm>>
    %dma_start3A_57 = tpu.memref_slice %arg3[%add3A_55] : memref<4194304xi32, #tpu.memory_space<hbm>> -> memref<8192xi32, #tpu.memory_space<hbm>>
    tpu.enqueue_dma source(%dma_start3A_57 : memref<8192xi32, #tpu.memory_space<hbm>>) target(%arg6 : memref<8192xi32, #tpu.memory_space<vmem>>) target_semaphore(%arg11 : memref<!tpu.dma_semaphore, #tpu.memory_space<semaphore_mem>>)
    %dma_wait3A_58 = tpu.memref_slice %arg3[%add3A_38] : memref<4194304xi32, #tpu.memory_space<hbm>> -> memref<8192xi32, #tpu.memory_space<hbm>>
    %dma_wait3A_59 = tpu.memref_slice %arg3[%add3A_38] : memref<4194304xi32, #tpu.memory_space<hbm>> -> memref<8192xi32, #tpu.memory_space<hbm>>
    tpu.wait_dma2 semaphore(%arg12 : memref<!tpu.dma_semaphore, #tpu.memory_space<semaphore_mem>>) src(%dma_wait3A_59 : memref<8192xi32, #tpu.memory_space<hbm>>) dst(%arg7 : memref<8192xi32, #tpu.memory_space<vmem>>)
    %dma_wait3A_60 = tpu.memref_slice %arg4[%mul3A_34] : memref<16777216xf32, #tpu.memory_space<hbm>> -> memref<32768xf32, #tpu.memory_space<hbm>>
    %dma_wait3A_61 = tpu.memref_slice %arg4[%mul3A_34] : memref<16777216xf32, #tpu.memory_space<hbm>> -> memref<32768xf32, #tpu.memory_space<hbm>>
    tpu.wait_dma2 semaphore(%arg14 : memref<!tpu.dma_semaphore, #tpu.memory_space<semaphore_mem>>) src(%arg9 : memref<32768xf32, #tpu.memory_space<vmem>>) dst(%dma_wait3A_61 : memref<32768xf32, #tpu.memory_space<hbm>>)
    %parallel_loop3A_62 = arith.constant 0 : i32
    %parallel_loop3A_63 = arith.constant 512 : i32
    %parallel_loop3A_64 = arith.constant 1 : i32
    scf.for %parallel_loop3A_275 = %parallel_loop3A_62 to %parallel_loop3A_63 step %parallel_loop3A_64  : i32 {
      %parallel_loop3A_276 = arith.constant 16 : i32
      %parallel_loop3A_277 = arith.muli %parallel_loop3A_275, %parallel_loop3A_276 : i32
      %parallel_loop3A_278 = arith.index_cast %parallel_loop3A_277 : i32 to index
      %parallel_loop3A_279 = tpu.vector_load %arg7[%parallel_loop3A_278] {strides = array<i32>} : memref<8192xi32, #tpu.memory_space<vmem>>, vector<16xi32>,
      %parallel_loop3A_280 = arith.constant 4 : i32
      %parallel_loop3A_281 = vector.broadcast %parallel_loop3A_280 : i32 to vector<16xi32>
      %parallel_loop3A_282 = arith.muli %parallel_loop3A_279, %parallel_loop3A_281 : vector<16xi32>
      %parallel_loop3A_283 = arith.constant 64 : i32
      %parallel_loop3A_284 = arith.muli %parallel_loop3A_275, %parallel_loop3A_283 : i32
      %parallel_loop3A_285 = arith.constant 0 : i32
      %parallel_loop3A_286 = vector.broadcast %parallel_loop3A_285 : i32 to vector<16xi32>
      %parallel_loop3A_287 = arith.addi %parallel_loop3A_282, %parallel_loop3A_286 : vector<16xi32>
      %parallel_loop3A_288 = tpu.vector_load_idx %arg5[%parallel_loop3A_287] : memref<1024xf32, #tpu.memory_space<vmem>>[vector<16xi32>], vector<16xf32>,
      %parallel_loop3A_289 = arith.constant 1 : i32
      %parallel_loop3A_290 = vector.broadcast %parallel_loop3A_289 : i32 to vector<16xi32>
      %parallel_loop3A_291 = arith.addi %parallel_loop3A_282, %parallel_loop3A_290 : vector<16xi32>
      %parallel_loop3A_292 = tpu.vector_load_idx %arg5[%parallel_loop3A_291] : memref<1024xf32, #tpu.memory_space<vmem>>[vector<16xi32>], vector<16xf32>,
      %parallel_loop3A_293 = arith.constant 2 : i32
      %parallel_loop3A_294 = vector.broadcast %parallel_loop3A_293 : i32 to vector<16xi32>
      %parallel_loop3A_295 = arith.addi %parallel_loop3A_282, %parallel_loop3A_294 : vector<16xi32>
      %parallel_loop3A_296 = tpu.vector_load_idx %arg5[%parallel_loop3A_295] : memref<1024xf32, #tpu.memory_space<vmem>>[vector<16xi32>], vector<16xf32>,
      %parallel_loop3A_297 = arith.constant 3 : i32
      %parallel_loop3A_298 = vector.broadcast %parallel_loop3A_297 : i32 to vector<16xi32>
      %parallel_loop3A_299 = arith.addi %parallel_loop3A_282, %parallel_loop3A_298 : vector<16xi32>
      %parallel_loop3A_300 = tpu.vector_load_idx %arg5[%parallel_loop3A_299] : memref<1024xf32, #tpu.memory_space<vmem>>[vector<16xi32>], vector<16xf32>,
      %parallel_loop3A_301 = arith.constant 0 : i32
      %parallel_loop3A_302 = arith.addi %parallel_loop3A_284, %parallel_loop3A_301 : i32
      %parallel_loop3A_303 = vector.broadcast %parallel_loop3A_302 : i32 to vector<16xi32>
      %parallel_loop3A_304 = arith.addi %mul3A_5, %parallel_loop3A_303 : vector<16xi32>
      tpu.vector_store_idx %arg9[%parallel_loop3A_304], %parallel_loop3A_288 : memref<32768xf32, #tpu.memory_space<vmem>>[vector<16xi32>], vector<16xf32>,
      %parallel_loop3A_305 = arith.constant 1 : i32
      %parallel_loop3A_306 = arith.addi %parallel_loop3A_284, %parallel_loop3A_305 : i32
      %parallel_loop3A_307 = vector.broadcast %parallel_loop3A_306 : i32 to vector<16xi32>
      %parallel_loop3A_308 = arith.addi %mul3A_5, %parallel_loop3A_307 : vector<16xi32>
      tpu.vector_store_idx %arg9[%parallel_loop3A_308], %parallel_loop3A_292 : memref<32768xf32, #tpu.memory_space<vmem>>[vector<16xi32>], vector<16xf32>,
      %parallel_loop3A_309 = arith.constant 2 : i32
      %parallel_loop3A_310 = arith.addi %parallel_loop3A_284, %parallel_loop3A_309 : i32
      %parallel_loop3A_311 = vector.broadcast %parallel_loop3A_310 : i32 to vector<16xi32>
      %parallel_loop3A_312 = arith.addi %mul3A_5, %parallel_loop3A_311 : vector<16xi32>
      tpu.vector_store_idx %arg9[%parallel_loop3A_312], %parallel_loop3A_296 : memref<32768xf32, #tpu.memory_space<vmem>>[vector<16xi32>], vector<16xf32>,
      %parallel_loop3A_313 = arith.constant 3 : i32
      %parallel_loop3A_314 = arith.addi %parallel_loop3A_284, %parallel_loop3A_313 : i32
      %parallel_loop3A_315 = vector.broadcast %parallel_loop3A_314 : i32 to vector<16xi32>
      %parallel_loop3A_316 = arith.addi %mul3A_5, %parallel_loop3A_315 : vector<16xi32>
      tpu.vector_store_idx %arg9[%parallel_loop3A_316], %parallel_loop3A_300 : memref<32768xf32, #tpu.memory_space<vmem>>[vector<16xi32>], vector<16xf32>,
    } {sc.loop_unroll_factor = 1 : i64, sc.parallel_access}
    %add3A_65 = arith.constant 24576 : i32
    %add3A_66 = arith.addi %mul3A_2, %add3A_65 : i32
    %mul3A_67 = arith.constant 4 : i32
    %mul3A_68 = arith.muli %add3A_66, %mul3A_67 : i32
    %dma_start3A_69 = tpu.memref_slice %arg4[%mul3A_68] : memref<16777216xf32, #tpu.memory_space<hbm>> -> memref<32768xf32, #tpu.memory_space<hbm>>
    %dma_start3A_70 = tpu.memref_slice %arg4[%mul3A_68] : memref<16777216xf32, #tpu.memory_space<hbm>> -> memref<32768xf32, #tpu.memory_space<hbm>>
    tpu.enqueue_dma source(%arg9 : memref<32768xf32, #tpu.memory_space<vmem>>) target(%dma_start3A_70 : memref<32768xf32, #tpu.memory_space<hbm>>) target_semaphore(%arg14 : memref<!tpu.dma_semaphore, #tpu.memory_space<semaphore_mem>>)
    %add3A_71 = arith.constant 40960 : i32
    %add3A_72 = arith.addi %mul3A_2, %add3A_71 : i32
    %dma_start3A_73 = tpu.memref_slice %arg3[%add3A_72] : memref<4194304xi32, #tpu.memory_space<hbm>> -> memref<8192xi32, #tpu.memory_space<hbm>>
    %dma_start3A_74 = tpu.memref_slice %arg3[%add3A_72] : memref<4194304xi32, #tpu.memory_space<hbm>> -> memref<8192xi32, #tpu.memory_space<hbm>>
    tpu.enqueue_dma source(%dma_start3A_74 : memref<8192xi32, #tpu.memory_space<hbm>>) target(%arg7 : memref<8192xi32, #tpu.memory_space<vmem>>) target_semaphore(%arg12 : memref<!tpu.dma_semaphore, #tpu.memory_space<semaphore_mem>>)
    %dma_wait3A_75 = tpu.memref_slice %arg3[%add3A_55] : memref<4194304xi32, #tpu.memory_space<hbm>> -> memref<8192xi32, #tpu.memory_space<hbm>>
    %dma_wait3A_76 = tpu.memref_slice %arg3[%add3A_55] : memref<4194304xi32, #tpu.memory_space<hbm>> -> memref<8192xi32, #tpu.memory_space<hbm>>
    tpu.wait_dma2 semaphore(%arg11 : memref<!tpu.dma_semaphore, #tpu.memory_space<semaphore_mem>>) src(%dma_wait3A_76 : memref<8192xi32, #tpu.memory_space<hbm>>) dst(%arg6 : memref<8192xi32, #tpu.memory_space<vmem>>)
    %dma_wait3A_77 = tpu.memref_slice %arg4[%mul3A_51] : memref<16777216xf32, #tpu.memory_space<hbm>> -> memref<32768xf32, #tpu.memory_space<hbm>>
    %dma_wait3A_78 = tpu.memref_slice %arg4[%mul3A_51] : memref<16777216xf32, #tpu.memory_space<hbm>> -> memref<32768xf32, #tpu.memory_space<hbm>>
    tpu.wait_dma2 semaphore(%arg13 : memref<!tpu.dma_semaphore, #tpu.memory_space<semaphore_mem>>) src(%arg8 : memref<32768xf32, #tpu.memory_space<vmem>>) dst(%dma_wait3A_78 : memref<32768xf32, #tpu.memory_space<hbm>>)
    %parallel_loop3A_79 = arith.constant 0 : i32
    %parallel_loop3A_80 = arith.constant 512 : i32
    %parallel_loop3A_81 = arith.constant 1 : i32
    scf.for %parallel_loop3A_275 = %parallel_loop3A_79 to %parallel_loop3A_80 step %parallel_loop3A_81  : i32 {
      %parallel_loop3A_276 = arith.constant 16 : i32
      %parallel_loop3A_277 = arith.muli %parallel_loop3A_275, %parallel_loop3A_276 : i32
      %parallel_loop3A_278 = arith.index_cast %parallel_loop3A_277 : i32 to index
      %parallel_loop3A_279 = tpu.vector_load %arg6[%parallel_loop3A_278] {strides = array<i32>} : memref<8192xi32, #tpu.memory_space<vmem>>, vector<16xi32>,
      %parallel_loop3A_280 = arith.constant 4 : i32
      %parallel_loop3A_281 = vector.broadcast %parallel_loop3A_280 : i32 to vector<16xi32>
      %parallel_loop3A_282 = arith.muli %parallel_loop3A_279, %parallel_loop3A_281 : vector<16xi32>
      %parallel_loop3A_283 = arith.constant 64 : i32
      %parallel_loop3A_284 = arith.muli %parallel_loop3A_275, %parallel_loop3A_283 : i32
      %parallel_loop3A_285 = arith.constant 0 : i32
      %parallel_loop3A_286 = vector.broadcast %parallel_loop3A_285 : i32 to vector<16xi32>
      %parallel_loop3A_287 = arith.addi %parallel_loop3A_282, %parallel_loop3A_286 : vector<16xi32>
      %parallel_loop3A_288 = tpu.vector_load_idx %arg5[%parallel_loop3A_287] : memref<1024xf32, #tpu.memory_space<vmem>>[vector<16xi32>], vector<16xf32>,
      %parallel_loop3A_289 = arith.constant 1 : i32
      %parallel_loop3A_290 = vector.broadcast %parallel_loop3A_289 : i32 to vector<16xi32>
      %parallel_loop3A_291 = arith.addi %parallel_loop3A_282, %parallel_loop3A_290 : vector<16xi32>
      %parallel_loop3A_292 = tpu.vector_load_idx %arg5[%parallel_loop3A_291] : memref<1024xf32, #tpu.memory_space<vmem>>[vector<16xi32>], vector<16xf32>,
      %parallel_loop3A_293 = arith.constant 2 : i32
      %parallel_loop3A_294 = vector.broadcast %parallel_loop3A_293 : i32 to vector<16xi32>
      %parallel_loop3A_295 = arith.addi %parallel_loop3A_282, %parallel_loop3A_294 : vector<16xi32>
      %parallel_loop3A_296 = tpu.vector_load_idx %arg5[%parallel_loop3A_295] : memref<1024xf32, #tpu.memory_space<vmem>>[vector<16xi32>], vector<16xf32>,
      %parallel_loop3A_297 = arith.constant 3 : i32
      %parallel_loop3A_298 = vector.broadcast %parallel_loop3A_297 : i32 to vector<16xi32>
      %parallel_loop3A_299 = arith.addi %parallel_loop3A_282, %parallel_loop3A_298 : vector<16xi32>
      %parallel_loop3A_300 = tpu.vector_load_idx %arg5[%parallel_loop3A_299] : memref<1024xf32, #tpu.memory_space<vmem>>[vector<16xi32>], vector<16xf32>,
      %parallel_loop3A_301 = arith.constant 0 : i32
      %parallel_loop3A_302 = arith.addi %parallel_loop3A_284, %parallel_loop3A_301 : i32
      %parallel_loop3A_303 = vector.broadcast %parallel_loop3A_302 : i32 to vector<16xi32>
      %parallel_loop3A_304 = arith.addi %mul3A_5, %parallel_loop3A_303 : vector<16xi32>
      tpu.vector_store_idx %arg8[%parallel_loop3A_304], %parallel_loop3A_288 : memref<32768xf32, #tpu.memory_space<vmem>>[vector<16xi32>], vector<16xf32>,
      %parallel_loop3A_305 = arith.constant 1 : i32
      %parallel_loop3A_306 = arith.addi %parallel_loop3A_284, %parallel_loop3A_305 : i32
      %parallel_loop3A_307 = vector.broadcast %parallel_loop3A_306 : i32 to vector<16xi32>
      %parallel_loop3A_308 = arith.addi %mul3A_5, %parallel_loop3A_307 : vector<16xi32>
      tpu.vector_store_idx %arg8[%parallel_loop3A_308], %parallel_loop3A_292 : memref<32768xf32, #tpu.memory_space<vmem>>[vector<16xi32>], vector<16xf32>,
      %parallel_loop3A_309 = arith.constant 2 : i32
      %parallel_loop3A_310 = arith.addi %parallel_loop3A_284, %parallel_loop3A_309 : i32
      %parallel_loop3A_311 = vector.broadcast %parallel_loop3A_310 : i32 to vector<16xi32>
      %parallel_loop3A_312 = arith.addi %mul3A_5, %parallel_loop3A_311 : vector<16xi32>
      tpu.vector_store_idx %arg8[%parallel_loop3A_312], %parallel_loop3A_296 : memref<32768xf32, #tpu.memory_space<vmem>>[vector<16xi32>], vector<16xf32>,
      %parallel_loop3A_313 = arith.constant 3 : i32
      %parallel_loop3A_314 = arith.addi %parallel_loop3A_284, %parallel_loop3A_313 : i32
      %parallel_loop3A_315 = vector.broadcast %parallel_loop3A_314 : i32 to vector<16xi32>
      %parallel_loop3A_316 = arith.addi %mul3A_5, %parallel_loop3A_315 : vector<16xi32>
      tpu.vector_store_idx %arg8[%parallel_loop3A_316], %parallel_loop3A_300 : memref<32768xf32, #tpu.memory_space<vmem>>[vector<16xi32>], vector<16xf32>,
    } {sc.loop_unroll_factor = 1 : i64, sc.parallel_access}
    %add3A_82 = arith.constant 32768 : i32
    %add3A_83 = arith.addi %mul3A_2, %add3A_82 : i32
    %mul3A_84 = arith.constant 4 : i32
    %mul3A_85 = arith.muli %add3A_83, %mul3A_84 : i32
    %dma_start3A_86 = tpu.memref_slice %arg4[%mul3A_85] : memref<16777216xf32, #tpu.memory_space<hbm>> -> memref<32768xf32, #tpu.memory_space<hbm>>
    %dma_start3A_87 = tpu.memref_slice %arg4[%mul3A_85] : memref<16777216xf32, #tpu.memory_space<hbm>> -> memref<32768xf32, #tpu.memory_space<hbm>>
    tpu.enqueue_dma source(%arg8 : memref<32768xf32, #tpu.memory_space<vmem>>) target(%dma_start3A_87 : memref<32768xf32, #tpu.memory_space<hbm>>) target_semaphore(%arg13 : memref<!tpu.dma_semaphore, #tpu.memory_space<semaphore_mem>>)
    %add3A_88 = arith.constant 49152 : i32
    %add3A_89 = arith.addi %mul3A_2, %add3A_88 : i32
    %dma_start3A_90 = tpu.memref_slice %arg3[%add3A_89] : memref<4194304xi32, #tpu.memory_space<hbm>> -> memref<8192xi32, #tpu.memory_space<hbm>>
    %dma_start3A_91 = tpu.memref_slice %arg3[%add3A_89] : memref<4194304xi32, #tpu.memory_space<hbm>> -> memref<8192xi32, #tpu.memory_space<hbm>>
    tpu.enqueue_dma source(%dma_start3A_91 : memref<8192xi32, #tpu.memory_space<hbm>>) target(%arg6 : memref<8192xi32, #tpu.memory_space<vmem>>) target_semaphore(%arg11 : memref<!tpu.dma_semaphore, #tpu.memory_space<semaphore_mem>>)
    %dma_wait3A_92 = tpu.memref_slice %arg3[%add3A_72] : memref<4194304xi32, #tpu.memory_space<hbm>> -> memref<8192xi32, #tpu.memory_space<hbm>>
    %dma_wait3A_93 = tpu.memref_slice %arg3[%add3A_72] : memref<4194304xi32, #tpu.memory_space<hbm>> -> memref<8192xi32, #tpu.memory_space<hbm>>
    tpu.wait_dma2 semaphore(%arg12 : memref<!tpu.dma_semaphore, #tpu.memory_space<semaphore_mem>>) src(%dma_wait3A_93 : memref<8192xi32, #tpu.memory_space<hbm>>) dst(%arg7 : memref<8192xi32, #tpu.memory_space<vmem>>)
    %dma_wait3A_94 = tpu.memref_slice %arg4[%mul3A_68] : memref<16777216xf32, #tpu.memory_space<hbm>> -> memref<32768xf32, #tpu.memory_space<hbm>>
    %dma_wait3A_95 = tpu.memref_slice %arg4[%mul3A_68] : memref<16777216xf32, #tpu.memory_space<hbm>> -> memref<32768xf32, #tpu.memory_space<hbm>>
    tpu.wait_dma2 semaphore(%arg14 : memref<!tpu.dma_semaphore, #tpu.memory_space<semaphore_mem>>) src(%arg9 : memref<32768xf32, #tpu.memory_space<vmem>>) dst(%dma_wait3A_95 : memref<32768xf32, #tpu.memory_space<hbm>>)
    %parallel_loop3A_96 = arith.constant 0 : i32
    %parallel_loop3A_97 = arith.constant 512 : i32
    %parallel_loop3A_98 = arith.constant 1 : i32
    scf.for %parallel_loop3A_275 = %parallel_loop3A_96 to %parallel_loop3A_97 step %parallel_loop3A_98  : i32 {
      %parallel_loop3A_276 = arith.constant 16 : i32
      %parallel_loop3A_277 = arith.muli %parallel_loop3A_275, %parallel_loop3A_276 : i32
      %parallel_loop3A_278 = arith.index_cast %parallel_loop3A_277 : i32 to index
      %parallel_loop3A_279 = tpu.vector_load %arg7[%parallel_loop3A_278] {strides = array<i32>} : memref<8192xi32, #tpu.memory_space<vmem>>, vector<16xi32>,
      %parallel_loop3A_280 = arith.constant 4 : i32
      %parallel_loop3A_281 = vector.broadcast %parallel_loop3A_280 : i32 to vector<16xi32>
      %parallel_loop3A_282 = arith.muli %parallel_loop3A_279, %parallel_loop3A_281 : vector<16xi32>
      %parallel_loop3A_283 = arith.constant 64 : i32
      %parallel_loop3A_284 = arith.muli %parallel_loop3A_275, %parallel_loop3A_283 : i32
      %parallel_loop3A_285 = arith.constant 0 : i32
      %parallel_loop3A_286 = vector.broadcast %parallel_loop3A_285 : i32 to vector<16xi32>
      %parallel_loop3A_287 = arith.addi %parallel_loop3A_282, %parallel_loop3A_286 : vector<16xi32>
      %parallel_loop3A_288 = tpu.vector_load_idx %arg5[%parallel_loop3A_287] : memref<1024xf32, #tpu.memory_space<vmem>>[vector<16xi32>], vector<16xf32>,
      %parallel_loop3A_289 = arith.constant 1 : i32
      %parallel_loop3A_290 = vector.broadcast %parallel_loop3A_289 : i32 to vector<16xi32>
      %parallel_loop3A_291 = arith.addi %parallel_loop3A_282, %parallel_loop3A_290 : vector<16xi32>
      %parallel_loop3A_292 = tpu.vector_load_idx %arg5[%parallel_loop3A_291] : memref<1024xf32, #tpu.memory_space<vmem>>[vector<16xi32>], vector<16xf32>,
      %parallel_loop3A_293 = arith.constant 2 : i32
      %parallel_loop3A_294 = vector.broadcast %parallel_loop3A_293 : i32 to vector<16xi32>
      %parallel_loop3A_295 = arith.addi %parallel_loop3A_282, %parallel_loop3A_294 : vector<16xi32>
      %parallel_loop3A_296 = tpu.vector_load_idx %arg5[%parallel_loop3A_295] : memref<1024xf32, #tpu.memory_space<vmem>>[vector<16xi32>], vector<16xf32>,
      %parallel_loop3A_297 = arith.constant 3 : i32
      %parallel_loop3A_298 = vector.broadcast %parallel_loop3A_297 : i32 to vector<16xi32>
      %parallel_loop3A_299 = arith.addi %parallel_loop3A_282, %parallel_loop3A_298 : vector<16xi32>
      %parallel_loop3A_300 = tpu.vector_load_idx %arg5[%parallel_loop3A_299] : memref<1024xf32, #tpu.memory_space<vmem>>[vector<16xi32>], vector<16xf32>,
      %parallel_loop3A_301 = arith.constant 0 : i32
      %parallel_loop3A_302 = arith.addi %parallel_loop3A_284, %parallel_loop3A_301 : i32
      %parallel_loop3A_303 = vector.broadcast %parallel_loop3A_302 : i32 to vector<16xi32>
      %parallel_loop3A_304 = arith.addi %mul3A_5, %parallel_loop3A_303 : vector<16xi32>
      tpu.vector_store_idx %arg9[%parallel_loop3A_304], %parallel_loop3A_288 : memref<32768xf32, #tpu.memory_space<vmem>>[vector<16xi32>], vector<16xf32>,
      %parallel_loop3A_305 = arith.constant 1 : i32
      %parallel_loop3A_306 = arith.addi %parallel_loop3A_284, %parallel_loop3A_305 : i32
      %parallel_loop3A_307 = vector.broadcast %parallel_loop3A_306 : i32 to vector<16xi32>
      %parallel_loop3A_308 = arith.addi %mul3A_5, %parallel_loop3A_307 : vector<16xi32>
      tpu.vector_store_idx %arg9[%parallel_loop3A_308], %parallel_loop3A_292 : memref<32768xf32, #tpu.memory_space<vmem>>[vector<16xi32>], vector<16xf32>,
      %parallel_loop3A_309 = arith.constant 2 : i32
      %parallel_loop3A_310 = arith.addi %parallel_loop3A_284, %parallel_loop3A_309 : i32
      %parallel_loop3A_311 = vector.broadcast %parallel_loop3A_310 : i32 to vector<16xi32>
      %parallel_loop3A_312 = arith.addi %mul3A_5, %parallel_loop3A_311 : vector<16xi32>
      tpu.vector_store_idx %arg9[%parallel_loop3A_312], %parallel_loop3A_296 : memref<32768xf32, #tpu.memory_space<vmem>>[vector<16xi32>], vector<16xf32>,
      %parallel_loop3A_313 = arith.constant 3 : i32
      %parallel_loop3A_314 = arith.addi %parallel_loop3A_284, %parallel_loop3A_313 : i32
      %parallel_loop3A_315 = vector.broadcast %parallel_loop3A_314 : i32 to vector<16xi32>
      %parallel_loop3A_316 = arith.addi %mul3A_5, %parallel_loop3A_315 : vector<16xi32>
      tpu.vector_store_idx %arg9[%parallel_loop3A_316], %parallel_loop3A_300 : memref<32768xf32, #tpu.memory_space<vmem>>[vector<16xi32>], vector<16xf32>,
    } {sc.loop_unroll_factor = 1 : i64, sc.parallel_access}
    %add3A_99 = arith.constant 40960 : i32
    %add3A_100 = arith.addi %mul3A_2, %add3A_99 : i32
    %mul3A_101 = arith.constant 4 : i32
    %mul3A_102 = arith.muli %add3A_100, %mul3A_101 : i32
    %dma_start3A_103 = tpu.memref_slice %arg4[%mul3A_102] : memref<16777216xf32, #tpu.memory_space<hbm>> -> memref<32768xf32, #tpu.memory_space<hbm>>
    %dma_start3A_104 = tpu.memref_slice %arg4[%mul3A_102] : memref<16777216xf32, #tpu.memory_space<hbm>> -> memref<32768xf32, #tpu.memory_space<hbm>>
    tpu.enqueue_dma source(%arg9 : memref<32768xf32, #tpu.memory_space<vmem>>) target(%dma_start3A_104 : memref<32768xf32, #tpu.memory_space<hbm>>) target_semaphore(%arg14 : memref<!tpu.dma_semaphore, #tpu.memory_space<semaphore_mem>>)
    %add3A_105 = arith.constant 57344 : i32
    %add3A_106 = arith.addi %mul3A_2, %add3A_105 : i32
    %dma_start3A_107 = tpu.memref_slice %arg3[%add3A_106] : memref<4194304xi32, #tpu.memory_space<hbm>> -> memref<8192xi32, #tpu.memory_space<hbm>>
    %dma_start3A_108 = tpu.memref_slice %arg3[%add3A_106] : memref<4194304xi32, #tpu.memory_space<hbm>> -> memref<8192xi32, #tpu.memory_space<hbm>>
    tpu.enqueue_dma source(%dma_start3A_108 : memref<8192xi32, #tpu.memory_space<hbm>>) target(%arg7 : memref<8192xi32, #tpu.memory_space<vmem>>) target_semaphore(%arg12 : memref<!tpu.dma_semaphore, #tpu.memory_space<semaphore_mem>>)
    %dma_wait3A_109 = tpu.memref_slice %arg3[%add3A_89] : memref<4194304xi32, #tpu.memory_space<hbm>> -> memref<8192xi32, #tpu.memory_space<hbm>>
    %dma_wait3A_110 = tpu.memref_slice %arg3[%add3A_89] : memref<4194304xi32, #tpu.memory_space<hbm>> -> memref<8192xi32, #tpu.memory_space<hbm>>
    tpu.wait_dma2 semaphore(%arg11 : memref<!tpu.dma_semaphore, #tpu.memory_space<semaphore_mem>>) src(%dma_wait3A_110 : memref<8192xi32, #tpu.memory_space<hbm>>) dst(%arg6 : memref<8192xi32, #tpu.memory_space<vmem>>)
    %dma_wait3A_111 = tpu.memref_slice %arg4[%mul3A_85] : memref<16777216xf32, #tpu.memory_space<hbm>> -> memref<32768xf32, #tpu.memory_space<hbm>>
    %dma_wait3A_112 = tpu.memref_slice %arg4[%mul3A_85] : memref<16777216xf32, #tpu.memory_space<hbm>> -> memref<32768xf32, #tpu.memory_space<hbm>>
    tpu.wait_dma2 semaphore(%arg13 : memref<!tpu.dma_semaphore, #tpu.memory_space<semaphore_mem>>) src(%arg8 : memref<32768xf32, #tpu.memory_space<vmem>>) dst(%dma_wait3A_112 : memref<32768xf32, #tpu.memory_space<hbm>>)
    %parallel_loop3A_113 = arith.constant 0 : i32
    %parallel_loop3A_114 = arith.constant 512 : i32
    %parallel_loop3A_115 = arith.constant 1 : i32
    scf.for %parallel_loop3A_275 = %parallel_loop3A_113 to %parallel_loop3A_114 step %parallel_loop3A_115  : i32 {
      %parallel_loop3A_276 = arith.constant 16 : i32
      %parallel_loop3A_277 = arith.muli %parallel_loop3A_275, %parallel_loop3A_276 : i32
      %parallel_loop3A_278 = arith.index_cast %parallel_loop3A_277 : i32 to index
      %parallel_loop3A_279 = tpu.vector_load %arg6[%parallel_loop3A_278] {strides = array<i32>} : memref<8192xi32, #tpu.memory_space<vmem>>, vector<16xi32>,
      %parallel_loop3A_280 = arith.constant 4 : i32
      %parallel_loop3A_281 = vector.broadcast %parallel_loop3A_280 : i32 to vector<16xi32>
      %parallel_loop3A_282 = arith.muli %parallel_loop3A_279, %parallel_loop3A_281 : vector<16xi32>
      %parallel_loop3A_283 = arith.constant 64 : i32
      %parallel_loop3A_284 = arith.muli %parallel_loop3A_275, %parallel_loop3A_283 : i32
      %parallel_loop3A_285 = arith.constant 0 : i32
      %parallel_loop3A_286 = vector.broadcast %parallel_loop3A_285 : i32 to vector<16xi32>
      %parallel_loop3A_287 = arith.addi %parallel_loop3A_282, %parallel_loop3A_286 : vector<16xi32>
      %parallel_loop3A_288 = tpu.vector_load_idx %arg5[%parallel_loop3A_287] : memref<1024xf32, #tpu.memory_space<vmem>>[vector<16xi32>], vector<16xf32>,
      %parallel_loop3A_289 = arith.constant 1 : i32
      %parallel_loop3A_290 = vector.broadcast %parallel_loop3A_289 : i32 to vector<16xi32>
      %parallel_loop3A_291 = arith.addi %parallel_loop3A_282, %parallel_loop3A_290 : vector<16xi32>
      %parallel_loop3A_292 = tpu.vector_load_idx %arg5[%parallel_loop3A_291] : memref<1024xf32, #tpu.memory_space<vmem>>[vector<16xi32>], vector<16xf32>,
      %parallel_loop3A_293 = arith.constant 2 : i32
      %parallel_loop3A_294 = vector.broadcast %parallel_loop3A_293 : i32 to vector<16xi32>
      %parallel_loop3A_295 = arith.addi %parallel_loop3A_282, %parallel_loop3A_294 : vector<16xi32>
      %parallel_loop3A_296 = tpu.vector_load_idx %arg5[%parallel_loop3A_295] : memref<1024xf32, #tpu.memory_space<vmem>>[vector<16xi32>], vector<16xf32>,
      %parallel_loop3A_297 = arith.constant 3 : i32
      %parallel_loop3A_298 = vector.broadcast %parallel_loop3A_297 : i32 to vector<16xi32>
      %parallel_loop3A_299 = arith.addi %parallel_loop3A_282, %parallel_loop3A_298 : vector<16xi32>
      %parallel_loop3A_300 = tpu.vector_load_idx %arg5[%parallel_loop3A_299] : memref<1024xf32, #tpu.memory_space<vmem>>[vector<16xi32>], vector<16xf32>,
      %parallel_loop3A_301 = arith.constant 0 : i32
      %parallel_loop3A_302 = arith.addi %parallel_loop3A_284, %parallel_loop3A_301 : i32
      %parallel_loop3A_303 = vector.broadcast %parallel_loop3A_302 : i32 to vector<16xi32>
      %parallel_loop3A_304 = arith.addi %mul3A_5, %parallel_loop3A_303 : vector<16xi32>
      tpu.vector_store_idx %arg8[%parallel_loop3A_304], %parallel_loop3A_288 : memref<32768xf32, #tpu.memory_space<vmem>>[vector<16xi32>], vector<16xf32>,
      %parallel_loop3A_305 = arith.constant 1 : i32
      %parallel_loop3A_306 = arith.addi %parallel_loop3A_284, %parallel_loop3A_305 : i32
      %parallel_loop3A_307 = vector.broadcast %parallel_loop3A_306 : i32 to vector<16xi32>
      %parallel_loop3A_308 = arith.addi %mul3A_5, %parallel_loop3A_307 : vector<16xi32>
      tpu.vector_store_idx %arg8[%parallel_loop3A_308], %parallel_loop3A_292 : memref<32768xf32, #tpu.memory_space<vmem>>[vector<16xi32>], vector<16xf32>,
      %parallel_loop3A_309 = arith.constant 2 : i32
      %parallel_loop3A_310 = arith.addi %parallel_loop3A_284, %parallel_loop3A_309 : i32
      %parallel_loop3A_311 = vector.broadcast %parallel_loop3A_310 : i32 to vector<16xi32>
      %parallel_loop3A_312 = arith.addi %mul3A_5, %parallel_loop3A_311 : vector<16xi32>
      tpu.vector_store_idx %arg8[%parallel_loop3A_312], %parallel_loop3A_296 : memref<32768xf32, #tpu.memory_space<vmem>>[vector<16xi32>], vector<16xf32>,
      %parallel_loop3A_313 = arith.constant 3 : i32
      %parallel_loop3A_314 = arith.addi %parallel_loop3A_284, %parallel_loop3A_313 : i32
      %parallel_loop3A_315 = vector.broadcast %parallel_loop3A_314 : i32 to vector<16xi32>
      %parallel_loop3A_316 = arith.addi %mul3A_5, %parallel_loop3A_315 : vector<16xi32>
      tpu.vector_store_idx %arg8[%parallel_loop3A_316], %parallel_loop3A_300 : memref<32768xf32, #tpu.memory_space<vmem>>[vector<16xi32>], vector<16xf32>,
    } {sc.loop_unroll_factor = 1 : i64, sc.parallel_access}
    %add3A_116 = arith.constant 49152 : i32
    %add3A_117 = arith.addi %mul3A_2, %add3A_116 : i32
    %mul3A_118 = arith.constant 4 : i32
    %mul3A_119 = arith.muli %add3A_117, %mul3A_118 : i32
    %dma_start3A_120 = tpu.memref_slice %arg4[%mul3A_119] : memref<16777216xf32, #tpu.memory_space<hbm>> -> memref<32768xf32, #tpu.memory_space<hbm>>
    %dma_start3A_121 = tpu.memref_slice %arg4[%mul3A_119] : memref<16777216xf32, #tpu.memory_space<hbm>> -> memref<32768xf32, #tpu.memory_space<hbm>>
    tpu.enqueue_dma source(%arg8 : memref<32768xf32, #tpu.memory_space<vmem>>) target(%dma_start3A_121 : memref<32768xf32, #tpu.memory_space<hbm>>) target_semaphore(%arg13 : memref<!tpu.dma_semaphore, #tpu.memory_space<semaphore_mem>>)
    %add3A_122 = arith.constant 65536 : i32
    %add3A_123 = arith.addi %mul3A_2, %add3A_122 : i32
    %dma_start3A_124 = tpu.memref_slice %arg3[%add3A_123] : memref<4194304xi32, #tpu.memory_space<hbm>> -> memref<8192xi32, #tpu.memory_space<hbm>>
    %dma_start3A_125 = tpu.memref_slice %arg3[%add3A_123] : memref<4194304xi32, #tpu.memory_space<hbm>> -> memref<8192xi32, #tpu.memory_space<hbm>>
    tpu.enqueue_dma source(%dma_start3A_125 : memref<8192xi32, #tpu.memory_space<hbm>>) target(%arg6 : memref<8192xi32, #tpu.memory_space<vmem>>) target_semaphore(%arg11 : memref<!tpu.dma_semaphore, #tpu.memory_space<semaphore_mem>>)
    %dma_wait3A_126 = tpu.memref_slice %arg3[%add3A_106] : memref<4194304xi32, #tpu.memory_space<hbm>> -> memref<8192xi32, #tpu.memory_space<hbm>>
    %dma_wait3A_127 = tpu.memref_slice %arg3[%add3A_106] : memref<4194304xi32, #tpu.memory_space<hbm>> -> memref<8192xi32, #tpu.memory_space<hbm>>
    tpu.wait_dma2 semaphore(%arg12 : memref<!tpu.dma_semaphore, #tpu.memory_space<semaphore_mem>>) src(%dma_wait3A_127 : memref<8192xi32, #tpu.memory_space<hbm>>) dst(%arg7 : memref<8192xi32, #tpu.memory_space<vmem>>)
    %dma_wait3A_128 = tpu.memref_slice %arg4[%mul3A_102] : memref<16777216xf32, #tpu.memory_space<hbm>> -> memref<32768xf32, #tpu.memory_space<hbm>>
    %dma_wait3A_129 = tpu.memref_slice %arg4[%mul3A_102] : memref<16777216xf32, #tpu.memory_space<hbm>> -> memref<32768xf32, #tpu.memory_space<hbm>>
    tpu.wait_dma2 semaphore(%arg14 : memref<!tpu.dma_semaphore, #tpu.memory_space<semaphore_mem>>) src(%arg9 : memref<32768xf32, #tpu.memory_space<vmem>>) dst(%dma_wait3A_129 : memref<32768xf32, #tpu.memory_space<hbm>>)
    %parallel_loop3A_130 = arith.constant 0 : i32
    %parallel_loop3A_131 = arith.constant 512 : i32
    %parallel_loop3A_132 = arith.constant 1 : i32
    scf.for %parallel_loop3A_275 = %parallel_loop3A_130 to %parallel_loop3A_131 step %parallel_loop3A_132  : i32 {
      %parallel_loop3A_276 = arith.constant 16 : i32
      %parallel_loop3A_277 = arith.muli %parallel_loop3A_275, %parallel_loop3A_276 : i32
      %parallel_loop3A_278 = arith.index_cast %parallel_loop3A_277 : i32 to index
      %parallel_loop3A_279 = tpu.vector_load %arg7[%parallel_loop3A_278] {strides = array<i32>} : memref<8192xi32, #tpu.memory_space<vmem>>, vector<16xi32>,
      %parallel_loop3A_280 = arith.constant 4 : i32
      %parallel_loop3A_281 = vector.broadcast %parallel_loop3A_280 : i32 to vector<16xi32>
      %parallel_loop3A_282 = arith.muli %parallel_loop3A_279, %parallel_loop3A_281 : vector<16xi32>
      %parallel_loop3A_283 = arith.constant 64 : i32
      %parallel_loop3A_284 = arith.muli %parallel_loop3A_275, %parallel_loop3A_283 : i32
      %parallel_loop3A_285 = arith.constant 0 : i32
      %parallel_loop3A_286 = vector.broadcast %parallel_loop3A_285 : i32 to vector<16xi32>
      %parallel_loop3A_287 = arith.addi %parallel_loop3A_282, %parallel_loop3A_286 : vector<16xi32>
      %parallel_loop3A_288 = tpu.vector_load_idx %arg5[%parallel_loop3A_287] : memref<1024xf32, #tpu.memory_space<vmem>>[vector<16xi32>], vector<16xf32>,
      %parallel_loop3A_289 = arith.constant 1 : i32
      %parallel_loop3A_290 = vector.broadcast %parallel_loop3A_289 : i32 to vector<16xi32>
      %parallel_loop3A_291 = arith.addi %parallel_loop3A_282, %parallel_loop3A_290 : vector<16xi32>
      %parallel_loop3A_292 = tpu.vector_load_idx %arg5[%parallel_loop3A_291] : memref<1024xf32, #tpu.memory_space<vmem>>[vector<16xi32>], vector<16xf32>,
      %parallel_loop3A_293 = arith.constant 2 : i32
      %parallel_loop3A_294 = vector.broadcast %parallel_loop3A_293 : i32 to vector<16xi32>
      %parallel_loop3A_295 = arith.addi %parallel_loop3A_282, %parallel_loop3A_294 : vector<16xi32>
      %parallel_loop3A_296 = tpu.vector_load_idx %arg5[%parallel_loop3A_295] : memref<1024xf32, #tpu.memory_space<vmem>>[vector<16xi32>], vector<16xf32>,
      %parallel_loop3A_297 = arith.constant 3 : i32
      %parallel_loop3A_298 = vector.broadcast %parallel_loop3A_297 : i32 to vector<16xi32>
      %parallel_loop3A_299 = arith.addi %parallel_loop3A_282, %parallel_loop3A_298 : vector<16xi32>
      %parallel_loop3A_300 = tpu.vector_load_idx %arg5[%parallel_loop3A_299] : memref<1024xf32, #tpu.memory_space<vmem>>[vector<16xi32>], vector<16xf32>,
      %parallel_loop3A_301 = arith.constant 0 : i32
      %parallel_loop3A_302 = arith.addi %parallel_loop3A_284, %parallel_loop3A_301 : i32
      %parallel_loop3A_303 = vector.broadcast %parallel_loop3A_302 : i32 to vector<16xi32>
      %parallel_loop3A_304 = arith.addi %mul3A_5, %parallel_loop3A_303 : vector<16xi32>
      tpu.vector_store_idx %arg9[%parallel_loop3A_304], %parallel_loop3A_288 : memref<32768xf32, #tpu.memory_space<vmem>>[vector<16xi32>], vector<16xf32>,
      %parallel_loop3A_305 = arith.constant 1 : i32
      %parallel_loop3A_306 = arith.addi %parallel_loop3A_284, %parallel_loop3A_305 : i32
      %parallel_loop3A_307 = vector.broadcast %parallel_loop3A_306 : i32 to vector<16xi32>
      %parallel_loop3A_308 = arith.addi %mul3A_5, %parallel_loop3A_307 : vector<16xi32>
      tpu.vector_store_idx %arg9[%parallel_loop3A_308], %parallel_loop3A_292 : memref<32768xf32, #tpu.memory_space<vmem>>[vector<16xi32>], vector<16xf32>,
      %parallel_loop3A_309 = arith.constant 2 : i32
      %parallel_loop3A_310 = arith.addi %parallel_loop3A_284, %parallel_loop3A_309 : i32
      %parallel_loop3A_311 = vector.broadcast %parallel_loop3A_310 : i32 to vector<16xi32>
      %parallel_loop3A_312 = arith.addi %mul3A_5, %parallel_loop3A_311 : vector<16xi32>
      tpu.vector_store_idx %arg9[%parallel_loop3A_312], %parallel_loop3A_296 : memref<32768xf32, #tpu.memory_space<vmem>>[vector<16xi32>], vector<16xf32>,
      %parallel_loop3A_313 = arith.constant 3 : i32
      %parallel_loop3A_314 = arith.addi %parallel_loop3A_284, %parallel_loop3A_313 : i32
      %parallel_loop3A_315 = vector.broadcast %parallel_loop3A_314 : i32 to vector<16xi32>
      %parallel_loop3A_316 = arith.addi %mul3A_5, %parallel_loop3A_315 : vector<16xi32>
      tpu.vector_store_idx %arg9[%parallel_loop3A_316], %parallel_loop3A_300 : memref<32768xf32, #tpu.memory_space<vmem>>[vector<16xi32>], vector<16xf32>,
    } {sc.loop_unroll_factor = 1 : i64, sc.parallel_access}
    %add3A_133 = arith.constant 57344 : i32
    %add3A_134 = arith.addi %mul3A_2, %add3A_133 : i32
    %mul3A_135 = arith.constant 4 : i32
    %mul3A_136 = arith.muli %add3A_134, %mul3A_135 : i32
    %dma_start3A_137 = tpu.memref_slice %arg4[%mul3A_136] : memref<16777216xf32, #tpu.memory_space<hbm>> -> memref<32768xf32, #tpu.memory_space<hbm>>
    %dma_start3A_138 = tpu.memref_slice %arg4[%mul3A_136] : memref<16777216xf32, #tpu.memory_space<hbm>> -> memref<32768xf32, #tpu.memory_space<hbm>>
    tpu.enqueue_dma source(%arg9 : memref<32768xf32, #tpu.memory_space<vmem>>) target(%dma_start3A_138 : memref<32768xf32, #tpu.memory_space<hbm>>) target_semaphore(%arg14 : memref<!tpu.dma_semaphore, #tpu.memory_space<semaphore_mem>>)
    %add3A_139 = arith.constant 73728 : i32
    %add3A_140 = arith.addi %mul3A_2, %add3A_139 : i32
    %dma_start3A_141 = tpu.memref_slice %arg3[%add3A_140] : memref<4194304xi32, #tpu.memory_space<hbm>> -> memref<8192xi32, #tpu.memory_space<hbm>>
    %dma_start3A_142 = tpu.memref_slice %arg3[%add3A_140] : memref<4194304xi32, #tpu.memory_space<hbm>> -> memref<8192xi32, #tpu.memory_space<hbm>>
    tpu.enqueue_dma source(%dma_start3A_142 : memref<8192xi32, #tpu.memory_space<hbm>>) target(%arg7 : memref<8192xi32, #tpu.memory_space<vmem>>) target_semaphore(%arg12 : memref<!tpu.dma_semaphore, #tpu.memory_space<semaphore_mem>>)
    %dma_wait3A_143 = tpu.memref_slice %arg3[%add3A_123] : memref<4194304xi32, #tpu.memory_space<hbm>> -> memref<8192xi32, #tpu.memory_space<hbm>>
    %dma_wait3A_144 = tpu.memref_slice %arg3[%add3A_123] : memref<4194304xi32, #tpu.memory_space<hbm>> -> memref<8192xi32, #tpu.memory_space<hbm>>
    tpu.wait_dma2 semaphore(%arg11 : memref<!tpu.dma_semaphore, #tpu.memory_space<semaphore_mem>>) src(%dma_wait3A_144 : memref<8192xi32, #tpu.memory_space<hbm>>) dst(%arg6 : memref<8192xi32, #tpu.memory_space<vmem>>)
    %dma_wait3A_145 = tpu.memref_slice %arg4[%mul3A_119] : memref<16777216xf32, #tpu.memory_space<hbm>> -> memref<32768xf32, #tpu.memory_space<hbm>>
    %dma_wait3A_146 = tpu.memref_slice %arg4[%mul3A_119] : memref<16777216xf32, #tpu.memory_space<hbm>> -> memref<32768xf32, #tpu.memory_space<hbm>>
    tpu.wait_dma2 semaphore(%arg13 : memref<!tpu.dma_semaphore, #tpu.memory_space<semaphore_mem>>) src(%arg8 : memref<32768xf32, #tpu.memory_space<vmem>>) dst(%dma_wait3A_146 : memref<32768xf32, #tpu.memory_space<hbm>>)
    %parallel_loop3A_147 = arith.constant 0 : i32
    %parallel_loop3A_148 = arith.constant 512 : i32
    %parallel_loop3A_149 = arith.constant 1 : i32
    scf.for %parallel_loop3A_275 = %parallel_loop3A_147 to %parallel_loop3A_148 step %parallel_loop3A_149  : i32 {
      %parallel_loop3A_276 = arith.constant 16 : i32
      %parallel_loop3A_277 = arith.muli %parallel_loop3A_275, %parallel_loop3A_276 : i32
      %parallel_loop3A_278 = arith.index_cast %parallel_loop3A_277 : i32 to index
      %parallel_loop3A_279 = tpu.vector_load %arg6[%parallel_loop3A_278] {strides = array<i32>} : memref<8192xi32, #tpu.memory_space<vmem>>, vector<16xi32>,
      %parallel_loop3A_280 = arith.constant 4 : i32
      %parallel_loop3A_281 = vector.broadcast %parallel_loop3A_280 : i32 to vector<16xi32>
      %parallel_loop3A_282 = arith.muli %parallel_loop3A_279, %parallel_loop3A_281 : vector<16xi32>
      %parallel_loop3A_283 = arith.constant 64 : i32
      %parallel_loop3A_284 = arith.muli %parallel_loop3A_275, %parallel_loop3A_283 : i32
      %parallel_loop3A_285 = arith.constant 0 : i32
      %parallel_loop3A_286 = vector.broadcast %parallel_loop3A_285 : i32 to vector<16xi32>
      %parallel_loop3A_287 = arith.addi %parallel_loop3A_282, %parallel_loop3A_286 : vector<16xi32>
      %parallel_loop3A_288 = tpu.vector_load_idx %arg5[%parallel_loop3A_287] : memref<1024xf32, #tpu.memory_space<vmem>>[vector<16xi32>], vector<16xf32>,
      %parallel_loop3A_289 = arith.constant 1 : i32
      %parallel_loop3A_290 = vector.broadcast %parallel_loop3A_289 : i32 to vector<16xi32>
      %parallel_loop3A_291 = arith.addi %parallel_loop3A_282, %parallel_loop3A_290 : vector<16xi32>
      %parallel_loop3A_292 = tpu.vector_load_idx %arg5[%parallel_loop3A_291] : memref<1024xf32, #tpu.memory_space<vmem>>[vector<16xi32>], vector<16xf32>,
      %parallel_loop3A_293 = arith.constant 2 : i32
      %parallel_loop3A_294 = vector.broadcast %parallel_loop3A_293 : i32 to vector<16xi32>
      %parallel_loop3A_295 = arith.addi %parallel_loop3A_282, %parallel_loop3A_294 : vector<16xi32>
      %parallel_loop3A_296 = tpu.vector_load_idx %arg5[%parallel_loop3A_295] : memref<1024xf32, #tpu.memory_space<vmem>>[vector<16xi32>], vector<16xf32>,
      %parallel_loop3A_297 = arith.constant 3 : i32
      %parallel_loop3A_298 = vector.broadcast %parallel_loop3A_297 : i32 to vector<16xi32>
      %parallel_loop3A_299 = arith.addi %parallel_loop3A_282, %parallel_loop3A_298 : vector<16xi32>
      %parallel_loop3A_300 = tpu.vector_load_idx %arg5[%parallel_loop3A_299] : memref<1024xf32, #tpu.memory_space<vmem>>[vector<16xi32>], vector<16xf32>,
      %parallel_loop3A_301 = arith.constant 0 : i32
      %parallel_loop3A_302 = arith.addi %parallel_loop3A_284, %parallel_loop3A_301 : i32
      %parallel_loop3A_303 = vector.broadcast %parallel_loop3A_302 : i32 to vector<16xi32>
      %parallel_loop3A_304 = arith.addi %mul3A_5, %parallel_loop3A_303 : vector<16xi32>
      tpu.vector_store_idx %arg8[%parallel_loop3A_304], %parallel_loop3A_288 : memref<32768xf32, #tpu.memory_space<vmem>>[vector<16xi32>], vector<16xf32>,
      %parallel_loop3A_305 = arith.constant 1 : i32
      %parallel_loop3A_306 = arith.addi %parallel_loop3A_284, %parallel_loop3A_305 : i32
      %parallel_loop3A_307 = vector.broadcast %parallel_loop3A_306 : i32 to vector<16xi32>
      %parallel_loop3A_308 = arith.addi %mul3A_5, %parallel_loop3A_307 : vector<16xi32>
      tpu.vector_store_idx %arg8[%parallel_loop3A_308], %parallel_loop3A_292 : memref<32768xf32, #tpu.memory_space<vmem>>[vector<16xi32>], vector<16xf32>,
      %parallel_loop3A_309 = arith.constant 2 : i32
      %parallel_loop3A_310 = arith.addi %parallel_loop3A_284, %parallel_loop3A_309 : i32
      %parallel_loop3A_311 = vector.broadcast %parallel_loop3A_310 : i32 to vector<16xi32>
      %parallel_loop3A_312 = arith.addi %mul3A_5, %parallel_loop3A_311 : vector<16xi32>
      tpu.vector_store_idx %arg8[%parallel_loop3A_312], %parallel_loop3A_296 : memref<32768xf32, #tpu.memory_space<vmem>>[vector<16xi32>], vector<16xf32>,
      %parallel_loop3A_313 = arith.constant 3 : i32
      %parallel_loop3A_314 = arith.addi %parallel_loop3A_284, %parallel_loop3A_313 : i32
      %parallel_loop3A_315 = vector.broadcast %parallel_loop3A_314 : i32 to vector<16xi32>
      %parallel_loop3A_316 = arith.addi %mul3A_5, %parallel_loop3A_315 : vector<16xi32>
      tpu.vector_store_idx %arg8[%parallel_loop3A_316], %parallel_loop3A_300 : memref<32768xf32, #tpu.memory_space<vmem>>[vector<16xi32>], vector<16xf32>,
    } {sc.loop_unroll_factor = 1 : i64, sc.parallel_access}
    %add3A_150 = arith.constant 65536 : i32
    %add3A_151 = arith.addi %mul3A_2, %add3A_150 : i32
    %mul3A_152 = arith.constant 4 : i32
    %mul3A_153 = arith.muli %add3A_151, %mul3A_152 : i32
    %dma_start3A_154 = tpu.memref_slice %arg4[%mul3A_153] : memref<16777216xf32, #tpu.memory_space<hbm>> -> memref<32768xf32, #tpu.memory_space<hbm>>
    %dma_start3A_155 = tpu.memref_slice %arg4[%mul3A_153] : memref<16777216xf32, #tpu.memory_space<hbm>> -> memref<32768xf32, #tpu.memory_space<hbm>>
    tpu.enqueue_dma source(%arg8 : memref<32768xf32, #tpu.memory_space<vmem>>) target(%dma_start3A_155 : memref<32768xf32, #tpu.memory_space<hbm>>) target_semaphore(%arg13 : memref<!tpu.dma_semaphore, #tpu.memory_space<semaphore_mem>>)
    %add3A_156 = arith.constant 81920 : i32
    %add3A_157 = arith.addi %mul3A_2, %add3A_156 : i32
    %dma_start3A_158 = tpu.memref_slice %arg3[%add3A_157] : memref<4194304xi32, #tpu.memory_space<hbm>> -> memref<8192xi32, #tpu.memory_space<hbm>>
    %dma_start3A_159 = tpu.memref_slice %arg3[%add3A_157] : memref<4194304xi32, #tpu.memory_space<hbm>> -> memref<8192xi32, #tpu.memory_space<hbm>>
    tpu.enqueue_dma source(%dma_start3A_159 : memref<8192xi32, #tpu.memory_space<hbm>>) target(%arg6 : memref<8192xi32, #tpu.memory_space<vmem>>) target_semaphore(%arg11 : memref<!tpu.dma_semaphore, #tpu.memory_space<semaphore_mem>>)
    %dma_wait3A_160 = tpu.memref_slice %arg3[%add3A_140] : memref<4194304xi32, #tpu.memory_space<hbm>> -> memref<8192xi32, #tpu.memory_space<hbm>>
    %dma_wait3A_161 = tpu.memref_slice %arg3[%add3A_140] : memref<4194304xi32, #tpu.memory_space<hbm>> -> memref<8192xi32, #tpu.memory_space<hbm>>
    tpu.wait_dma2 semaphore(%arg12 : memref<!tpu.dma_semaphore, #tpu.memory_space<semaphore_mem>>) src(%dma_wait3A_161 : memref<8192xi32, #tpu.memory_space<hbm>>) dst(%arg7 : memref<8192xi32, #tpu.memory_space<vmem>>)
    %dma_wait3A_162 = tpu.memref_slice %arg4[%mul3A_136] : memref<16777216xf32, #tpu.memory_space<hbm>> -> memref<32768xf32, #tpu.memory_space<hbm>>
    %dma_wait3A_163 = tpu.memref_slice %arg4[%mul3A_136] : memref<16777216xf32, #tpu.memory_space<hbm>> -> memref<32768xf32, #tpu.memory_space<hbm>>
    tpu.wait_dma2 semaphore(%arg14 : memref<!tpu.dma_semaphore, #tpu.memory_space<semaphore_mem>>) src(%arg9 : memref<32768xf32, #tpu.memory_space<vmem>>) dst(%dma_wait3A_163 : memref<32768xf32, #tpu.memory_space<hbm>>)
    %parallel_loop3A_164 = arith.constant 0 : i32
    %parallel_loop3A_165 = arith.constant 512 : i32
    %parallel_loop3A_166 = arith.constant 1 : i32
    scf.for %parallel_loop3A_275 = %parallel_loop3A_164 to %parallel_loop3A_165 step %parallel_loop3A_166  : i32 {
      %parallel_loop3A_276 = arith.constant 16 : i32
      %parallel_loop3A_277 = arith.muli %parallel_loop3A_275, %parallel_loop3A_276 : i32
      %parallel_loop3A_278 = arith.index_cast %parallel_loop3A_277 : i32 to index
      %parallel_loop3A_279 = tpu.vector_load %arg7[%parallel_loop3A_278] {strides = array<i32>} : memref<8192xi32, #tpu.memory_space<vmem>>, vector<16xi32>,
      %parallel_loop3A_280 = arith.constant 4 : i32
      %parallel_loop3A_281 = vector.broadcast %parallel_loop3A_280 : i32 to vector<16xi32>
      %parallel_loop3A_282 = arith.muli %parallel_loop3A_279, %parallel_loop3A_281 : vector<16xi32>
      %parallel_loop3A_283 = arith.constant 64 : i32
      %parallel_loop3A_284 = arith.muli %parallel_loop3A_275, %parallel_loop3A_283 : i32
      %parallel_loop3A_285 = arith.constant 0 : i32
      %parallel_loop3A_286 = vector.broadcast %parallel_loop3A_285 : i32 to vector<16xi32>
      %parallel_loop3A_287 = arith.addi %parallel_loop3A_282, %parallel_loop3A_286 : vector<16xi32>
      %parallel_loop3A_288 = tpu.vector_load_idx %arg5[%parallel_loop3A_287] : memref<1024xf32, #tpu.memory_space<vmem>>[vector<16xi32>], vector<16xf32>,
      %parallel_loop3A_289 = arith.constant 1 : i32
      %parallel_loop3A_290 = vector.broadcast %parallel_loop3A_289 : i32 to vector<16xi32>
      %parallel_loop3A_291 = arith.addi %parallel_loop3A_282, %parallel_loop3A_290 : vector<16xi32>
      %parallel_loop3A_292 = tpu.vector_load_idx %arg5[%parallel_loop3A_291] : memref<1024xf32, #tpu.memory_space<vmem>>[vector<16xi32>], vector<16xf32>,
      %parallel_loop3A_293 = arith.constant 2 : i32
      %parallel_loop3A_294 = vector.broadcast %parallel_loop3A_293 : i32 to vector<16xi32>
      %parallel_loop3A_295 = arith.addi %parallel_loop3A_282, %parallel_loop3A_294 : vector<16xi32>
      %parallel_loop3A_296 = tpu.vector_load_idx %arg5[%parallel_loop3A_295] : memref<1024xf32, #tpu.memory_space<vmem>>[vector<16xi32>], vector<16xf32>,
      %parallel_loop3A_297 = arith.constant 3 : i32
      %parallel_loop3A_298 = vector.broadcast %parallel_loop3A_297 : i32 to vector<16xi32>
      %parallel_loop3A_299 = arith.addi %parallel_loop3A_282, %parallel_loop3A_298 : vector<16xi32>
      %parallel_loop3A_300 = tpu.vector_load_idx %arg5[%parallel_loop3A_299] : memref<1024xf32, #tpu.memory_space<vmem>>[vector<16xi32>], vector<16xf32>,
      %parallel_loop3A_301 = arith.constant 0 : i32
      %parallel_loop3A_302 = arith.addi %parallel_loop3A_284, %parallel_loop3A_301 : i32
      %parallel_loop3A_303 = vector.broadcast %parallel_loop3A_302 : i32 to vector<16xi32>
      %parallel_loop3A_304 = arith.addi %mul3A_5, %parallel_loop3A_303 : vector<16xi32>
      tpu.vector_store_idx %arg9[%parallel_loop3A_304], %parallel_loop3A_288 : memref<32768xf32, #tpu.memory_space<vmem>>[vector<16xi32>], vector<16xf32>,
      %parallel_loop3A_305 = arith.constant 1 : i32
      %parallel_loop3A_306 = arith.addi %parallel_loop3A_284, %parallel_loop3A_305 : i32
      %parallel_loop3A_307 = vector.broadcast %parallel_loop3A_306 : i32 to vector<16xi32>
      %parallel_loop3A_308 = arith.addi %mul3A_5, %parallel_loop3A_307 : vector<16xi32>
      tpu.vector_store_idx %arg9[%parallel_loop3A_308], %parallel_loop3A_292 : memref<32768xf32, #tpu.memory_space<vmem>>[vector<16xi32>], vector<16xf32>,
      %parallel_loop3A_309 = arith.constant 2 : i32
      %parallel_loop3A_310 = arith.addi %parallel_loop3A_284, %parallel_loop3A_309 : i32
      %parallel_loop3A_311 = vector.broadcast %parallel_loop3A_310 : i32 to vector<16xi32>
      %parallel_loop3A_312 = arith.addi %mul3A_5, %parallel_loop3A_311 : vector<16xi32>
      tpu.vector_store_idx %arg9[%parallel_loop3A_312], %parallel_loop3A_296 : memref<32768xf32, #tpu.memory_space<vmem>>[vector<16xi32>], vector<16xf32>,
      %parallel_loop3A_313 = arith.constant 3 : i32
      %parallel_loop3A_314 = arith.addi %parallel_loop3A_284, %parallel_loop3A_313 : i32
      %parallel_loop3A_315 = vector.broadcast %parallel_loop3A_314 : i32 to vector<16xi32>
      %parallel_loop3A_316 = arith.addi %mul3A_5, %parallel_loop3A_315 : vector<16xi32>
      tpu.vector_store_idx %arg9[%parallel_loop3A_316], %parallel_loop3A_300 : memref<32768xf32, #tpu.memory_space<vmem>>[vector<16xi32>], vector<16xf32>,
    } {sc.loop_unroll_factor = 1 : i64, sc.parallel_access}
    %add3A_167 = arith.constant 73728 : i32
    %add3A_168 = arith.addi %mul3A_2, %add3A_167 : i32
    %mul3A_169 = arith.constant 4 : i32
    %mul3A_170 = arith.muli %add3A_168, %mul3A_169 : i32
    %dma_start3A_171 = tpu.memref_slice %arg4[%mul3A_170] : memref<16777216xf32, #tpu.memory_space<hbm>> -> memref<32768xf32, #tpu.memory_space<hbm>>
    %dma_start3A_172 = tpu.memref_slice %arg4[%mul3A_170] : memref<16777216xf32, #tpu.memory_space<hbm>> -> memref<32768xf32, #tpu.memory_space<hbm>>
    tpu.enqueue_dma source(%arg9 : memref<32768xf32, #tpu.memory_space<vmem>>) target(%dma_start3A_172 : memref<32768xf32, #tpu.memory_space<hbm>>) target_semaphore(%arg14 : memref<!tpu.dma_semaphore, #tpu.memory_space<semaphore_mem>>)
    %add3A_173 = arith.constant 90112 : i32
    %add3A_174 = arith.addi %mul3A_2, %add3A_173 : i32
    %dma_start3A_175 = tpu.memref_slice %arg3[%add3A_174] : memref<4194304xi32, #tpu.memory_space<hbm>> -> memref<8192xi32, #tpu.memory_space<hbm>>
    %dma_start3A_176 = tpu.memref_slice %arg3[%add3A_174] : memref<4194304xi32, #tpu.memory_space<hbm>> -> memref<8192xi32, #tpu.memory_space<hbm>>
    tpu.enqueue_dma source(%dma_start3A_176 : memref<8192xi32, #tpu.memory_space<hbm>>) target(%arg7 : memref<8192xi32, #tpu.memory_space<vmem>>) target_semaphore(%arg12 : memref<!tpu.dma_semaphore, #tpu.memory_space<semaphore_mem>>)
    %dma_wait3A_177 = tpu.memref_slice %arg3[%add3A_157] : memref<4194304xi32, #tpu.memory_space<hbm>> -> memref<8192xi32, #tpu.memory_space<hbm>>
    %dma_wait3A_178 = tpu.memref_slice %arg3[%add3A_157] : memref<4194304xi32, #tpu.memory_space<hbm>> -> memref<8192xi32, #tpu.memory_space<hbm>>
    tpu.wait_dma2 semaphore(%arg11 : memref<!tpu.dma_semaphore, #tpu.memory_space<semaphore_mem>>) src(%dma_wait3A_178 : memref<8192xi32, #tpu.memory_space<hbm>>) dst(%arg6 : memref<8192xi32, #tpu.memory_space<vmem>>)
    %dma_wait3A_179 = tpu.memref_slice %arg4[%mul3A_153] : memref<16777216xf32, #tpu.memory_space<hbm>> -> memref<32768xf32, #tpu.memory_space<hbm>>
    %dma_wait3A_180 = tpu.memref_slice %arg4[%mul3A_153] : memref<16777216xf32, #tpu.memory_space<hbm>> -> memref<32768xf32, #tpu.memory_space<hbm>>
    tpu.wait_dma2 semaphore(%arg13 : memref<!tpu.dma_semaphore, #tpu.memory_space<semaphore_mem>>) src(%arg8 : memref<32768xf32, #tpu.memory_space<vmem>>) dst(%dma_wait3A_180 : memref<32768xf32, #tpu.memory_space<hbm>>)
    %parallel_loop3A_181 = arith.constant 0 : i32
    %parallel_loop3A_182 = arith.constant 512 : i32
    %parallel_loop3A_183 = arith.constant 1 : i32
    scf.for %parallel_loop3A_275 = %parallel_loop3A_181 to %parallel_loop3A_182 step %parallel_loop3A_183  : i32 {
      %parallel_loop3A_276 = arith.constant 16 : i32
      %parallel_loop3A_277 = arith.muli %parallel_loop3A_275, %parallel_loop3A_276 : i32
      %parallel_loop3A_278 = arith.index_cast %parallel_loop3A_277 : i32 to index
      %parallel_loop3A_279 = tpu.vector_load %arg6[%parallel_loop3A_278] {strides = array<i32>} : memref<8192xi32, #tpu.memory_space<vmem>>, vector<16xi32>,
      %parallel_loop3A_280 = arith.constant 4 : i32
      %parallel_loop3A_281 = vector.broadcast %parallel_loop3A_280 : i32 to vector<16xi32>
      %parallel_loop3A_282 = arith.muli %parallel_loop3A_279, %parallel_loop3A_281 : vector<16xi32>
      %parallel_loop3A_283 = arith.constant 64 : i32
      %parallel_loop3A_284 = arith.muli %parallel_loop3A_275, %parallel_loop3A_283 : i32
      %parallel_loop3A_285 = arith.constant 0 : i32
      %parallel_loop3A_286 = vector.broadcast %parallel_loop3A_285 : i32 to vector<16xi32>
      %parallel_loop3A_287 = arith.addi %parallel_loop3A_282, %parallel_loop3A_286 : vector<16xi32>
      %parallel_loop3A_288 = tpu.vector_load_idx %arg5[%parallel_loop3A_287] : memref<1024xf32, #tpu.memory_space<vmem>>[vector<16xi32>], vector<16xf32>,
      %parallel_loop3A_289 = arith.constant 1 : i32
      %parallel_loop3A_290 = vector.broadcast %parallel_loop3A_289 : i32 to vector<16xi32>
      %parallel_loop3A_291 = arith.addi %parallel_loop3A_282, %parallel_loop3A_290 : vector<16xi32>
      %parallel_loop3A_292 = tpu.vector_load_idx %arg5[%parallel_loop3A_291] : memref<1024xf32, #tpu.memory_space<vmem>>[vector<16xi32>], vector<16xf32>,
      %parallel_loop3A_293 = arith.constant 2 : i32
      %parallel_loop3A_294 = vector.broadcast %parallel_loop3A_293 : i32 to vector<16xi32>
      %parallel_loop3A_295 = arith.addi %parallel_loop3A_282, %parallel_loop3A_294 : vector<16xi32>
      %parallel_loop3A_296 = tpu.vector_load_idx %arg5[%parallel_loop3A_295] : memref<1024xf32, #tpu.memory_space<vmem>>[vector<16xi32>], vector<16xf32>,
      %parallel_loop3A_297 = arith.constant 3 : i32
      %parallel_loop3A_298 = vector.broadcast %parallel_loop3A_297 : i32 to vector<16xi32>
      %parallel_loop3A_299 = arith.addi %parallel_loop3A_282, %parallel_loop3A_298 : vector<16xi32>
      %parallel_loop3A_300 = tpu.vector_load_idx %arg5[%parallel_loop3A_299] : memref<1024xf32, #tpu.memory_space<vmem>>[vector<16xi32>], vector<16xf32>,
      %parallel_loop3A_301 = arith.constant 0 : i32
      %parallel_loop3A_302 = arith.addi %parallel_loop3A_284, %parallel_loop3A_301 : i32
      %parallel_loop3A_303 = vector.broadcast %parallel_loop3A_302 : i32 to vector<16xi32>
      %parallel_loop3A_304 = arith.addi %mul3A_5, %parallel_loop3A_303 : vector<16xi32>
      tpu.vector_store_idx %arg8[%parallel_loop3A_304], %parallel_loop3A_288 : memref<32768xf32, #tpu.memory_space<vmem>>[vector<16xi32>], vector<16xf32>,
      %parallel_loop3A_305 = arith.constant 1 : i32
      %parallel_loop3A_306 = arith.addi %parallel_loop3A_284, %parallel_loop3A_305 : i32
      %parallel_loop3A_307 = vector.broadcast %parallel_loop3A_306 : i32 to vector<16xi32>
      %parallel_loop3A_308 = arith.addi %mul3A_5, %parallel_loop3A_307 : vector<16xi32>
      tpu.vector_store_idx %arg8[%parallel_loop3A_308], %parallel_loop3A_292 : memref<32768xf32, #tpu.memory_space<vmem>>[vector<16xi32>], vector<16xf32>,
      %parallel_loop3A_309 = arith.constant 2 : i32
      %parallel_loop3A_310 = arith.addi %parallel_loop3A_284, %parallel_loop3A_309 : i32
      %parallel_loop3A_311 = vector.broadcast %parallel_loop3A_310 : i32 to vector<16xi32>
      %parallel_loop3A_312 = arith.addi %mul3A_5, %parallel_loop3A_311 : vector<16xi32>
      tpu.vector_store_idx %arg8[%parallel_loop3A_312], %parallel_loop3A_296 : memref<32768xf32, #tpu.memory_space<vmem>>[vector<16xi32>], vector<16xf32>,
      %parallel_loop3A_313 = arith.constant 3 : i32
      %parallel_loop3A_314 = arith.addi %parallel_loop3A_284, %parallel_loop3A_313 : i32
      %parallel_loop3A_315 = vector.broadcast %parallel_loop3A_314 : i32 to vector<16xi32>
      %parallel_loop3A_316 = arith.addi %mul3A_5, %parallel_loop3A_315 : vector<16xi32>
      tpu.vector_store_idx %arg8[%parallel_loop3A_316], %parallel_loop3A_300 : memref<32768xf32, #tpu.memory_space<vmem>>[vector<16xi32>], vector<16xf32>,
    } {sc.loop_unroll_factor = 1 : i64, sc.parallel_access}
    %add3A_184 = arith.constant 81920 : i32
    %add3A_185 = arith.addi %mul3A_2, %add3A_184 : i32
    %mul3A_186 = arith.constant 4 : i32
    %mul3A_187 = arith.muli %add3A_185, %mul3A_186 : i32
    %dma_start3A_188 = tpu.memref_slice %arg4[%mul3A_187] : memref<16777216xf32, #tpu.memory_space<hbm>> -> memref<32768xf32, #tpu.memory_space<hbm>>
    %dma_start3A_189 = tpu.memref_slice %arg4[%mul3A_187] : memref<16777216xf32, #tpu.memory_space<hbm>> -> memref<32768xf32, #tpu.memory_space<hbm>>
    tpu.enqueue_dma source(%arg8 : memref<32768xf32, #tpu.memory_space<vmem>>) target(%dma_start3A_189 : memref<32768xf32, #tpu.memory_space<hbm>>) target_semaphore(%arg13 : memref<!tpu.dma_semaphore, #tpu.memory_space<semaphore_mem>>)
    %add3A_190 = arith.constant 98304 : i32
    %add3A_191 = arith.addi %mul3A_2, %add3A_190 : i32
    %dma_start3A_192 = tpu.memref_slice %arg3[%add3A_191] : memref<4194304xi32, #tpu.memory_space<hbm>> -> memref<8192xi32, #tpu.memory_space<hbm>>
    %dma_start3A_193 = tpu.memref_slice %arg3[%add3A_191] : memref<4194304xi32, #tpu.memory_space<hbm>> -> memref<8192xi32, #tpu.memory_space<hbm>>
    tpu.enqueue_dma source(%dma_start3A_193 : memref<8192xi32, #tpu.memory_space<hbm>>) target(%arg6 : memref<8192xi32, #tpu.memory_space<vmem>>) target_semaphore(%arg11 : memref<!tpu.dma_semaphore, #tpu.memory_space<semaphore_mem>>)
    %dma_wait3A_194 = tpu.memref_slice %arg3[%add3A_174] : memref<4194304xi32, #tpu.memory_space<hbm>> -> memref<8192xi32, #tpu.memory_space<hbm>>
    %dma_wait3A_195 = tpu.memref_slice %arg3[%add3A_174] : memref<4194304xi32, #tpu.memory_space<hbm>> -> memref<8192xi32, #tpu.memory_space<hbm>>
    tpu.wait_dma2 semaphore(%arg12 : memref<!tpu.dma_semaphore, #tpu.memory_space<semaphore_mem>>) src(%dma_wait3A_195 : memref<8192xi32, #tpu.memory_space<hbm>>) dst(%arg7 : memref<8192xi32, #tpu.memory_space<vmem>>)
    %dma_wait3A_196 = tpu.memref_slice %arg4[%mul3A_170] : memref<16777216xf32, #tpu.memory_space<hbm>> -> memref<32768xf32, #tpu.memory_space<hbm>>
    %dma_wait3A_197 = tpu.memref_slice %arg4[%mul3A_170] : memref<16777216xf32, #tpu.memory_space<hbm>> -> memref<32768xf32, #tpu.memory_space<hbm>>
    tpu.wait_dma2 semaphore(%arg14 : memref<!tpu.dma_semaphore, #tpu.memory_space<semaphore_mem>>) src(%arg9 : memref<32768xf32, #tpu.memory_space<vmem>>) dst(%dma_wait3A_197 : memref<32768xf32, #tpu.memory_space<hbm>>)
    %parallel_loop3A_198 = arith.constant 0 : i32
    %parallel_loop3A_199 = arith.constant 512 : i32
    %parallel_loop3A_200 = arith.constant 1 : i32
    scf.for %parallel_loop3A_275 = %parallel_loop3A_198 to %parallel_loop3A_199 step %parallel_loop3A_200  : i32 {
      %parallel_loop3A_276 = arith.constant 16 : i32
      %parallel_loop3A_277 = arith.muli %parallel_loop3A_275, %parallel_loop3A_276 : i32
      %parallel_loop3A_278 = arith.index_cast %parallel_loop3A_277 : i32 to index
      %parallel_loop3A_279 = tpu.vector_load %arg7[%parallel_loop3A_278] {strides = array<i32>} : memref<8192xi32, #tpu.memory_space<vmem>>, vector<16xi32>,
      %parallel_loop3A_280 = arith.constant 4 : i32
      %parallel_loop3A_281 = vector.broadcast %parallel_loop3A_280 : i32 to vector<16xi32>
      %parallel_loop3A_282 = arith.muli %parallel_loop3A_279, %parallel_loop3A_281 : vector<16xi32>
      %parallel_loop3A_283 = arith.constant 64 : i32
      %parallel_loop3A_284 = arith.muli %parallel_loop3A_275, %parallel_loop3A_283 : i32
      %parallel_loop3A_285 = arith.constant 0 : i32
      %parallel_loop3A_286 = vector.broadcast %parallel_loop3A_285 : i32 to vector<16xi32>
      %parallel_loop3A_287 = arith.addi %parallel_loop3A_282, %parallel_loop3A_286 : vector<16xi32>
      %parallel_loop3A_288 = tpu.vector_load_idx %arg5[%parallel_loop3A_287] : memref<1024xf32, #tpu.memory_space<vmem>>[vector<16xi32>], vector<16xf32>,
      %parallel_loop3A_289 = arith.constant 1 : i32
      %parallel_loop3A_290 = vector.broadcast %parallel_loop3A_289 : i32 to vector<16xi32>
      %parallel_loop3A_291 = arith.addi %parallel_loop3A_282, %parallel_loop3A_290 : vector<16xi32>
      %parallel_loop3A_292 = tpu.vector_load_idx %arg5[%parallel_loop3A_291] : memref<1024xf32, #tpu.memory_space<vmem>>[vector<16xi32>], vector<16xf32>,
      %parallel_loop3A_293 = arith.constant 2 : i32
      %parallel_loop3A_294 = vector.broadcast %parallel_loop3A_293 : i32 to vector<16xi32>
      %parallel_loop3A_295 = arith.addi %parallel_loop3A_282, %parallel_loop3A_294 : vector<16xi32>
      %parallel_loop3A_296 = tpu.vector_load_idx %arg5[%parallel_loop3A_295] : memref<1024xf32, #tpu.memory_space<vmem>>[vector<16xi32>], vector<16xf32>,
      %parallel_loop3A_297 = arith.constant 3 : i32
      %parallel_loop3A_298 = vector.broadcast %parallel_loop3A_297 : i32 to vector<16xi32>
      %parallel_loop3A_299 = arith.addi %parallel_loop3A_282, %parallel_loop3A_298 : vector<16xi32>
      %parallel_loop3A_300 = tpu.vector_load_idx %arg5[%parallel_loop3A_299] : memref<1024xf32, #tpu.memory_space<vmem>>[vector<16xi32>], vector<16xf32>,
      %parallel_loop3A_301 = arith.constant 0 : i32
      %parallel_loop3A_302 = arith.addi %parallel_loop3A_284, %parallel_loop3A_301 : i32
      %parallel_loop3A_303 = vector.broadcast %parallel_loop3A_302 : i32 to vector<16xi32>
      %parallel_loop3A_304 = arith.addi %mul3A_5, %parallel_loop3A_303 : vector<16xi32>
      tpu.vector_store_idx %arg9[%parallel_loop3A_304], %parallel_loop3A_288 : memref<32768xf32, #tpu.memory_space<vmem>>[vector<16xi32>], vector<16xf32>,
      %parallel_loop3A_305 = arith.constant 1 : i32
      %parallel_loop3A_306 = arith.addi %parallel_loop3A_284, %parallel_loop3A_305 : i32
      %parallel_loop3A_307 = vector.broadcast %parallel_loop3A_306 : i32 to vector<16xi32>
      %parallel_loop3A_308 = arith.addi %mul3A_5, %parallel_loop3A_307 : vector<16xi32>
      tpu.vector_store_idx %arg9[%parallel_loop3A_308], %parallel_loop3A_292 : memref<32768xf32, #tpu.memory_space<vmem>>[vector<16xi32>], vector<16xf32>,
      %parallel_loop3A_309 = arith.constant 2 : i32
      %parallel_loop3A_310 = arith.addi %parallel_loop3A_284, %parallel_loop3A_309 : i32
      %parallel_loop3A_311 = vector.broadcast %parallel_loop3A_310 : i32 to vector<16xi32>
      %parallel_loop3A_312 = arith.addi %mul3A_5, %parallel_loop3A_311 : vector<16xi32>
      tpu.vector_store_idx %arg9[%parallel_loop3A_312], %parallel_loop3A_296 : memref<32768xf32, #tpu.memory_space<vmem>>[vector<16xi32>], vector<16xf32>,
      %parallel_loop3A_313 = arith.constant 3 : i32
      %parallel_loop3A_314 = arith.addi %parallel_loop3A_284, %parallel_loop3A_313 : i32
      %parallel_loop3A_315 = vector.broadcast %parallel_loop3A_314 : i32 to vector<16xi32>
      %parallel_loop3A_316 = arith.addi %mul3A_5, %parallel_loop3A_315 : vector<16xi32>
      tpu.vector_store_idx %arg9[%parallel_loop3A_316], %parallel_loop3A_300 : memref<32768xf32, #tpu.memory_space<vmem>>[vector<16xi32>], vector<16xf32>,
    } {sc.loop_unroll_factor = 1 : i64, sc.parallel_access}
    %add3A_201 = arith.constant 90112 : i32
    %add3A_202 = arith.addi %mul3A_2, %add3A_201 : i32
    %mul3A_203 = arith.constant 4 : i32
    %mul3A_204 = arith.muli %add3A_202, %mul3A_203 : i32
    %dma_start3A_205 = tpu.memref_slice %arg4[%mul3A_204] : memref<16777216xf32, #tpu.memory_space<hbm>> -> memref<32768xf32, #tpu.memory_space<hbm>>
    %dma_start3A_206 = tpu.memref_slice %arg4[%mul3A_204] : memref<16777216xf32, #tpu.memory_space<hbm>> -> memref<32768xf32, #tpu.memory_space<hbm>>
    tpu.enqueue_dma source(%arg9 : memref<32768xf32, #tpu.memory_space<vmem>>) target(%dma_start3A_206 : memref<32768xf32, #tpu.memory_space<hbm>>) target_semaphore(%arg14 : memref<!tpu.dma_semaphore, #tpu.memory_space<semaphore_mem>>)
    %add3A_207 = arith.constant 106496 : i32
    %add3A_208 = arith.addi %mul3A_2, %add3A_207 : i32
    %dma_start3A_209 = tpu.memref_slice %arg3[%add3A_208] : memref<4194304xi32, #tpu.memory_space<hbm>> -> memref<8192xi32, #tpu.memory_space<hbm>>
    %dma_start3A_210 = tpu.memref_slice %arg3[%add3A_208] : memref<4194304xi32, #tpu.memory_space<hbm>> -> memref<8192xi32, #tpu.memory_space<hbm>>
    tpu.enqueue_dma source(%dma_start3A_210 : memref<8192xi32, #tpu.memory_space<hbm>>) target(%arg7 : memref<8192xi32, #tpu.memory_space<vmem>>) target_semaphore(%arg12 : memref<!tpu.dma_semaphore, #tpu.memory_space<semaphore_mem>>)
    %dma_wait3A_211 = tpu.memref_slice %arg3[%add3A_191] : memref<4194304xi32, #tpu.memory_space<hbm>> -> memref<8192xi32, #tpu.memory_space<hbm>>
    %dma_wait3A_212 = tpu.memref_slice %arg3[%add3A_191] : memref<4194304xi32, #tpu.memory_space<hbm>> -> memref<8192xi32, #tpu.memory_space<hbm>>
    tpu.wait_dma2 semaphore(%arg11 : memref<!tpu.dma_semaphore, #tpu.memory_space<semaphore_mem>>) src(%dma_wait3A_212 : memref<8192xi32, #tpu.memory_space<hbm>>) dst(%arg6 : memref<8192xi32, #tpu.memory_space<vmem>>)
    %dma_wait3A_213 = tpu.memref_slice %arg4[%mul3A_187] : memref<16777216xf32, #tpu.memory_space<hbm>> -> memref<32768xf32, #tpu.memory_space<hbm>>
    %dma_wait3A_214 = tpu.memref_slice %arg4[%mul3A_187] : memref<16777216xf32, #tpu.memory_space<hbm>> -> memref<32768xf32, #tpu.memory_space<hbm>>
    tpu.wait_dma2 semaphore(%arg13 : memref<!tpu.dma_semaphore, #tpu.memory_space<semaphore_mem>>) src(%arg8 : memref<32768xf32, #tpu.memory_space<vmem>>) dst(%dma_wait3A_214 : memref<32768xf32, #tpu.memory_space<hbm>>)
    %parallel_loop3A_215 = arith.constant 0 : i32
    %parallel_loop3A_216 = arith.constant 512 : i32
    %parallel_loop3A_217 = arith.constant 1 : i32
    scf.for %parallel_loop3A_275 = %parallel_loop3A_215 to %parallel_loop3A_216 step %parallel_loop3A_217  : i32 {
      %parallel_loop3A_276 = arith.constant 16 : i32
      %parallel_loop3A_277 = arith.muli %parallel_loop3A_275, %parallel_loop3A_276 : i32
      %parallel_loop3A_278 = arith.index_cast %parallel_loop3A_277 : i32 to index
      %parallel_loop3A_279 = tpu.vector_load %arg6[%parallel_loop3A_278] {strides = array<i32>} : memref<8192xi32, #tpu.memory_space<vmem>>, vector<16xi32>,
      %parallel_loop3A_280 = arith.constant 4 : i32
      %parallel_loop3A_281 = vector.broadcast %parallel_loop3A_280 : i32 to vector<16xi32>
      %parallel_loop3A_282 = arith.muli %parallel_loop3A_279, %parallel_loop3A_281 : vector<16xi32>
      %parallel_loop3A_283 = arith.constant 64 : i32
      %parallel_loop3A_284 = arith.muli %parallel_loop3A_275, %parallel_loop3A_283 : i32
      %parallel_loop3A_285 = arith.constant 0 : i32
      %parallel_loop3A_286 = vector.broadcast %parallel_loop3A_285 : i32 to vector<16xi32>
      %parallel_loop3A_287 = arith.addi %parallel_loop3A_282, %parallel_loop3A_286 : vector<16xi32>
      %parallel_loop3A_288 = tpu.vector_load_idx %arg5[%parallel_loop3A_287] : memref<1024xf32, #tpu.memory_space<vmem>>[vector<16xi32>], vector<16xf32>,
      %parallel_loop3A_289 = arith.constant 1 : i32
      %parallel_loop3A_290 = vector.broadcast %parallel_loop3A_289 : i32 to vector<16xi32>
      %parallel_loop3A_291 = arith.addi %parallel_loop3A_282, %parallel_loop3A_290 : vector<16xi32>
      %parallel_loop3A_292 = tpu.vector_load_idx %arg5[%parallel_loop3A_291] : memref<1024xf32, #tpu.memory_space<vmem>>[vector<16xi32>], vector<16xf32>,
      %parallel_loop3A_293 = arith.constant 2 : i32
      %parallel_loop3A_294 = vector.broadcast %parallel_loop3A_293 : i32 to vector<16xi32>
      %parallel_loop3A_295 = arith.addi %parallel_loop3A_282, %parallel_loop3A_294 : vector<16xi32>
      %parallel_loop3A_296 = tpu.vector_load_idx %arg5[%parallel_loop3A_295] : memref<1024xf32, #tpu.memory_space<vmem>>[vector<16xi32>], vector<16xf32>,
      %parallel_loop3A_297 = arith.constant 3 : i32
      %parallel_loop3A_298 = vector.broadcast %parallel_loop3A_297 : i32 to vector<16xi32>
      %parallel_loop3A_299 = arith.addi %parallel_loop3A_282, %parallel_loop3A_298 : vector<16xi32>
      %parallel_loop3A_300 = tpu.vector_load_idx %arg5[%parallel_loop3A_299] : memref<1024xf32, #tpu.memory_space<vmem>>[vector<16xi32>], vector<16xf32>,
      %parallel_loop3A_301 = arith.constant 0 : i32
      %parallel_loop3A_302 = arith.addi %parallel_loop3A_284, %parallel_loop3A_301 : i32
      %parallel_loop3A_303 = vector.broadcast %parallel_loop3A_302 : i32 to vector<16xi32>
      %parallel_loop3A_304 = arith.addi %mul3A_5, %parallel_loop3A_303 : vector<16xi32>
      tpu.vector_store_idx %arg8[%parallel_loop3A_304], %parallel_loop3A_288 : memref<32768xf32, #tpu.memory_space<vmem>>[vector<16xi32>], vector<16xf32>,
      %parallel_loop3A_305 = arith.constant 1 : i32
      %parallel_loop3A_306 = arith.addi %parallel_loop3A_284, %parallel_loop3A_305 : i32
      %parallel_loop3A_307 = vector.broadcast %parallel_loop3A_306 : i32 to vector<16xi32>
      %parallel_loop3A_308 = arith.addi %mul3A_5, %parallel_loop3A_307 : vector<16xi32>
      tpu.vector_store_idx %arg8[%parallel_loop3A_308], %parallel_loop3A_292 : memref<32768xf32, #tpu.memory_space<vmem>>[vector<16xi32>], vector<16xf32>,
      %parallel_loop3A_309 = arith.constant 2 : i32
      %parallel_loop3A_310 = arith.addi %parallel_loop3A_284, %parallel_loop3A_309 : i32
      %parallel_loop3A_311 = vector.broadcast %parallel_loop3A_310 : i32 to vector<16xi32>
      %parallel_loop3A_312 = arith.addi %mul3A_5, %parallel_loop3A_311 : vector<16xi32>
      tpu.vector_store_idx %arg8[%parallel_loop3A_312], %parallel_loop3A_296 : memref<32768xf32, #tpu.memory_space<vmem>>[vector<16xi32>], vector<16xf32>,
      %parallel_loop3A_313 = arith.constant 3 : i32
      %parallel_loop3A_314 = arith.addi %parallel_loop3A_284, %parallel_loop3A_313 : i32
      %parallel_loop3A_315 = vector.broadcast %parallel_loop3A_314 : i32 to vector<16xi32>
      %parallel_loop3A_316 = arith.addi %mul3A_5, %parallel_loop3A_315 : vector<16xi32>
      tpu.vector_store_idx %arg8[%parallel_loop3A_316], %parallel_loop3A_300 : memref<32768xf32, #tpu.memory_space<vmem>>[vector<16xi32>], vector<16xf32>,
    } {sc.loop_unroll_factor = 1 : i64, sc.parallel_access}
    %add3A_218 = arith.constant 98304 : i32
    %add3A_219 = arith.addi %mul3A_2, %add3A_218 : i32
    %mul3A_220 = arith.constant 4 : i32
    %mul3A_221 = arith.muli %add3A_219, %mul3A_220 : i32
    %dma_start3A_222 = tpu.memref_slice %arg4[%mul3A_221] : memref<16777216xf32, #tpu.memory_space<hbm>> -> memref<32768xf32, #tpu.memory_space<hbm>>
    %dma_start3A_223 = tpu.memref_slice %arg4[%mul3A_221] : memref<16777216xf32, #tpu.memory_space<hbm>> -> memref<32768xf32, #tpu.memory_space<hbm>>
    tpu.enqueue_dma source(%arg8 : memref<32768xf32, #tpu.memory_space<vmem>>) target(%dma_start3A_223 : memref<32768xf32, #tpu.memory_space<hbm>>) target_semaphore(%arg13 : memref<!tpu.dma_semaphore, #tpu.memory_space<semaphore_mem>>)
    %add3A_224 = arith.constant 114688 : i32
    %add3A_225 = arith.addi %mul3A_2, %add3A_224 : i32
    %dma_start3A_226 = tpu.memref_slice %arg3[%add3A_225] : memref<4194304xi32, #tpu.memory_space<hbm>> -> memref<8192xi32, #tpu.memory_space<hbm>>
    %dma_start3A_227 = tpu.memref_slice %arg3[%add3A_225] : memref<4194304xi32, #tpu.memory_space<hbm>> -> memref<8192xi32, #tpu.memory_space<hbm>>
    tpu.enqueue_dma source(%dma_start3A_227 : memref<8192xi32, #tpu.memory_space<hbm>>) target(%arg6 : memref<8192xi32, #tpu.memory_space<vmem>>) target_semaphore(%arg11 : memref<!tpu.dma_semaphore, #tpu.memory_space<semaphore_mem>>)
    %dma_wait3A_228 = tpu.memref_slice %arg3[%add3A_208] : memref<4194304xi32, #tpu.memory_space<hbm>> -> memref<8192xi32, #tpu.memory_space<hbm>>
    %dma_wait3A_229 = tpu.memref_slice %arg3[%add3A_208] : memref<4194304xi32, #tpu.memory_space<hbm>> -> memref<8192xi32, #tpu.memory_space<hbm>>
    tpu.wait_dma2 semaphore(%arg12 : memref<!tpu.dma_semaphore, #tpu.memory_space<semaphore_mem>>) src(%dma_wait3A_229 : memref<8192xi32, #tpu.memory_space<hbm>>) dst(%arg7 : memref<8192xi32, #tpu.memory_space<vmem>>)
    %dma_wait3A_230 = tpu.memref_slice %arg4[%mul3A_204] : memref<16777216xf32, #tpu.memory_space<hbm>> -> memref<32768xf32, #tpu.memory_space<hbm>>
    %dma_wait3A_231 = tpu.memref_slice %arg4[%mul3A_204] : memref<16777216xf32, #tpu.memory_space<hbm>> -> memref<32768xf32, #tpu.memory_space<hbm>>
    tpu.wait_dma2 semaphore(%arg14 : memref<!tpu.dma_semaphore, #tpu.memory_space<semaphore_mem>>) src(%arg9 : memref<32768xf32, #tpu.memory_space<vmem>>) dst(%dma_wait3A_231 : memref<32768xf32, #tpu.memory_space<hbm>>)
    %parallel_loop3A_232 = arith.constant 0 : i32
    %parallel_loop3A_233 = arith.constant 512 : i32
    %parallel_loop3A_234 = arith.constant 1 : i32
    scf.for %parallel_loop3A_275 = %parallel_loop3A_232 to %parallel_loop3A_233 step %parallel_loop3A_234  : i32 {
      %parallel_loop3A_276 = arith.constant 16 : i32
      %parallel_loop3A_277 = arith.muli %parallel_loop3A_275, %parallel_loop3A_276 : i32
      %parallel_loop3A_278 = arith.index_cast %parallel_loop3A_277 : i32 to index
      %parallel_loop3A_279 = tpu.vector_load %arg7[%parallel_loop3A_278] {strides = array<i32>} : memref<8192xi32, #tpu.memory_space<vmem>>, vector<16xi32>,
      %parallel_loop3A_280 = arith.constant 4 : i32
      %parallel_loop3A_281 = vector.broadcast %parallel_loop3A_280 : i32 to vector<16xi32>
      %parallel_loop3A_282 = arith.muli %parallel_loop3A_279, %parallel_loop3A_281 : vector<16xi32>
      %parallel_loop3A_283 = arith.constant 64 : i32
      %parallel_loop3A_284 = arith.muli %parallel_loop3A_275, %parallel_loop3A_283 : i32
      %parallel_loop3A_285 = arith.constant 0 : i32
      %parallel_loop3A_286 = vector.broadcast %parallel_loop3A_285 : i32 to vector<16xi32>
      %parallel_loop3A_287 = arith.addi %parallel_loop3A_282, %parallel_loop3A_286 : vector<16xi32>
      %parallel_loop3A_288 = tpu.vector_load_idx %arg5[%parallel_loop3A_287] : memref<1024xf32, #tpu.memory_space<vmem>>[vector<16xi32>], vector<16xf32>,
      %parallel_loop3A_289 = arith.constant 1 : i32
      %parallel_loop3A_290 = vector.broadcast %parallel_loop3A_289 : i32 to vector<16xi32>
      %parallel_loop3A_291 = arith.addi %parallel_loop3A_282, %parallel_loop3A_290 : vector<16xi32>
      %parallel_loop3A_292 = tpu.vector_load_idx %arg5[%parallel_loop3A_291] : memref<1024xf32, #tpu.memory_space<vmem>>[vector<16xi32>], vector<16xf32>,
      %parallel_loop3A_293 = arith.constant 2 : i32
      %parallel_loop3A_294 = vector.broadcast %parallel_loop3A_293 : i32 to vector<16xi32>
      %parallel_loop3A_295 = arith.addi %parallel_loop3A_282, %parallel_loop3A_294 : vector<16xi32>
      %parallel_loop3A_296 = tpu.vector_load_idx %arg5[%parallel_loop3A_295] : memref<1024xf32, #tpu.memory_space<vmem>>[vector<16xi32>], vector<16xf32>,
      %parallel_loop3A_297 = arith.constant 3 : i32
      %parallel_loop3A_298 = vector.broadcast %parallel_loop3A_297 : i32 to vector<16xi32>
      %parallel_loop3A_299 = arith.addi %parallel_loop3A_282, %parallel_loop3A_298 : vector<16xi32>
      %parallel_loop3A_300 = tpu.vector_load_idx %arg5[%parallel_loop3A_299] : memref<1024xf32, #tpu.memory_space<vmem>>[vector<16xi32>], vector<16xf32>,
      %parallel_loop3A_301 = arith.constant 0 : i32
      %parallel_loop3A_302 = arith.addi %parallel_loop3A_284, %parallel_loop3A_301 : i32
      %parallel_loop3A_303 = vector.broadcast %parallel_loop3A_302 : i32 to vector<16xi32>
      %parallel_loop3A_304 = arith.addi %mul3A_5, %parallel_loop3A_303 : vector<16xi32>
      tpu.vector_store_idx %arg9[%parallel_loop3A_304], %parallel_loop3A_288 : memref<32768xf32, #tpu.memory_space<vmem>>[vector<16xi32>], vector<16xf32>,
      %parallel_loop3A_305 = arith.constant 1 : i32
      %parallel_loop3A_306 = arith.addi %parallel_loop3A_284, %parallel_loop3A_305 : i32
      %parallel_loop3A_307 = vector.broadcast %parallel_loop3A_306 : i32 to vector<16xi32>
      %parallel_loop3A_308 = arith.addi %mul3A_5, %parallel_loop3A_307 : vector<16xi32>
      tpu.vector_store_idx %arg9[%parallel_loop3A_308], %parallel_loop3A_292 : memref<32768xf32, #tpu.memory_space<vmem>>[vector<16xi32>], vector<16xf32>,
      %parallel_loop3A_309 = arith.constant 2 : i32
      %parallel_loop3A_310 = arith.addi %parallel_loop3A_284, %parallel_loop3A_309 : i32
      %parallel_loop3A_311 = vector.broadcast %parallel_loop3A_310 : i32 to vector<16xi32>
      %parallel_loop3A_312 = arith.addi %mul3A_5, %parallel_loop3A_311 : vector<16xi32>
      tpu.vector_store_idx %arg9[%parallel_loop3A_312], %parallel_loop3A_296 : memref<32768xf32, #tpu.memory_space<vmem>>[vector<16xi32>], vector<16xf32>,
      %parallel_loop3A_313 = arith.constant 3 : i32
      %parallel_loop3A_314 = arith.addi %parallel_loop3A_284, %parallel_loop3A_313 : i32
      %parallel_loop3A_315 = vector.broadcast %parallel_loop3A_314 : i32 to vector<16xi32>
      %parallel_loop3A_316 = arith.addi %mul3A_5, %parallel_loop3A_315 : vector<16xi32>
      tpu.vector_store_idx %arg9[%parallel_loop3A_316], %parallel_loop3A_300 : memref<32768xf32, #tpu.memory_space<vmem>>[vector<16xi32>], vector<16xf32>,
    } {sc.loop_unroll_factor = 1 : i64, sc.parallel_access}
    %add3A_235 = arith.constant 106496 : i32
    %add3A_236 = arith.addi %mul3A_2, %add3A_235 : i32
    %mul3A_237 = arith.constant 4 : i32
    %mul3A_238 = arith.muli %add3A_236, %mul3A_237 : i32
    %dma_start3A_239 = tpu.memref_slice %arg4[%mul3A_238] : memref<16777216xf32, #tpu.memory_space<hbm>> -> memref<32768xf32, #tpu.memory_space<hbm>>
    %dma_start3A_240 = tpu.memref_slice %arg4[%mul3A_238] : memref<16777216xf32, #tpu.memory_space<hbm>> -> memref<32768xf32, #tpu.memory_space<hbm>>
    tpu.enqueue_dma source(%arg9 : memref<32768xf32, #tpu.memory_space<vmem>>) target(%dma_start3A_240 : memref<32768xf32, #tpu.memory_space<hbm>>) target_semaphore(%arg14 : memref<!tpu.dma_semaphore, #tpu.memory_space<semaphore_mem>>)
    %add3A_241 = arith.constant 122880 : i32
    %add3A_242 = arith.addi %mul3A_2, %add3A_241 : i32
    %dma_start3A_243 = tpu.memref_slice %arg3[%add3A_242] : memref<4194304xi32, #tpu.memory_space<hbm>> -> memref<8192xi32, #tpu.memory_space<hbm>>
    %dma_start3A_244 = tpu.memref_slice %arg3[%add3A_242] : memref<4194304xi32, #tpu.memory_space<hbm>> -> memref<8192xi32, #tpu.memory_space<hbm>>
    tpu.enqueue_dma source(%dma_start3A_244 : memref<8192xi32, #tpu.memory_space<hbm>>) target(%arg7 : memref<8192xi32, #tpu.memory_space<vmem>>) target_semaphore(%arg12 : memref<!tpu.dma_semaphore, #tpu.memory_space<semaphore_mem>>)
    %dma_wait3A_245 = tpu.memref_slice %arg3[%add3A_225] : memref<4194304xi32, #tpu.memory_space<hbm>> -> memref<8192xi32, #tpu.memory_space<hbm>>
    %dma_wait3A_246 = tpu.memref_slice %arg3[%add3A_225] : memref<4194304xi32, #tpu.memory_space<hbm>> -> memref<8192xi32, #tpu.memory_space<hbm>>
    tpu.wait_dma2 semaphore(%arg11 : memref<!tpu.dma_semaphore, #tpu.memory_space<semaphore_mem>>) src(%dma_wait3A_246 : memref<8192xi32, #tpu.memory_space<hbm>>) dst(%arg6 : memref<8192xi32, #tpu.memory_space<vmem>>)
    %dma_wait3A_247 = tpu.memref_slice %arg4[%mul3A_221] : memref<16777216xf32, #tpu.memory_space<hbm>> -> memref<32768xf32, #tpu.memory_space<hbm>>
    %dma_wait3A_248 = tpu.memref_slice %arg4[%mul3A_221] : memref<16777216xf32, #tpu.memory_space<hbm>> -> memref<32768xf32, #tpu.memory_space<hbm>>
    tpu.wait_dma2 semaphore(%arg13 : memref<!tpu.dma_semaphore, #tpu.memory_space<semaphore_mem>>) src(%arg8 : memref<32768xf32, #tpu.memory_space<vmem>>) dst(%dma_wait3A_248 : memref<32768xf32, #tpu.memory_space<hbm>>)
    %parallel_loop3A_249 = arith.constant 0 : i32
    %parallel_loop3A_250 = arith.constant 512 : i32
    %parallel_loop3A_251 = arith.constant 1 : i32
    scf.for %parallel_loop3A_275 = %parallel_loop3A_249 to %parallel_loop3A_250 step %parallel_loop3A_251  : i32 {
      %parallel_loop3A_276 = arith.constant 16 : i32
      %parallel_loop3A_277 = arith.muli %parallel_loop3A_275, %parallel_loop3A_276 : i32
      %parallel_loop3A_278 = arith.index_cast %parallel_loop3A_277 : i32 to index
      %parallel_loop3A_279 = tpu.vector_load %arg6[%parallel_loop3A_278] {strides = array<i32>} : memref<8192xi32, #tpu.memory_space<vmem>>, vector<16xi32>,
      %parallel_loop3A_280 = arith.constant 4 : i32
      %parallel_loop3A_281 = vector.broadcast %parallel_loop3A_280 : i32 to vector<16xi32>
      %parallel_loop3A_282 = arith.muli %parallel_loop3A_279, %parallel_loop3A_281 : vector<16xi32>
      %parallel_loop3A_283 = arith.constant 64 : i32
      %parallel_loop3A_284 = arith.muli %parallel_loop3A_275, %parallel_loop3A_283 : i32
      %parallel_loop3A_285 = arith.constant 0 : i32
      %parallel_loop3A_286 = vector.broadcast %parallel_loop3A_285 : i32 to vector<16xi32>
      %parallel_loop3A_287 = arith.addi %parallel_loop3A_282, %parallel_loop3A_286 : vector<16xi32>
      %parallel_loop3A_288 = tpu.vector_load_idx %arg5[%parallel_loop3A_287] : memref<1024xf32, #tpu.memory_space<vmem>>[vector<16xi32>], vector<16xf32>,
      %parallel_loop3A_289 = arith.constant 1 : i32
      %parallel_loop3A_290 = vector.broadcast %parallel_loop3A_289 : i32 to vector<16xi32>
      %parallel_loop3A_291 = arith.addi %parallel_loop3A_282, %parallel_loop3A_290 : vector<16xi32>
      %parallel_loop3A_292 = tpu.vector_load_idx %arg5[%parallel_loop3A_291] : memref<1024xf32, #tpu.memory_space<vmem>>[vector<16xi32>], vector<16xf32>,
      %parallel_loop3A_293 = arith.constant 2 : i32
      %parallel_loop3A_294 = vector.broadcast %parallel_loop3A_293 : i32 to vector<16xi32>
      %parallel_loop3A_295 = arith.addi %parallel_loop3A_282, %parallel_loop3A_294 : vector<16xi32>
      %parallel_loop3A_296 = tpu.vector_load_idx %arg5[%parallel_loop3A_295] : memref<1024xf32, #tpu.memory_space<vmem>>[vector<16xi32>], vector<16xf32>,
      %parallel_loop3A_297 = arith.constant 3 : i32
      %parallel_loop3A_298 = vector.broadcast %parallel_loop3A_297 : i32 to vector<16xi32>
      %parallel_loop3A_299 = arith.addi %parallel_loop3A_282, %parallel_loop3A_298 : vector<16xi32>
      %parallel_loop3A_300 = tpu.vector_load_idx %arg5[%parallel_loop3A_299] : memref<1024xf32, #tpu.memory_space<vmem>>[vector<16xi32>], vector<16xf32>,
      %parallel_loop3A_301 = arith.constant 0 : i32
      %parallel_loop3A_302 = arith.addi %parallel_loop3A_284, %parallel_loop3A_301 : i32
      %parallel_loop3A_303 = vector.broadcast %parallel_loop3A_302 : i32 to vector<16xi32>
      %parallel_loop3A_304 = arith.addi %mul3A_5, %parallel_loop3A_303 : vector<16xi32>
      tpu.vector_store_idx %arg8[%parallel_loop3A_304], %parallel_loop3A_288 : memref<32768xf32, #tpu.memory_space<vmem>>[vector<16xi32>], vector<16xf32>,
      %parallel_loop3A_305 = arith.constant 1 : i32
      %parallel_loop3A_306 = arith.addi %parallel_loop3A_284, %parallel_loop3A_305 : i32
      %parallel_loop3A_307 = vector.broadcast %parallel_loop3A_306 : i32 to vector<16xi32>
      %parallel_loop3A_308 = arith.addi %mul3A_5, %parallel_loop3A_307 : vector<16xi32>
      tpu.vector_store_idx %arg8[%parallel_loop3A_308], %parallel_loop3A_292 : memref<32768xf32, #tpu.memory_space<vmem>>[vector<16xi32>], vector<16xf32>,
      %parallel_loop3A_309 = arith.constant 2 : i32
      %parallel_loop3A_310 = arith.addi %parallel_loop3A_284, %parallel_loop3A_309 : i32
      %parallel_loop3A_311 = vector.broadcast %parallel_loop3A_310 : i32 to vector<16xi32>
      %parallel_loop3A_312 = arith.addi %mul3A_5, %parallel_loop3A_311 : vector<16xi32>
      tpu.vector_store_idx %arg8[%parallel_loop3A_312], %parallel_loop3A_296 : memref<32768xf32, #tpu.memory_space<vmem>>[vector<16xi32>], vector<16xf32>,
      %parallel_loop3A_313 = arith.constant 3 : i32
      %parallel_loop3A_314 = arith.addi %parallel_loop3A_284, %parallel_loop3A_313 : i32
      %parallel_loop3A_315 = vector.broadcast %parallel_loop3A_314 : i32 to vector<16xi32>
      %parallel_loop3A_316 = arith.addi %mul3A_5, %parallel_loop3A_315 : vector<16xi32>
      tpu.vector_store_idx %arg8[%parallel_loop3A_316], %parallel_loop3A_300 : memref<32768xf32, #tpu.memory_space<vmem>>[vector<16xi32>], vector<16xf32>,
    } {sc.loop_unroll_factor = 1 : i64, sc.parallel_access}
    %add3A_252 = arith.constant 114688 : i32
    %add3A_253 = arith.addi %mul3A_2, %add3A_252 : i32
    %mul3A_254 = arith.constant 4 : i32
    %mul3A_255 = arith.muli %add3A_253, %mul3A_254 : i32
    %dma_start3A_256 = tpu.memref_slice %arg4[%mul3A_255] : memref<16777216xf32, #tpu.memory_space<hbm>> -> memref<32768xf32, #tpu.memory_space<hbm>>
    %dma_start3A_257 = tpu.memref_slice %arg4[%mul3A_255] : memref<16777216xf32, #tpu.memory_space<hbm>> -> memref<32768xf32, #tpu.memory_space<hbm>>
    tpu.enqueue_dma source(%arg8 : memref<32768xf32, #tpu.memory_space<vmem>>) target(%dma_start3A_257 : memref<32768xf32, #tpu.memory_space<hbm>>) target_semaphore(%arg13 : memref<!tpu.dma_semaphore, #tpu.memory_space<semaphore_mem>>)
    %dma_wait3A_258 = tpu.memref_slice %arg3[%add3A_242] : memref<4194304xi32, #tpu.memory_space<hbm>> -> memref<8192xi32, #tpu.memory_space<hbm>>
    %dma_wait3A_259 = tpu.memref_slice %arg3[%add3A_242] : memref<4194304xi32, #tpu.memory_space<hbm>> -> memref<8192xi32, #tpu.memory_space<hbm>>
    tpu.wait_dma2 semaphore(%arg12 : memref<!tpu.dma_semaphore, #tpu.memory_space<semaphore_mem>>) src(%dma_wait3A_259 : memref<8192xi32, #tpu.memory_space<hbm>>) dst(%arg7 : memref<8192xi32, #tpu.memory_space<vmem>>)
    %dma_wait3A_260 = tpu.memref_slice %arg4[%mul3A_238] : memref<16777216xf32, #tpu.memory_space<hbm>> -> memref<32768xf32, #tpu.memory_space<hbm>>
    %dma_wait3A_261 = tpu.memref_slice %arg4[%mul3A_238] : memref<16777216xf32, #tpu.memory_space<hbm>> -> memref<32768xf32, #tpu.memory_space<hbm>>
    tpu.wait_dma2 semaphore(%arg14 : memref<!tpu.dma_semaphore, #tpu.memory_space<semaphore_mem>>) src(%arg9 : memref<32768xf32, #tpu.memory_space<vmem>>) dst(%dma_wait3A_261 : memref<32768xf32, #tpu.memory_space<hbm>>)
    %parallel_loop3A_262 = arith.constant 0 : i32
    %parallel_loop3A_263 = arith.constant 512 : i32
    %parallel_loop3A_264 = arith.constant 1 : i32
    scf.for %parallel_loop3A_275 = %parallel_loop3A_262 to %parallel_loop3A_263 step %parallel_loop3A_264  : i32 {
      %parallel_loop3A_276 = arith.constant 16 : i32
      %parallel_loop3A_277 = arith.muli %parallel_loop3A_275, %parallel_loop3A_276 : i32
      %parallel_loop3A_278 = arith.index_cast %parallel_loop3A_277 : i32 to index
      %parallel_loop3A_279 = tpu.vector_load %arg7[%parallel_loop3A_278] {strides = array<i32>} : memref<8192xi32, #tpu.memory_space<vmem>>, vector<16xi32>,
      %parallel_loop3A_280 = arith.constant 4 : i32
      %parallel_loop3A_281 = vector.broadcast %parallel_loop3A_280 : i32 to vector<16xi32>
      %parallel_loop3A_282 = arith.muli %parallel_loop3A_279, %parallel_loop3A_281 : vector<16xi32>
      %parallel_loop3A_283 = arith.constant 64 : i32
      %parallel_loop3A_284 = arith.muli %parallel_loop3A_275, %parallel_loop3A_283 : i32
      %parallel_loop3A_285 = arith.constant 0 : i32
      %parallel_loop3A_286 = vector.broadcast %parallel_loop3A_285 : i32 to vector<16xi32>
      %parallel_loop3A_287 = arith.addi %parallel_loop3A_282, %parallel_loop3A_286 : vector<16xi32>
      %parallel_loop3A_288 = tpu.vector_load_idx %arg5[%parallel_loop3A_287] : memref<1024xf32, #tpu.memory_space<vmem>>[vector<16xi32>], vector<16xf32>,
      %parallel_loop3A_289 = arith.constant 1 : i32
      %parallel_loop3A_290 = vector.broadcast %parallel_loop3A_289 : i32 to vector<16xi32>
      %parallel_loop3A_291 = arith.addi %parallel_loop3A_282, %parallel_loop3A_290 : vector<16xi32>
      %parallel_loop3A_292 = tpu.vector_load_idx %arg5[%parallel_loop3A_291] : memref<1024xf32, #tpu.memory_space<vmem>>[vector<16xi32>], vector<16xf32>,
      %parallel_loop3A_293 = arith.constant 2 : i32
      %parallel_loop3A_294 = vector.broadcast %parallel_loop3A_293 : i32 to vector<16xi32>
      %parallel_loop3A_295 = arith.addi %parallel_loop3A_282, %parallel_loop3A_294 : vector<16xi32>
      %parallel_loop3A_296 = tpu.vector_load_idx %arg5[%parallel_loop3A_295] : memref<1024xf32, #tpu.memory_space<vmem>>[vector<16xi32>], vector<16xf32>,
      %parallel_loop3A_297 = arith.constant 3 : i32
      %parallel_loop3A_298 = vector.broadcast %parallel_loop3A_297 : i32 to vector<16xi32>
      %parallel_loop3A_299 = arith.addi %parallel_loop3A_282, %parallel_loop3A_298 : vector<16xi32>
      %parallel_loop3A_300 = tpu.vector_load_idx %arg5[%parallel_loop3A_299] : memref<1024xf32, #tpu.memory_space<vmem>>[vector<16xi32>], vector<16xf32>,
      %parallel_loop3A_301 = arith.constant 0 : i32
      %parallel_loop3A_302 = arith.addi %parallel_loop3A_284, %parallel_loop3A_301 : i32
      %parallel_loop3A_303 = vector.broadcast %parallel_loop3A_302 : i32 to vector<16xi32>
      %parallel_loop3A_304 = arith.addi %mul3A_5, %parallel_loop3A_303 : vector<16xi32>
      tpu.vector_store_idx %arg9[%parallel_loop3A_304], %parallel_loop3A_288 : memref<32768xf32, #tpu.memory_space<vmem>>[vector<16xi32>], vector<16xf32>,
      %parallel_loop3A_305 = arith.constant 1 : i32
      %parallel_loop3A_306 = arith.addi %parallel_loop3A_284, %parallel_loop3A_305 : i32
      %parallel_loop3A_307 = vector.broadcast %parallel_loop3A_306 : i32 to vector<16xi32>
      %parallel_loop3A_308 = arith.addi %mul3A_5, %parallel_loop3A_307 : vector<16xi32>
      tpu.vector_store_idx %arg9[%parallel_loop3A_308], %parallel_loop3A_292 : memref<32768xf32, #tpu.memory_space<vmem>>[vector<16xi32>], vector<16xf32>,
      %parallel_loop3A_309 = arith.constant 2 : i32
      %parallel_loop3A_310 = arith.addi %parallel_loop3A_284, %parallel_loop3A_309 : i32
      %parallel_loop3A_311 = vector.broadcast %parallel_loop3A_310 : i32 to vector<16xi32>
      %parallel_loop3A_312 = arith.addi %mul3A_5, %parallel_loop3A_311 : vector<16xi32>
      tpu.vector_store_idx %arg9[%parallel_loop3A_312], %parallel_loop3A_296 : memref<32768xf32, #tpu.memory_space<vmem>>[vector<16xi32>], vector<16xf32>,
      %parallel_loop3A_313 = arith.constant 3 : i32
      %parallel_loop3A_314 = arith.addi %parallel_loop3A_284, %parallel_loop3A_313 : i32
      %parallel_loop3A_315 = vector.broadcast %parallel_loop3A_314 : i32 to vector<16xi32>
      %parallel_loop3A_316 = arith.addi %mul3A_5, %parallel_loop3A_315 : vector<16xi32>
      tpu.vector_store_idx %arg9[%parallel_loop3A_316], %parallel_loop3A_300 : memref<32768xf32, #tpu.memory_space<vmem>>[vector<16xi32>], vector<16xf32>,
    } {sc.loop_unroll_factor = 1 : i64, sc.parallel_access}
    %add3A_265 = arith.constant 122880 : i32
    %add3A_266 = arith.addi %mul3A_2, %add3A_265 : i32
    %mul3A_267 = arith.constant 4 : i32
    %mul3A_268 = arith.muli %add3A_266, %mul3A_267 : i32
    %dma_start3A_269 = tpu.memref_slice %arg4[%mul3A_268] : memref<16777216xf32, #tpu.memory_space<hbm>> -> memref<32768xf32, #tpu.memory_space<hbm>>
    %dma_start3A_270 = tpu.memref_slice %arg4[%mul3A_268] : memref<16777216xf32, #tpu.memory_space<hbm>> -> memref<32768xf32, #tpu.memory_space<hbm>>
    tpu.enqueue_dma source(%arg9 : memref<32768xf32, #tpu.memory_space<vmem>>) target(%dma_start3A_270 : memref<32768xf32, #tpu.memory_space<hbm>>) target_semaphore(%arg14 : memref<!tpu.dma_semaphore, #tpu.memory_space<semaphore_mem>>)
    %dma_wait3A_271 = tpu.memref_slice %arg4[%mul3A_255] : memref<16777216xf32, #tpu.memory_space<hbm>> -> memref<32768xf32, #tpu.memory_space<hbm>>
    %dma_wait3A_272 = tpu.memref_slice %arg4[%mul3A_255] : memref<16777216xf32, #tpu.memory_space<hbm>> -> memref<32768xf32, #tpu.memory_space<hbm>>
    tpu.wait_dma2 semaphore(%arg13 : memref<!tpu.dma_semaphore, #tpu.memory_space<semaphore_mem>>) src(%arg8 : memref<32768xf32, #tpu.memory_space<vmem>>) dst(%dma_wait3A_272 : memref<32768xf32, #tpu.memory_space<hbm>>)
    %dma_wait3A_273 = tpu.memref_slice %arg4[%mul3A_268] : memref<16777216xf32, #tpu.memory_space<hbm>> -> memref<32768xf32, #tpu.memory_space<hbm>>
    %dma_wait3A_274 = tpu.memref_slice %arg4[%mul3A_268] : memref<16777216xf32, #tpu.memory_space<hbm>> -> memref<32768xf32, #tpu.memory_space<hbm>>
    tpu.wait_dma2 semaphore(%arg14 : memref<!tpu.dma_semaphore, #tpu.memory_space<semaphore_mem>>) src(%arg9 : memref<32768xf32, #tpu.memory_space<vmem>>) dst(%dma_wait3A_274 : memref<32768xf32, #tpu.memory_space<hbm>>)
    return
  }
}

</mosaic_0001>

<sc_bundles>
// kernel: kernel.3.cloned.1.call-start
scs
__scs_entry_jumppad:
0x0: {  	(pc) =	sbr.rel $0x88, $3  }
0x1: {  	(tag) =	ssettag $0x0;
	lr =	simm.s32 $0x1  }
0x2: {  	[smem:$0x3F9F] =	sst lr;
	_ =	strace $0xD0000000  }
0x3: {  	_ = 	snop  }
0x4: {  	_ = 	snop  }
0x5: {  	_ = 	snop  }
0x6: {  	_ = 	snop  }
0x7: {  	_ = 	snop  }
__scs_overlays_trampoline_lowered:
0x8: {  	[smem:$0x3FAE] =	sst s0  }
0x9: {  	[smem:$0x3FAF] =	sst s1  }
0xa: {  	[smem:$0x3FB0] =	sst s2  }
0xb: {  	[smem:$0x3FB1] =	sst s3  }
0xc: {  	[smem:$0x3FB2] =	sst s4  }
0xd: {  	[smem:$0x3FB3] =	sst s5  }
0xe: {  	[smem:$0x3FB4] =	sst s6  }
0xf: {  	[smem:$0x3FB5] =	sst s7  }
0x10: {  	[smem:$0x3FB6] =	sst s8  }
0x11: {  	[smem:$0x3FB7] =	sst s9;
	s0 =	simm.s32 @!p0 $0x0  }
0x12: {  	s1 =	sld [smem:$0x3F9D];
	s0 =	simm.s32 @p0 $0x1  }
0x13: {  	[smem:$0x3FB8] =	sst s0;
	s0 =	simm.s32 @!p1 $0x0  }
0x14: {  	s2 =	sld [smem:$0x3F9C];
	s0 =	simm.s32 @p1 $0x1  }
0x15: {  	[smem:$0x3FB9] =	sst s0;
	s0 =	simm.s32 @!p2 $0x0  }
0x16: {  	s3 =	sld [smem:$0x3FDB];
	s0 =	simm.s32 @p2 $0x1  }
0x17: {  	s4 =	simm.s32 $0x1BF5;
	[smem:$0x3FBB] =	sst s0  }
0x18: {  	s0 =	sld [smem:$0x3F9E];
	_ =	swait.ge [sflag:s4], $0x0  }
0x19: {  	s7 =	sld [smem:$0x3F9F]  }
0x1a: {  	s8 =	sadd.s32 $0xFFFFE003, lr  }
0x1b: {  	s9 =	sadd.s32 $0xFFFFFEF7, lr;
	s5 =	simm.s32 $0xFFFFFFFF;
	p2 =	slt.u32 s8, $0xFFFFF086  }
0x1c: {  	p1 =	slt.u32 s9, $0xF7A;
	s5 =	simm.s32 @!p2 $0x0  }
0x1d: {  	s5 =	simm.s32 @p1 $0x1;
	p0 =	seq.s32 s7, s2  }
0x1e: {  	s7 =	smul.u32 @!p0 $0xF7A, s2;
	p2 =	seq.s32 @!p0 s5, $0x0  }
0x1f: {  	s9 =	smul.u32 $0xF7A, s1;
	s8 =	simm.s32 @!p0 $0x1BF5;
	p2 =	por !p2, p0  }
0x20: {  	[sflag:s8] =	ssyncset.s32 @!p0 $0xFFFFF086;
	s6 =	sadd.s32 @!p0 s3, s7;
	s7 =	simm.s32 @!p0 $0x108  }
0x21: {  	s3 =	sadd.s32 s3, s9;
	s6 =	sadd.s32 @!p0 $0x88, s6;
	s7 =	simm.s32 @p2 $0x1082  }
0x22: {  	[simem:s7], [sflag:s8] =	dma.local @!p0 [hbm:s6], $0xF7A  }
0x23: {  	s9 =	sor.u32 $0xD0000000, s2;
	s6 =	simm.s32 $0x108;
	_ =	swait.ge @!p0 [sflag:s8], $0x0  }
0x24: {  	s3 =	sadd.s32 $0x88, s3;
	s6 =	simm.s32 @!p1 $0x1082;
	[sflag:s4] =	ssyncset.s32 $0xFFFFF086  }
0x25: {  	[simem:s6], [sflag:s4] =	dma.local [hbm:s3], $0xF7A  }
0x26: {  	[smem:$0x3F9F] =	sst s1;
	(tag) =	ssettag s2;
	_ =	strace s9  }
0x27: {  	s1 =	sld [smem:$0x3FAF]  }
0x28: {  	s2 =	sld [smem:$0x3FB0]  }
0x29: {  	s4 =	sld [smem:$0x3FB2]  }
0x2a: {  	p0 =	seq.s32 s5, $0x0;
	s5 =	sld [smem:$0x3FB3]  }
0x2b: {  	s6 =	sld [smem:$0x3FB4]  }
0x2c: {  	s7 =	sld [smem:$0x3FB5]  }
0x2d: {  	s3 =	simm.s32 $0x108;
	s8 =	sld [smem:$0x3FB6]  }
0x2e: {  	s3 =	simm.s32 @!p0 $0x1082;
	s9 =	sld [smem:$0x3FB7]  }
0x2f: {  	lr =	sadd.s32 s0, s3;
	s0 =	sld [smem:$0x3FAE]  }
0x30: {  	s3 =	sld [smem:$0x3FB1]  }
0x31: {  	[smem:$0x3FBA] =	sst s10  }
0x32: {  	s10 =	sld [smem:$0x3FB8];
	_ =	sdelay $0x3  }
0x33: {  	p0 =	seq.s32 s10, $0x1;
	s10 =	sld [smem:$0x3FBA];
	_ =	sdelay $0x3  }
0x34: {  	[smem:$0x3FBA] =	sst s10  }
0x35: {  	s10 =	sld [smem:$0x3FB9];
	_ =	sdelay $0x3  }
0x36: {  	p1 =	seq.s32 s10, $0x1;
	s10 =	sld [smem:$0x3FBA];
	_ =	sdelay $0x3  }
0x37: {  	[smem:$0x3FBA] =	sst s10  }
0x38: {  	s10 =	sld [smem:$0x3FBB]  }
0x39: {  	_ = 	snop;
	(pc) =	sbr.ind lr, $3  }
0x3a: {  	_ = 	snop  }
0x3b: {  	_ = 	snop  }
0x3c: {  	p2 =	seq.s32 s10, $0x1;
	s10 =	sld [smem:$0x3FBA]  }
0x3d: {  	_ =	shalt  }
0x3e: {  	_ =	shalt  }
0x3f: {  	_ =	shalt  }
0x40: {  	_ =	shalt  }
0x41: {  	_ =	shalt  }
0x42: {  	_ =	shalt  }
0x43: {  	_ =	shalt  }
0x44: {  	_ =	shalt  }
0x45: {  	_ =	shalt  }
0x46: {  	_ =	shalt  }
0x47: {  	_ =	shalt  }
0x48: {  	_ =	shalt  }
0x49: {  	_ =	shalt  }
0x4a: {  	_ =	shalt  }
0x4b: {  	_ =	shalt  }
0x4c: {  	_ =	shalt  }
0x4d: {  	_ =	shalt  }
0x4e: {  	_ =	shalt  }
0x4f: {  	_ =	shalt  }
0x50: {  	_ =	shalt  }
0x51: {  	_ =	shalt  }
0x52: {  	_ =	shalt  }
0x53: {  	_ =	shalt  }
0x54: {  	_ =	shalt  }
0x55: {  	_ =	shalt  }
0x56: {  	_ =	shalt  }
0x57: {  	_ =	shalt  }
0x58: {  	_ =	shalt  }
0x59: {  	_ =	shalt  }
0x5a: {  	_ =	shalt  }
0x5b: {  	_ =	shalt  }
0x5c: {  	_ =	shalt  }
0x5d: {  	_ =	shalt  }
0x5e: {  	_ =	shalt  }
0x5f: {  	_ =	shalt  }
0x60: {  	_ =	shalt  }
0x61: {  	_ =	shalt  }
0x62: {  	_ =	shalt  }
0x63: {  	_ =	shalt  }
0x64: {  	_ =	shalt  }
0x65: {  	_ =	shalt  }
0x66: {  	_ =	shalt  }
0x67: {  	_ =	shalt  }
0x68: {  	_ =	shalt  }
0x69: {  	_ =	shalt  }
0x6a: {  	_ =	shalt  }
0x6b: {  	_ =	shalt  }
0x6c: {  	_ =	shalt  }
0x6d: {  	_ =	shalt  }
0x6e: {  	_ =	shalt  }
0x6f: {  	_ =	shalt  }
0x70: {  	_ =	shalt  }
0x71: {  	_ =	shalt  }
0x72: {  	_ =	shalt  }
0x73: {  	_ =	shalt  }
0x74: {  	_ =	shalt  }
0x75: {  	_ =	shalt  }
0x76: {  	_ =	shalt  }
0x77: {  	_ =	shalt  }
0x78: {  	_ =	shalt  }
0x79: {  	_ =	shalt  }
0x7a: {  	_ =	shalt  }
0x7b: {  	_ =	shalt  }
0x7c: {  	_ =	shalt  }
0x7d: {  	_ =	shalt  }
0x7e: {  	_ =	shalt  }
0x7f: {  	_ =	shalt  }
0x80: {  	_ =	shalt  }
0x81: {  	_ =	shalt  }
0x82: {  	_ =	shalt  }
0x83: {  	_ =	shalt  }
0x84: {  	_ =	shalt  }
0x85: {  	_ =	shalt  }
0x86: {  	_ =	shalt  }
0x87: {  	_ =	shalt  }
.Lfunc_end0:
.L_simem_size_0:
called_computation_lowered:
.L_overlay_start_0:
0x88: {  	s2 =	sld [smem:$0x3FD9]  }
0x89: {  	s3 =	sld [smem:$0x3FFE];
	_ =	sdelay $0x1  }
0x8a: {  	s1 =	srdreg.scid  }
0x8b: {  	s0 =	sand.u32 $0x1, s1  }
0x8c: {  	s17 =	sshll.u32 s0, $0xA;
	s2 =	sadd.s32 s3, s2  }
0x8d: {  	s2 =	sadd.s32 s2, s17  }
0x8e: {  	[smem:$0x3FC6] =	sst s2  }
0x8f: {  	_ = 	snop  }
0x90: {  	s2 =	sld [smem:$0x3FC8]  }
0x91: {  	s18 =	sld [smem:$0x3FD0];
	(tm) =	ssettm $0x1  }
0x92: {  	s4 =	sld [smem:$0x3FFB];
	_ =	sdelay $0x3  }
0x93: {  	_ =	strace s4  }
0x94: {  	s4 =	sld [smem:$0x3FFC];
	_ =	sdelay $0x3  }
0x95: {  	_ =	strace s4  }
0x96: {  	s4 =	sld [smem:$0x3FFD];
	_ =	sdelay $0x3  }
0x97: {  	_ =	strace s4  }
0x98: {  	_ =	strace $0x8FFFFFFF  }
0x99: {  	s19 =	sld [smem:$0x3FDB];
	_ =	sdelay $0x1  }
0x9a: {  	s5 =	simm.s32 $_scs_section_size  }
0x9b: {  	s6 =	simm.s32 $_size__tile_overlayer_lowered;
	s7 =	simm.s32 $_tile_overlayer_lowered  }
0x9c: {  	s22 =	simm.s32 $0x1BFF;
	s21 =	sshll.u32 s7, $0x1;
	s4 =	sadd.s32 s5, s19  }
0x9d: {  	s8 =	simm.s32 $0x0;
	s20 =	sshll.u32 s6, $0x1;
	s6 =	sadd.s32 s21, s4  }
0x9e: {  	[timem:s8], [sflag:s22] =	dma.local [hbm:s6], s20  }
0x9f: {  	_ =	swait.ge [sflag:s22], s20  }
0xa0: {  	s5 =	ssub.s32 $0x0, s20;
	[sflag:s22] =	ssyncset.done $0x0  }
0xa1: {  	[sflag:s22] =	ssyncadd.s32 s5;
	_ =	sdelay $0x1  }
0xa2: {  	s23 =	simm.s32 $0x1B8B  }
0xa3: {  	_ =	swait.ge [sflag:s23], $0x1  }
0xa4: {  	[sflag:s23] =	ssyncset.done $0x0  }
0xa5: {  	s25 =	simm.s32 $0x1B8E;
	s24 =	sld [smem:$0x3FFE];
	[sflag:s23] =	ssyncadd.s32 $0xFFFFFFFF  }
0xa6: {  	s26 =	simm.s32 $execute0_lowered;
	[smem:$0x3FD2] =	sst s25  }
0xa7: {  	s6 =	sshll.u32 s26, $0x1;
	_ =	strace $0x80000046;
	[dreg:$0x1] =	wrdreg $0xFFFFFFFF  }
0xa8: {  	s28 =	simm.s32 $_size_execute0_lowered;
	s4 =	sadd.s32 s4, s6;
	[dreg:$0x0] =	wrdreg $0x0  }
0xa9: {  	s6 =	sshll.u32 s28, $0x1;
	[dreg:$0x2] =	wrdreg s4  }
0xaa: {  	[dreg:$0x3] =	wrdreg s6  }
0xab: {  	[dreg:$0x4] =	wrdreg $0xC0  }
0xac: {  	_ =	task [dreg:s8], $0x5FFFF  }
0xad: {  	[dreg:$0x1] =	wrdreg $0xFFFFFFFF  }
0xae: {  	[dreg:$0x0] =	wrdreg $0x60  }
0xaf: {  	[dreg:$0x2] =	wrdreg s18  }
0xb0: {  	[dreg:$0x3] =	wrdreg s2  }
0xb1: {  	[dreg:$0x4] =	wrdreg s24  }
0xb2: {  	[dreg:$0x5] =	wrdreg $0x9  }
0xb3: {  	_ =	task.clear_ibuf [dreg:s8], $0x6FFFF;
	_ =	strace $0x90000046  }
0xb4: {  	s29 =	simm.s32 $0x9;
	_ =	strace $0x80000048  }
0xb5: {  	_ =	swait.ge [sflag:s29], $0x1  }
0xb6: {  	[sflag:s29] =	ssyncadd.s32 $0xFFFFFFFF  }
0xb7: {  	_ =	strace $0x90000048  }
0xb8: {  	_ =	sfence  }
0xb9: {  	s30 =	sld [smem:$0x0];
	_ =	sdelay $0x2  }
0xba: {  	s31 =	sshll.u32 s1, $0xD;
	s1 =	sshrl.u32 s1, $0x2  }
0xbb: {  	s3 =	sand.u32 $0x4000, s31;
	s1 =	sadd.s32 s1, s30  }
0xbc: {  	s0 =	sor.u32 s3, s0;
	s1 =	sshll.u32 s1, $0x11  }
0xbd: {  	s0 =	sor.u32 s1, s0  }
0xbe: {  	s0 =	sadd.s32 $0x8F2B, s0  }
0xbf: {  	[sflag:s0] =	ssyncadd.remote.s32 $0x1  }
0xc0: {  	_ =	sfence.sel $0xFFFF  }
0xc1: {  	[dreg:$0x0] =	wrdreg $0xFFFFFFFF;
	(pc) =	sbr.abs _section_cstart, $3  }
0xc2: {  	[dreg:$0x1] =	wrdreg $0xFFFFFFFF  }
0xc3: {  	_ =	task.clear_ibuf [dreg:s8], $0x2FFFF;
	_ =	strace $0x9FFFFFFF  }
0xc4: {  	(tm) =	ssettm $0x7FFFFFFF  }
0xc5: {  	_ =	shalt  }
tec
execute0_lowered:
.L_overlay_start_1:
0x0: {  	(tag) =	ssettag $0x1  }
0x1: {  	s0 =	srdreg.scid;
	s1 =	stileid.u32  }
0x2: {  	s0 =	sand.u32 $0x1, s0;
	s1 =	sshll.u32 s1, $0x1  }
0x3: {  	s2 =	rddreg [dreg:$0x1];
	s1 =	sor.u32 s0, s1  }
0x4: {  	s25 =	rddreg [dreg:$0x2];
	s0 =	ssub.s32 $0x2, s0;
	s4 =	sshll.u32 s1, $0x11  }
0x5: {  	s3 =	sshrl.u32 s0, $0x1;
	s5 =	sshll.u32 s1, $0xE;
	s1 =	sshll.u32 s1, $0x10  }
0x6: {  	s6 =	sor.u32 $0x2000, s4;
	s3 =	ssub.s32 s0, s3;
	s15 =	sadd.s32 s2, s5  }
0x7: {  	s5 =	sor.u32 $0x6000, s4;
	s9 =	sor.u32 $0x8000, s4;
	s12 =	sor.u32 $0xE000, s4  }
0x8: {  	[dreg:$0x4] =	wrdreg s15;
	s16 =	sshrl.u32 s6, $0x3;
	s8 =	sshrl.u32 s5, $0x3  }
0x9: {  	s18 =	sshrl.u32 s9, $0x3;
	s20 =	sshrl.u32 s12, $0x3;
	s15 =	sor.u32 $0x14000, s4  }
0xa: {  	s6 =	sshrl.u32 s6, $0x1;
	s5 =	sshrl.u32 s5, $0x1;
	s0 =	sadd.s32 s2, s16  }
0xb: {  	s3 =	smax.u32 s3, $0x1;
	[dreg:$0x5] =	wrdreg s0;
	s0 =	sor.u32 $0x4000, s4  }
0xc: {  	s17 =	sadd.s32 s2, s8;
	s8 =	sor.u32 $0xC000, s4;
	s7 =	sshrl.u32 s0, $0x3  }
0xd: {  	s22 =	sshrl.u32 s15, $0x3;
	[dreg:$0x7] =	wrdreg s17;
	s7 =	sadd.s32 s2, s7  }
0xe: {  	s11 =	sshrl.u32 s8, $0x3;
	[dreg:$0x6] =	wrdreg s7;
	s7 =	sadd.s32 s2, s18  }
0xf: {  	s8 =	sshrl.u32 s8, $0x1;
	[dreg:$0x8] =	wrdreg s7;
	s7 =	sor.u32 $0xA000, s4  }
0x10: {  	s19 =	sadd.s32 s2, s11;
	s11 =	sor.u32 $0x12000, s4;
	s10 =	sshrl.u32 s7, $0x3  }
0x11: {  	s0 =	sshrl.u32 s0, $0x1;
	[dreg:$0xa] =	wrdreg s19;
	s10 =	sadd.s32 s2, s10  }
0x12: {  	s14 =	sshrl.u32 s11, $0x3;
	[dreg:$0x9] =	wrdreg s10;
	s10 =	sadd.s32 s2, s20  }
0x13: {  	s11 =	sshrl.u32 s11, $0x1;
	[dreg:$0xb] =	wrdreg s10;
	s10 =	sor.u32 $0x10000, s4  }
0x14: {  	s21 =	sadd.s32 s2, s14;
	s14 =	sor.u32 $0x18000, s4;
	s13 =	sshrl.u32 s10, $0x3  }
0x15: {  	s18 =	sor.u32 $0x1A000, s4;
	[dreg:$0xd] =	wrdreg s21;
	s13 =	sadd.s32 s2, s13  }
0x16: {  	s17 =	sshrl.u32 s14, $0x3;
	[dreg:$0xc] =	wrdreg s13;
	s13 =	sadd.s32 s2, s22  }
0x17: {  	s23 =	sadd.s32 s2, s17;
	[dreg:$0xe] =	wrdreg s13;
	s13 =	sor.u32 $0x16000, s4  }
0x18: {  	s17 =	simm.s32 $0x0;
	[dreg:$0x10] =	wrdreg s23;
	s16 =	sshrl.u32 s13, $0x3  }
0x19: {  	s24 =	sshrl.u32 s18, $0x3;
	[smem:$0x7FF] =	sst s17;
	s16 =	sadd.s32 s2, s16  }
0x1a: {  	s18 =	sshrl.u32 s18, $0x1;
	[dreg:$0xf] =	wrdreg s16;
	s16 =	sadd.s32 s2, s24  }
0x1b: {  	s7 =	sshrl.u32 s7, $0x1;
	[dreg:$0x11] =	wrdreg s16;
	s16 =	sor.u32 $0x1C000, s4  }
0x1c: {  	s10 =	sshrl.u32 s10, $0x1;
	s4 =	sor.u32 $0x1E000, s4;
	s19 =	sshrl.u32 s16, $0x3  }
0x1d: {  	s13 =	sshrl.u32 s13, $0x1;
	s20 =	sshrl.u32 s4, $0x3;
	s19 =	sadd.s32 s2, s19  }
0x1e: {  	s4 =	sshrl.u32 s4, $0x1;
	s2 =	sadd.s32 s2, s20;
	[dreg:$0x12] =	wrdreg s19  }
0x1f: {  	[dreg:$0x13] =	wrdreg s2;
	s2 =	sadd.s32 $0x400, s25;
	s19 =	sshrl.u32 s16, $0x1  }
0x20: {  	s1 =	sadd.s32 s2, s1;
	s26 =	sadd.s32 s2, s6;
	s6 =	sshrl.u32 s9, $0x1  }
0x21: {  	s20 =	sadd.s32 s2, s0;
	s21 =	sadd.s32 s2, s5;
	s9 =	sshrl.u32 s12, $0x1  }
0x22: {  	s23 =	sadd.s32 s2, s7;
	s24 =	sadd.s32 s2, s8;
	s12 =	sshrl.u32 s15, $0x1  }
0x23: {  	s28 =	sadd.s32 s2, s11;
	s15 =	sshrl.u32 s14, $0x1;
	s30 =	sadd.s32 s2, s13  }
0x24: {  	s0 =	sadd.s32 s2, s18;
	s5 =	simm.s32 $0x400;
	s7 =	simm.s32 $0x2  }
0x25: {  	s8 =	simm.s32 $0x4400;
	s11 =	simm.s32 $0x4;
	[dreg:$0x14] =	wrdreg s1  }
0x26: {  	s13 =	simm.s32 $0x0;
	[dreg:$0x15] =	wrdreg s26;
	s22 =	sadd.s32 s2, s6  }
0x27: {  	s25 =	sadd.s32 s2, s9;
	s26 =	sadd.s32 s2, s10;
	s29 =	sadd.s32 s2, s12  }
0x28: {  	s31 =	sadd.s32 s2, s15;
	s1 =	sadd.s32 s2, s19;
	s2 =	sadd.s32 s2, s4  }
0x29: {  	v0 =	vlaneseq.u32;
	s4 =	simm.s32 $0x1;
	s6 =	simm.s32 $0x2400;
	s9 =	simm.s32 $0x3  }
0x2a: {  	v0 =	vmul.u32 $0x4, v0;
	s10 =	simm.s32 $0xC400;
	s12 =	simm.s32 $0x5;
	_ =	strace $0x80000047  }
.LBB2_1:
0x2b: {  	s14 =	rddreg [dreg:$0x0]  }
0x2c: {  	[tilespmem:s17], [sflag:$0x1] =	stream.linear.gather [hbm4b:s14+s17], $0x400, $0x38;
	[tilespmem:$0x14400] =	vst v63  }
0x2d: {  	_ =	swait.ge [sflag:s4], $0x400  }
0x2e: {  	[sflag:s4] =	ssyncset.done $0x0  }
0x2f: {  	s19 =	rddreg [dreg:$0x4];
	[sflag:s4] =	ssyncadd.s32 $0xFFFFFC00  }
0x30: {  	[tilespmem:s5], [sflag:$0x2] =	stream.linear.gather [hbm4b:s19+s17], $0x2000, $0x38;
	[tilespmem:$0x14400] =	vst v63  }
0x31: {  	s15 =	rddreg [dreg:$0x5]  }
0x32: {  	[tilespmem:s6], [sflag:$0x3] =	stream.linear.gather [hbm4b:s15+s17], $0x2000, $0x38;
	[tilespmem:$0x14400] =	vst v63  }
0x33: {  	_ =	swait.ge [sflag:s7], $0x2000  }
0x34: {  	[sflag:s7] =	ssyncset.done $0x0  }
0x35: {  	s16 =	simm.s32 $0x0;
	[sflag:s7] =	ssyncadd.s32 $0xFFFFE000  }
0x36: {  	v1 =	vld [tilespmem:s16+$0x400];
	_ =	sdelay $0x4  }
0x37: {  	s18 =	simm.s32 $0x10;
	v1 =	vshll.u32 v1, $0x2  }
0x38: {  	v2 =	vld [tilespmem:s18+$0x400];
	v4 =	vor.u32 $0x1, v1  }
0x39: {  	v9 =	vor.u32 $0x2, v1  }
0x3a: {  	s19 =	simm.s32 $0x20;
	v11 =	vor.u32 $0x3, v1  }
0x3b: {  	v7 =	vld [tilespmem:s19+$0x400]  }
0x3c: {  	v3 =	vld.idx.msk [tilespmem:v1+s17+$0x0], $0xffff  }
0x3d: {  	v5 =	vshll.u32 v2, $0x2;
	v1 =	vld.idx.msk [tilespmem:v4+s17+$0x0], $0xffff  }
0x3e: {  	v8 =	vor.u32 s17, v0;
	s14 =	simm.s32 $0x80;
	s16 =	simm.s32 $0x1;
	s18 =	simm.s32 $0x2;
	v6 =	vor.u32 $0x1, v5;
	v2 =	vld.idx.msk [tilespmem:v9+s17+$0x0], $0xffff  }
0x3f: {  	s15 =	simm.s32 $0x40;
	v10 =	vor.u32 $0x2, v5;
	v9 =	vor.u32 s16, v0;
	s16 =	simm.s32 $0xC0;
	v4 =	vld.idx.msk [tilespmem:v11+s17+$0x0], $0xffff;
	v11 =	vor.u32 s18, v0;
	s18 =	simm.s32 $0x3  }
.LBB2_2:
0x40: {  	s19 =	sshra.s32 s16, $0x2  }
0x41: {  	v12 =	vor.u32 $0x3, v5;
	v13 =	vor.u32 s18, v0;
	v14 =	vmov v7;
	s18 =	smov.u32 s15;
	s15 =	smov.u32 s14;
	p0 =	sne.s32 s16, $0x7FC0  }
.Ltmp0:
0x42: {  	s14 =	smov.u32 s16;
	v7 =	vld [tilespmem:s19+$0x400];
	(pc) =	sbr.rel @p0 .LBB2_2-.Ltmp0, $4  }
0x43: {  	[tilespmem:v8+s8+$0x0] =	vst.idx.msk $0xffff, v3;
	v3 =	vld.idx.msk [tilespmem:v5+s17+$0x0], $0xffff  }
0x44: {  	s19 =	sadd.s32 $0x1, s18;
	v5 =	vshll.u32 v14, $0x2;
	v8 =	vor.u32 s18, v0;
	[tilespmem:v9+s8+$0x0] =	vst.idx.msk $0xffff, v1;
	v1 =	vld.idx.msk [tilespmem:v6+s17+$0x0], $0xffff  }
0x45: {  	v6 =	vor.u32 $0x1, v5;
	v9 =	vor.u32 s19, v0;
	s19 =	sadd.s32 $0x2, s18;
	[tilespmem:v11+s8+$0x0] =	vst.idx.msk $0xffff, v2;
	v2 =	vld.idx.msk [tilespmem:v10+s17+$0x0], $0xffff  }
0x46: {  	s16 =	sadd.s32 $0x40, s16;
	s18 =	sadd.s32 $0x3, s18;
	v10 =	vor.u32 $0x2, v5;
	v11 =	vor.u32 s19, v0;
	[tilespmem:v13+s8+$0x0] =	vst.idx.msk $0xffff, v4;
	v4 =	vld.idx.msk [tilespmem:v12+s17+$0x0], $0xffff  }
0x47: {  	_ =	sdelay $0x1  }
0x48: {  	v12 =	vor.u32 $0x3, v5  }
0x49: {  	v13 =	vor.u32 s18, v0;
	v7 =	vshll.u32 v7, $0x2  }
0x4a: {  	v5 =	vld.idx.msk [tilespmem:v5+s17+$0x0], $0xffff;
	v14 =	vor.u32 s15, v0;
	s16 =	sadd.s32 $0x1, s15;
	v15 =	vor.u32 $0x1, v7  }
0x4b: {  	s19 =	sadd.s32 $0x2, s15;
	[tilespmem:v8+s8+$0x0] =	vst.idx.msk $0xffff, v3;
	v3 =	vld.idx.msk [tilespmem:v6+s17+$0x0], $0xffff;
	v6 =	vor.u32 s16, v0;
	v8 =	vor.u32 $0x2, v7  }
0x4c: {  	s18 =	sadd.s32 $0x3, s15;
	[tilespmem:v9+s8+$0x0] =	vst.idx.msk $0xffff, v1;
	v1 =	vld.idx.msk [tilespmem:v10+s17+$0x0], $0xffff;
	v9 =	vor.u32 s19, v0;
	v10 =	vor.u32 $0x3, v7  }
0x4d: {  	[tilespmem:v11+s8+$0x0] =	vst.idx.msk $0xffff, v2;
	v11 =	vor.u32 s18, v0;
	v2 =	vld.idx.msk [tilespmem:v12+s17+$0x0], $0xffff  }
0x4e: {  	s19 =	sadd.s32 $0x1, s14;
	[tilespmem:v13+s8+$0x0] =	vst.idx.msk $0xffff, v4;
	v4 =	vld.idx.msk [tilespmem:v7+s17+$0x0], $0xffff;
	v7 =	vor.u32 s14, v0  }
0x4f: {  	s16 =	sadd.s32 $0x2, s14;
	v63 =	vor.u32 s19, v0;
	[tilespmem:v14+s8+$0x0] =	vst.idx.msk $0xffff, v5;
	v5 =	vld.idx.msk [tilespmem:v15+s17+$0x0], $0xffff  }
0x50: {  	s18 =	sadd.s32 $0x3, s14;
	[tilespmem:v6+s8+$0x0] =	vst.idx.msk $0xffff, v3;
	v3 =	vld.idx.msk [tilespmem:v8+s17+$0x0], $0xffff;
	v6 =	vor.u32 s16, v0  }
0x51: {  	v8 =	vor.u32 s18, v0;
	[tilespmem:v9+s8+$0x0] =	vst.idx.msk $0xffff, v1;
	v1 =	vld.idx.msk [tilespmem:v10+s17+$0x0], $0xffff  }
0x52: {  	[tilespmem:v11+s8+$0x0] =	vst.idx.msk $0xffff, v2  }
0x53: {  	[tilespmem:v7+s8+$0x0] =	vst.idx.msk $0xffff, v4  }
0x54: {  	[tilespmem:v63+s8+$0x0] =	vst.idx.msk $0xffff, v5  }
0x55: {  	[tilespmem:v6+s8+$0x0] =	vst.idx.msk $0xffff, v3  }
0x56: {  	[tilespmem:v8+s8+$0x0] =	vst.idx.msk $0xffff, v1  }
0x57: {  	s14 =	simm.s32 $0x0;
	s19 =	rddreg [dreg:$0x14]  }
0x58: {  	[hbm4b:s19+s14] =	stream.linear.scatter [tilespmem:s8], [sflag:$0x4], $0x8000, $0x38;
	[tilespmem:$0x14400] =	vst v63  }
0x59: {  	s16 =	rddreg [dreg:$0x6]  }
0x5a: {  	[tilespmem:s5], [sflag:$0x2] =	stream.linear.gather [hbm4b:s16+s14], $0x2000, $0x38;
	[tilespmem:$0x14400] =	vst v63  }
0x5b: {  	_ =	swait.ge [sflag:s9], $0x2000  }
0x5c: {  	[sflag:s9] =	ssyncset.done $0x0  }
0x5d: {  	s18 =	simm.s32 $0x0;
	[sflag:s9] =	ssyncadd.s32 $0xFFFFE000  }
0x5e: {  	v1 =	vld [tilespmem:s18+$0x2400];
	_ =	sdelay $0x4  }
0x5f: {  	s19 =	simm.s32 $0x10;
	v1 =	vshll.u32 v1, $0x2  }
0x60: {  	v2 =	vld [tilespmem:s19+$0x2400];
	v4 =	vor.u32 $0x1, v1  }
0x61: {  	v9 =	vor.u32 $0x2, v1  }
0x62: {  	s16 =	simm.s32 $0x20;
	v11 =	vor.u32 $0x3, v1  }
0x63: {  	v7 =	vld [tilespmem:s16+$0x2400]  }
0x64: {  	v3 =	vld.idx.msk [tilespmem:v1+s17+$0x0], $0xffff  }
0x65: {  	v5 =	vshll.u32 v2, $0x2;
	v1 =	vld.idx.msk [tilespmem:v4+s17+$0x0], $0xffff  }
0x66: {  	s15 =	simm.s32 $0x40;
	v8 =	vor.u32 s14, v0;
	s18 =	simm.s32 $0x1;
	s19 =	simm.s32 $0x2;
	v6 =	vor.u32 $0x1, v5;
	v2 =	vld.idx.msk [tilespmem:v9+s17+$0x0], $0xffff  }
0x67: {  	s14 =	simm.s32 $0x80;
	s16 =	simm.s32 $0xC0;
	v10 =	vor.u32 $0x2, v5;
	v9 =	vor.u32 s18, v0;
	v4 =	vld.idx.msk [tilespmem:v11+s17+$0x0], $0xffff;
	v11 =	vor.u32 s19, v0;
	s18 =	simm.s32 $0x3  }
.LBB2_4:
0x68: {  	s19 =	sshra.s32 s16, $0x2  }
0x69: {  	v12 =	vor.u32 $0x3, v5;
	v13 =	vor.u32 s18, v0;
	v14 =	vmov v7;
	s18 =	smov.u32 s15;
	s15 =	smov.u32 s14;
	p0 =	sne.s32 s16, $0x7FC0  }
.Ltmp1:
0x6a: {  	s14 =	smov.u32 s16;
	v7 =	vld [tilespmem:s19+$0x2400];
	(pc) =	sbr.rel @p0 .LBB2_4-.Ltmp1, $4  }
0x6b: {  	[tilespmem:v8+s10+$0x0] =	vst.idx.msk $0xffff, v3;
	v3 =	vld.idx.msk [tilespmem:v5+s17+$0x0], $0xffff  }
0x6c: {  	s19 =	sadd.s32 $0x1, s18;
	v5 =	vshll.u32 v14, $0x2;
	v8 =	vor.u32 s18, v0;
	[tilespmem:v9+s10+$0x0] =	vst.idx.msk $0xffff, v1;
	v1 =	vld.idx.msk [tilespmem:v6+s17+$0x0], $0xffff  }
0x6d: {  	v6 =	vor.u32 $0x1, v5;
	v9 =	vor.u32 s19, v0;
	s19 =	sadd.s32 $0x2, s18;
	[tilespmem:v11+s10+$0x0] =	vst.idx.msk $0xffff, v2;
	v2 =	vld.idx.msk [tilespmem:v10+s17+$0x0], $0xffff  }
0x6e: {  	s16 =	sadd.s32 $0x40, s16;
	s18 =	sadd.s32 $0x3, s18;
	v10 =	vor.u32 $0x2, v5;
	v11 =	vor.u32 s19, v0;
	[tilespmem:v13+s10+$0x0] =	vst.idx.msk $0xffff, v4;
	v4 =	vld.idx.msk [tilespmem:v12+s17+$0x0], $0xffff  }
0x6f: {  	_ =	sdelay $0x1  }
0x70: {  	v12 =	vor.u32 $0x3, v5  }
0x71: {  	v13 =	vor.u32 s18, v0;
	v7 =	vshll.u32 v7, $0x2  }
0x72: {  	v5 =	vld.idx.msk [tilespmem:v5+s17+$0x0], $0xffff;
	v14 =	vor.u32 s15, v0;
	s16 =	sadd.s32 $0x1, s15;
	v15 =	vor.u32 $0x1, v7  }
0x73: {  	s19 =	sadd.s32 $0x2, s15;
	[tilespmem:v8+s10+$0x0] =	vst.idx.msk $0xffff, v3;
	v3 =	vld.idx.msk [tilespmem:v6+s17+$0x0], $0xffff;
	v6 =	vor.u32 s16, v0;
	v8 =	vor.u32 $0x2, v7  }
0x74: {  	s18 =	sadd.s32 $0x3, s15;
	[tilespmem:v9+s10+$0x0] =	vst.idx.msk $0xffff, v1;
	v1 =	vld.idx.msk [tilespmem:v10+s17+$0x0], $0xffff;
	v9 =	vor.u32 s19, v0;
	v10 =	vor.u32 $0x3, v7  }
0x75: {  	[tilespmem:v11+s10+$0x0] =	vst.idx.msk $0xffff, v2;
	v11 =	vor.u32 s18, v0;
	v2 =	vld.idx.msk [tilespmem:v12+s17+$0x0], $0xffff  }
0x76: {  	s19 =	sadd.s32 $0x1, s14;
	[tilespmem:v13+s10+$0x0] =	vst.idx.msk $0xffff, v4;
	v4 =	vld.idx.msk [tilespmem:v7+s17+$0x0], $0xffff;
	v7 =	vor.u32 s14, v0  }
0x77: {  	s16 =	sadd.s32 $0x2, s14;
	v63 =	vor.u32 s19, v0;
	[tilespmem:v14+s10+$0x0] =	vst.idx.msk $0xffff, v5;
	v5 =	vld.idx.msk [tilespmem:v15+s17+$0x0], $0xffff  }
0x78: {  	s18 =	sadd.s32 $0x3, s14;
	[tilespmem:v6+s10+$0x0] =	vst.idx.msk $0xffff, v3;
	v3 =	vld.idx.msk [tilespmem:v8+s17+$0x0], $0xffff;
	v6 =	vor.u32 s16, v0  }
0x79: {  	v8 =	vor.u32 s18, v0;
	[tilespmem:v9+s10+$0x0] =	vst.idx.msk $0xffff, v1;
	v1 =	vld.idx.msk [tilespmem:v10+s17+$0x0], $0xffff  }
0x7a: {  	[tilespmem:v11+s10+$0x0] =	vst.idx.msk $0xffff, v2  }
0x7b: {  	[tilespmem:v7+s10+$0x0] =	vst.idx.msk $0xffff, v4  }
0x7c: {  	[tilespmem:v63+s10+$0x0] =	vst.idx.msk $0xffff, v5  }
0x7d: {  	[tilespmem:v6+s10+$0x0] =	vst.idx.msk $0xffff, v3  }
0x7e: {  	[tilespmem:v8+s10+$0x0] =	vst.idx.msk $0xffff, v1  }
0x7f: {  	s14 =	simm.s32 $0x0;
	s19 =	rddreg [dreg:$0x15]  }
0x80: {  	[hbm4b:s19+s14] =	stream.linear.scatter [tilespmem:s10], [sflag:$0x5], $0x8000, $0x38;
	[tilespmem:$0x14400] =	vst v63  }
0x81: {  	s16 =	rddreg [dreg:$0x7]  }
0x82: {  	[tilespmem:s6], [sflag:$0x3] =	stream.linear.gather [hbm4b:s16+s14], $0x2000, $0x38;
	[tilespmem:$0x14400] =	vst v63  }
0x83: {  	_ =	swait.ge [sflag:s7], $0x2000  }
0x84: {  	[sflag:s7] =	ssyncset.done $0x0  }
0x85: {  	[sflag:s7] =	ssyncadd.s32 $0xFFFFE000  }
0x86: {  	_ =	swait.ge [sflag:s11], $0x8000  }
0x87: {  	[sflag:s11] =	ssyncset.done $0x0  }
0x88: {  	s18 =	simm.s32 $0x0;
	[sflag:s11] =	ssyncadd.s32 $0xFFFF8000  }
0x89: {  	v1 =	vld [tilespmem:s18+$0x400];
	_ =	sdelay $0x4  }
0x8a: {  	s19 =	simm.s32 $0x10;
	v1 =	vshll.u32 v1, $0x2  }
0x8b: {  	v2 =	vld [tilespmem:s19+$0x400];
	v4 =	vor.u32 $0x1, v1  }
0x8c: {  	v9 =	vor.u32 $0x2, v1  }
0x8d: {  	s16 =	simm.s32 $0x20;
	v11 =	vor.u32 $0x3, v1  }
0x8e: {  	v7 =	vld [tilespmem:s16+$0x400]  }
0x8f: {  	v3 =	vld.idx.msk [tilespmem:v1+s17+$0x0], $0xffff  }
0x90: {  	v5 =	vshll.u32 v2, $0x2;
	v1 =	vld.idx.msk [tilespmem:v4+s17+$0x0], $0xffff  }
0x91: {  	s15 =	simm.s32 $0x40;
	v8 =	vor.u32 s14, v0;
	s18 =	simm.s32 $0x1;
	s19 =	simm.s32 $0x2;
	v6 =	vor.u32 $0x1, v5;
	v2 =	vld.idx.msk [tilespmem:v9+s17+$0x0], $0xffff  }
0x92: {  	s14 =	simm.s32 $0x80;
	s16 =	simm.s32 $0xC0;
	v10 =	vor.u32 $0x2, v5;
	v9 =	vor.u32 s18, v0;
	v4 =	vld.idx.msk [tilespmem:v11+s17+$0x0], $0xffff;
	v11 =	vor.u32 s19, v0;
	s18 =	simm.s32 $0x3  }
.LBB2_6:
0x93: {  	s19 =	sshra.s32 s16, $0x2  }
0x94: {  	v12 =	vor.u32 $0x3, v5;
	v13 =	vor.u32 s18, v0;
	v14 =	vmov v7;
	s18 =	smov.u32 s15;
	s15 =	smov.u32 s14;
	p0 =	sne.s32 s16, $0x7FC0  }
.Ltmp2:
0x95: {  	s14 =	smov.u32 s16;
	v7 =	vld [tilespmem:s19+$0x400];
	(pc) =	sbr.rel @p0 .LBB2_6-.Ltmp2, $4  }
0x96: {  	[tilespmem:v8+s8+$0x0] =	vst.idx.msk $0xffff, v3;
	v3 =	vld.idx.msk [tilespmem:v5+s17+$0x0], $0xffff  }
0x97: {  	s19 =	sadd.s32 $0x1, s18;
	v5 =	vshll.u32 v14, $0x2;
	v8 =	vor.u32 s18, v0;
	[tilespmem:v9+s8+$0x0] =	vst.idx.msk $0xffff, v1;
	v1 =	vld.idx.msk [tilespmem:v6+s17+$0x0], $0xffff  }
0x98: {  	v6 =	vor.u32 $0x1, v5;
	v9 =	vor.u32 s19, v0;
	s19 =	sadd.s32 $0x2, s18;
	[tilespmem:v11+s8+$0x0] =	vst.idx.msk $0xffff, v2;
	v2 =	vld.idx.msk [tilespmem:v10+s17+$0x0], $0xffff  }
0x99: {  	s16 =	sadd.s32 $0x40, s16;
	s18 =	sadd.s32 $0x3, s18;
	v10 =	vor.u32 $0x2, v5;
	v11 =	vor.u32 s19, v0;
	[tilespmem:v13+s8+$0x0] =	vst.idx.msk $0xffff, v4;
	v4 =	vld.idx.msk [tilespmem:v12+s17+$0x0], $0xffff  }
0x9a: {  	_ =	sdelay $0x1  }
0x9b: {  	v12 =	vor.u32 $0x3, v5  }
0x9c: {  	v13 =	vor.u32 s18, v0;
	v7 =	vshll.u32 v7, $0x2  }
0x9d: {  	v5 =	vld.idx.msk [tilespmem:v5+s17+$0x0], $0xffff;
	v14 =	vor.u32 s15, v0;
	s16 =	sadd.s32 $0x1, s15;
	v15 =	vor.u32 $0x1, v7  }
0x9e: {  	s19 =	sadd.s32 $0x2, s15;
	[tilespmem:v8+s8+$0x0] =	vst.idx.msk $0xffff, v3;
	v3 =	vld.idx.msk [tilespmem:v6+s17+$0x0], $0xffff;
	v6 =	vor.u32 s16, v0;
	v8 =	vor.u32 $0x2, v7  }
0x9f: {  	s16 =	sadd.s32 $0x3, s15;
	[tilespmem:v9+s8+$0x0] =	vst.idx.msk $0xffff, v1;
	v1 =	vld.idx.msk [tilespmem:v10+s17+$0x0], $0xffff;
	v9 =	vor.u32 s19, v0;
	v10 =	vor.u32 $0x3, v7  }
0xa0: {  	[tilespmem:v11+s8+$0x0] =	vst.idx.msk $0xffff, v2;
	v11 =	vor.u32 s16, v0;
	v2 =	vld.idx.msk [tilespmem:v12+s17+$0x0], $0xffff  }
0xa1: {  	s18 =	sadd.s32 $0x1, s14;
	[tilespmem:v13+s8+$0x0] =	vst.idx.msk $0xffff, v4;
	v4 =	vld.idx.msk [tilespmem:v7+s17+$0x0], $0xffff;
	v7 =	vor.u32 s14, v0  }
0xa2: {  	v63 =	vor.u32 s18, v0;
	s19 =	sadd.s32 $0x2, s14;
	[tilespmem:v14+s8+$0x0] =	vst.idx.msk $0xffff, v5;
	v5 =	vld.idx.msk [tilespmem:v15+s17+$0x0], $0xffff  }
0xa3: {  	s15 =	sadd.s32 $0x3, s14;
	[tilespmem:v6+s8+$0x0] =	vst.idx.msk $0xffff, v3;
	v3 =	vld.idx.msk [tilespmem:v8+s17+$0x0], $0xffff;
	v6 =	vor.u32 s19, v0  }
0xa4: {  	v8 =	vor.u32 s15, v0;
	[tilespmem:v9+s8+$0x0] =	vst.idx.msk $0xffff, v1;
	v1 =	vld.idx.msk [tilespmem:v10+s17+$0x0], $0xffff  }
0xa5: {  	[tilespmem:v11+s8+$0x0] =	vst.idx.msk $0xffff, v2  }
0xa6: {  	[tilespmem:v7+s8+$0x0] =	vst.idx.msk $0xffff, v4  }
0xa7: {  	[tilespmem:v63+s8+$0x0] =	vst.idx.msk $0xffff, v5  }
0xa8: {  	[tilespmem:v6+s8+$0x0] =	vst.idx.msk $0xffff, v3  }
0xa9: {  	s14 =	simm.s32 $0x0;
	[tilespmem:v8+s8+$0x0] =	vst.idx.msk $0xffff, v1  }
0xaa: {  	[hbm4b:s20+s14] =	stream.linear.scatter [tilespmem:s8], [sflag:$0x4], $0x8000, $0x38;
	[tilespmem:$0x14400] =	vst v63  }
0xab: {  	s16 =	rddreg [dreg:$0x8]  }
0xac: {  	[tilespmem:s5], [sflag:$0x2] =	stream.linear.gather [hbm4b:s16+s14], $0x2000, $0x38;
	[tilespmem:$0x14400] =	vst v63  }
0xad: {  	_ =	swait.ge [sflag:s9], $0x2000  }
0xae: {  	[sflag:s9] =	ssyncset.done $0x0  }
0xaf: {  	[sflag:s9] =	ssyncadd.s32 $0xFFFFE000  }
0xb0: {  	_ =	swait.ge [sflag:s12], $0x8000  }
0xb1: {  	[sflag:s12] =	ssyncset.done $0x0  }
0xb2: {  	s18 =	simm.s32 $0x0;
	[sflag:s12] =	ssyncadd.s32 $0xFFFF8000  }
0xb3: {  	v1 =	vld [tilespmem:s18+$0x2400];
	_ =	sdelay $0x4  }
0xb4: {  	s19 =	simm.s32 $0x10;
	v1 =	vshll.u32 v1, $0x2  }
0xb5: {  	v2 =	vld [tilespmem:s19+$0x2400];
	v4 =	vor.u32 $0x1, v1  }
0xb6: {  	v9 =	vor.u32 $0x2, v1  }
0xb7: {  	s16 =	simm.s32 $0x20;
	v11 =	vor.u32 $0x3, v1  }
0xb8: {  	v7 =	vld [tilespmem:s16+$0x2400]  }
0xb9: {  	v3 =	vld.idx.msk [tilespmem:v1+s17+$0x0], $0xffff  }
0xba: {  	v5 =	vshll.u32 v2, $0x2;
	v1 =	vld.idx.msk [tilespmem:v4+s17+$0x0], $0xffff  }
0xbb: {  	s15 =	simm.s32 $0x40;
	v8 =	vor.u32 s14, v0;
	s18 =	simm.s32 $0x1;
	s19 =	simm.s32 $0x2;
	v6 =	vor.u32 $0x1, v5;
	v2 =	vld.idx.msk [tilespmem:v9+s17+$0x0], $0xffff  }
0xbc: {  	s14 =	simm.s32 $0x80;
	s16 =	simm.s32 $0xC0;
	v10 =	vor.u32 $0x2, v5;
	v9 =	vor.u32 s18, v0;
	v4 =	vld.idx.msk [tilespmem:v11+s17+$0x0], $0xffff;
	v11 =	vor.u32 s19, v0;
	s18 =	simm.s32 $0x3  }
.LBB2_8:
0xbd: {  	s19 =	sshra.s32 s16, $0x2  }
0xbe: {  	v12 =	vor.u32 $0x3, v5;
	v13 =	vor.u32 s18, v0;
	v14 =	vmov v7;
	s18 =	smov.u32 s15;
	s15 =	smov.u32 s14;
	p0 =	sne.s32 s16, $0x7FC0  }
.Ltmp3:
0xbf: {  	s14 =	smov.u32 s16;
	v7 =	vld [tilespmem:s19+$0x2400];
	(pc) =	sbr.rel @p0 .LBB2_8-.Ltmp3, $4  }
0xc0: {  	[tilespmem:v8+s10+$0x0] =	vst.idx.msk $0xffff, v3;
	v3 =	vld.idx.msk [tilespmem:v5+s17+$0x0], $0xffff  }
0xc1: {  	s19 =	sadd.s32 $0x1, s18;
	v5 =	vshll.u32 v14, $0x2;
	v8 =	vor.u32 s18, v0;
	[tilespmem:v9+s10+$0x0] =	vst.idx.msk $0xffff, v1;
	v1 =	vld.idx.msk [tilespmem:v6+s17+$0x0], $0xffff  }
0xc2: {  	v6 =	vor.u32 $0x1, v5;
	v9 =	vor.u32 s19, v0;
	s19 =	sadd.s32 $0x2, s18;
	[tilespmem:v11+s10+$0x0] =	vst.idx.msk $0xffff, v2;
	v2 =	vld.idx.msk [tilespmem:v10+s17+$0x0], $0xffff  }
0xc3: {  	s16 =	sadd.s32 $0x40, s16;
	s18 =	sadd.s32 $0x3, s18;
	v10 =	vor.u32 $0x2, v5;
	v11 =	vor.u32 s19, v0;
	[tilespmem:v13+s10+$0x0] =	vst.idx.msk $0xffff, v4;
	v4 =	vld.idx.msk [tilespmem:v12+s17+$0x0], $0xffff  }
0xc4: {  	_ =	sdelay $0x1  }
0xc5: {  	v12 =	vor.u32 $0x3, v5  }
0xc6: {  	v13 =	vor.u32 s18, v0;
	v7 =	vshll.u32 v7, $0x2  }
0xc7: {  	v5 =	vld.idx.msk [tilespmem:v5+s17+$0x0], $0xffff;
	v14 =	vor.u32 s15, v0;
	s16 =	sadd.s32 $0x1, s15;
	v15 =	vor.u32 $0x1, v7  }
0xc8: {  	s19 =	sadd.s32 $0x2, s15;
	[tilespmem:v8+s10+$0x0] =	vst.idx.msk $0xffff, v3;
	v3 =	vld.idx.msk [tilespmem:v6+s17+$0x0], $0xffff;
	v6 =	vor.u32 s16, v0;
	v8 =	vor.u32 $0x2, v7  }
0xc9: {  	s16 =	sadd.s32 $0x3, s15;
	[tilespmem:v9+s10+$0x0] =	vst.idx.msk $0xffff, v1;
	v1 =	vld.idx.msk [tilespmem:v10+s17+$0x0], $0xffff;
	v9 =	vor.u32 s19, v0;
	v10 =	vor.u32 $0x3, v7  }
0xca: {  	[tilespmem:v11+s10+$0x0] =	vst.idx.msk $0xffff, v2;
	v11 =	vor.u32 s16, v0;
	v2 =	vld.idx.msk [tilespmem:v12+s17+$0x0], $0xffff  }
0xcb: {  	s18 =	sadd.s32 $0x1, s14;
	[tilespmem:v13+s10+$0x0] =	vst.idx.msk $0xffff, v4;
	v4 =	vld.idx.msk [tilespmem:v7+s17+$0x0], $0xffff;
	v7 =	vor.u32 s14, v0  }
0xcc: {  	v63 =	vor.u32 s18, v0;
	s19 =	sadd.s32 $0x2, s14;
	[tilespmem:v14+s10+$0x0] =	vst.idx.msk $0xffff, v5;
	v5 =	vld.idx.msk [tilespmem:v15+s17+$0x0], $0xffff  }
0xcd: {  	s15 =	sadd.s32 $0x3, s14;
	[tilespmem:v6+s10+$0x0] =	vst.idx.msk $0xffff, v3;
	v3 =	vld.idx.msk [tilespmem:v8+s17+$0x0], $0xffff;
	v6 =	vor.u32 s19, v0  }
0xce: {  	v8 =	vor.u32 s15, v0;
	[tilespmem:v9+s10+$0x0] =	vst.idx.msk $0xffff, v1;
	v1 =	vld.idx.msk [tilespmem:v10+s17+$0x0], $0xffff  }
0xcf: {  	[tilespmem:v11+s10+$0x0] =	vst.idx.msk $0xffff, v2  }
0xd0: {  	[tilespmem:v7+s10+$0x0] =	vst.idx.msk $0xffff, v4  }
0xd1: {  	[tilespmem:v63+s10+$0x0] =	vst.idx.msk $0xffff, v5  }
0xd2: {  	[tilespmem:v6+s10+$0x0] =	vst.idx.msk $0xffff, v3  }
0xd3: {  	s14 =	simm.s32 $0x0;
	[tilespmem:v8+s10+$0x0] =	vst.idx.msk $0xffff, v1  }
0xd4: {  	[hbm4b:s21+s14] =	stream.linear.scatter [tilespmem:s10], [sflag:$0x5], $0x8000, $0x38;
	[tilespmem:$0x14400] =	vst v63  }
0xd5: {  	s16 =	rddreg [dreg:$0x9]  }
0xd6: {  	[tilespmem:s6], [sflag:$0x3] =	stream.linear.gather [hbm4b:s16+s14], $0x2000, $0x38;
	[tilespmem:$0x14400] =	vst v63  }
0xd7: {  	_ =	swait.ge [sflag:s7], $0x2000  }
0xd8: {  	[sflag:s7] =	ssyncset.done $0x0  }
0xd9: {  	[sflag:s7] =	ssyncadd.s32 $0xFFFFE000  }
0xda: {  	_ =	swait.ge [sflag:s11], $0x8000  }
0xdb: {  	[sflag:s11] =	ssyncset.done $0x0  }
0xdc: {  	s18 =	simm.s32 $0x0;
	[sflag:s11] =	ssyncadd.s32 $0xFFFF8000  }
0xdd: {  	v1 =	vld [tilespmem:s18+$0x400];
	_ =	sdelay $0x4  }
0xde: {  	s19 =	simm.s32 $0x10;
	v1 =	vshll.u32 v1, $0x2  }
0xdf: {  	v2 =	vld [tilespmem:s19+$0x400];
	v4 =	vor.u32 $0x1, v1  }
0xe0: {  	v9 =	vor.u32 $0x2, v1  }
0xe1: {  	s16 =	simm.s32 $0x20;
	v11 =	vor.u32 $0x3, v1  }
0xe2: {  	v7 =	vld [tilespmem:s16+$0x400]  }
0xe3: {  	v3 =	vld.idx.msk [tilespmem:v1+s17+$0x0], $0xffff  }
0xe4: {  	v5 =	vshll.u32 v2, $0x2;
	v1 =	vld.idx.msk [tilespmem:v4+s17+$0x0], $0xffff  }
0xe5: {  	s15 =	simm.s32 $0x40;
	v8 =	vor.u32 s14, v0;
	s18 =	simm.s32 $0x1;
	s19 =	simm.s32 $0x2;
	v6 =	vor.u32 $0x1, v5;
	v2 =	vld.idx.msk [tilespmem:v9+s17+$0x0], $0xffff  }
0xe6: {  	s14 =	simm.s32 $0x80;
	s16 =	simm.s32 $0xC0;
	v10 =	vor.u32 $0x2, v5;
	v9 =	vor.u32 s18, v0;
	v4 =	vld.idx.msk [tilespmem:v11+s17+$0x0], $0xffff;
	v11 =	vor.u32 s19, v0;
	s18 =	simm.s32 $0x3  }
.LBB2_10:
0xe7: {  	s19 =	sshra.s32 s16, $0x2  }
0xe8: {  	v12 =	vor.u32 $0x3, v5;
	v13 =	vor.u32 s18, v0;
	v14 =	vmov v7;
	s18 =	smov.u32 s15;
	s15 =	smov.u32 s14;
	p0 =	sne.s32 s16, $0x7FC0  }
.Ltmp4:
0xe9: {  	s14 =	smov.u32 s16;
	v7 =	vld [tilespmem:s19+$0x400];
	(pc) =	sbr.rel @p0 .LBB2_10-.Ltmp4, $4  }
0xea: {  	[tilespmem:v8+s8+$0x0] =	vst.idx.msk $0xffff, v3;
	v3 =	vld.idx.msk [tilespmem:v5+s17+$0x0], $0xffff  }
0xeb: {  	s19 =	sadd.s32 $0x1, s18;
	v5 =	vshll.u32 v14, $0x2;
	v8 =	vor.u32 s18, v0;
	[tilespmem:v9+s8+$0x0] =	vst.idx.msk $0xffff, v1;
	v1 =	vld.idx.msk [tilespmem:v6+s17+$0x0], $0xffff  }
0xec: {  	v6 =	vor.u32 $0x1, v5;
	v9 =	vor.u32 s19, v0;
	s19 =	sadd.s32 $0x2, s18;
	[tilespmem:v11+s8+$0x0] =	vst.idx.msk $0xffff, v2;
	v2 =	vld.idx.msk [tilespmem:v10+s17+$0x0], $0xffff  }
0xed: {  	s16 =	sadd.s32 $0x40, s16;
	s18 =	sadd.s32 $0x3, s18;
	v10 =	vor.u32 $0x2, v5;
	v11 =	vor.u32 s19, v0;
	[tilespmem:v13+s8+$0x0] =	vst.idx.msk $0xffff, v4;
	v4 =	vld.idx.msk [tilespmem:v12+s17+$0x0], $0xffff  }
0xee: {  	_ =	sdelay $0x1  }
0xef: {  	v12 =	vor.u32 $0x3, v5  }
0xf0: {  	v13 =	vor.u32 s18, v0;
	v7 =	vshll.u32 v7, $0x2  }
0xf1: {  	v5 =	vld.idx.msk [tilespmem:v5+s17+$0x0], $0xffff;
	v14 =	vor.u32 s15, v0;
	s16 =	sadd.s32 $0x1, s15;
	v15 =	vor.u32 $0x1, v7  }
0xf2: {  	s19 =	sadd.s32 $0x2, s15;
	[tilespmem:v8+s8+$0x0] =	vst.idx.msk $0xffff, v3;
	v3 =	vld.idx.msk [tilespmem:v6+s17+$0x0], $0xffff;
	v6 =	vor.u32 s16, v0;
	v8 =	vor.u32 $0x2, v7  }
0xf3: {  	s16 =	sadd.s32 $0x3, s15;
	[tilespmem:v9+s8+$0x0] =	vst.idx.msk $0xffff, v1;
	v1 =	vld.idx.msk [tilespmem:v10+s17+$0x0], $0xffff;
	v9 =	vor.u32 s19, v0;
	v10 =	vor.u32 $0x3, v7  }
0xf4: {  	[tilespmem:v11+s8+$0x0] =	vst.idx.msk $0xffff, v2;
	v11 =	vor.u32 s16, v0;
	v2 =	vld.idx.msk [tilespmem:v12+s17+$0x0], $0xffff  }
0xf5: {  	s18 =	sadd.s32 $0x1, s14;
	[tilespmem:v13+s8+$0x0] =	vst.idx.msk $0xffff, v4;
	v4 =	vld.idx.msk [tilespmem:v7+s17+$0x0], $0xffff;
	v7 =	vor.u32 s14, v0  }
0xf6: {  	v63 =	vor.u32 s18, v0;
	s19 =	sadd.s32 $0x2, s14;
	[tilespmem:v14+s8+$0x0] =	vst.idx.msk $0xffff, v5;
	v5 =	vld.idx.msk [tilespmem:v15+s17+$0x0], $0xffff  }
0xf7: {  	s15 =	sadd.s32 $0x3, s14;
	[tilespmem:v6+s8+$0x0] =	vst.idx.msk $0xffff, v3;
	v3 =	vld.idx.msk [tilespmem:v8+s17+$0x0], $0xffff;
	v6 =	vor.u32 s19, v0  }
0xf8: {  	v8 =	vor.u32 s15, v0;
	[tilespmem:v9+s8+$0x0] =	vst.idx.msk $0xffff, v1;
	v1 =	vld.idx.msk [tilespmem:v10+s17+$0x0], $0xffff  }
0xf9: {  	[tilespmem:v11+s8+$0x0] =	vst.idx.msk $0xffff, v2  }
0xfa: {  	[tilespmem:v7+s8+$0x0] =	vst.idx.msk $0xffff, v4  }
0xfb: {  	[tilespmem:v63+s8+$0x0] =	vst.idx.msk $0xffff, v5  }
0xfc: {  	[tilespmem:v6+s8+$0x0] =	vst.idx.msk $0xffff, v3  }
0xfd: {  	s14 =	simm.s32 $0x0;
	[tilespmem:v8+s8+$0x0] =	vst.idx.msk $0xffff, v1  }
0xfe: {  	[hbm4b:s22+s14] =	stream.linear.scatter [tilespmem:s8], [sflag:$0x4], $0x8000, $0x38;
	[tilespmem:$0x14400] =	vst v63  }
0xff: {  	s16 =	rddreg [dreg:$0xa]  }
0x100: {  	[tilespmem:s5], [sflag:$0x2] =	stream.linear.gather [hbm4b:s16+s14], $0x2000, $0x38;
	[tilespmem:$0x14400] =	vst v63  }
0x101: {  	_ =	swait.ge [sflag:s9], $0x2000  }
0x102: {  	[sflag:s9] =	ssyncset.done $0x0  }
0x103: {  	[sflag:s9] =	ssyncadd.s32 $0xFFFFE000  }
0x104: {  	_ =	swait.ge [sflag:s12], $0x8000  }
0x105: {  	[sflag:s12] =	ssyncset.done $0x0  }
0x106: {  	s18 =	simm.s32 $0x0;
	[sflag:s12] =	ssyncadd.s32 $0xFFFF8000  }
0x107: {  	v1 =	vld [tilespmem:s18+$0x2400];
	_ =	sdelay $0x4  }
0x108: {  	s19 =	simm.s32 $0x10;
	v1 =	vshll.u32 v1, $0x2  }
0x109: {  	v2 =	vld [tilespmem:s19+$0x2400];
	v4 =	vor.u32 $0x1, v1  }
0x10a: {  	v9 =	vor.u32 $0x2, v1  }
0x10b: {  	s16 =	simm.s32 $0x20;
	v11 =	vor.u32 $0x3, v1  }
0x10c: {  	v7 =	vld [tilespmem:s16+$0x2400]  }
0x10d: {  	v3 =	vld.idx.msk [tilespmem:v1+s17+$0x0], $0xffff  }
0x10e: {  	v5 =	vshll.u32 v2, $0x2;
	v1 =	vld.idx.msk [tilespmem:v4+s17+$0x0], $0xffff  }
0x10f: {  	s15 =	simm.s32 $0x40;
	v8 =	vor.u32 s14, v0;
	s18 =	simm.s32 $0x1;
	s19 =	simm.s32 $0x2;
	v6 =	vor.u32 $0x1, v5;
	v2 =	vld.idx.msk [tilespmem:v9+s17+$0x0], $0xffff  }
0x110: {  	s14 =	simm.s32 $0x80;
	s16 =	simm.s32 $0xC0;
	v10 =	vor.u32 $0x2, v5;
	v9 =	vor.u32 s18, v0;
	v4 =	vld.idx.msk [tilespmem:v11+s17+$0x0], $0xffff;
	v11 =	vor.u32 s19, v0;
	s18 =	simm.s32 $0x3  }
.LBB2_12:
0x111: {  	s19 =	sshra.s32 s16, $0x2  }
0x112: {  	v12 =	vor.u32 $0x3, v5;
	v13 =	vor.u32 s18, v0;
	v14 =	vmov v7;
	s18 =	smov.u32 s15;
	s15 =	smov.u32 s14;
	p0 =	sne.s32 s16, $0x7FC0  }
.Ltmp5:
0x113: {  	s14 =	smov.u32 s16;
	v7 =	vld [tilespmem:s19+$0x2400];
	(pc) =	sbr.rel @p0 .LBB2_12-.Ltmp5, $4  }
0x114: {  	[tilespmem:v8+s10+$0x0] =	vst.idx.msk $0xffff, v3;
	v3 =	vld.idx.msk [tilespmem:v5+s17+$0x0], $0xffff  }
0x115: {  	s19 =	sadd.s32 $0x1, s18;
	v5 =	vshll.u32 v14, $0x2;
	v8 =	vor.u32 s18, v0;
	[tilespmem:v9+s10+$0x0] =	vst.idx.msk $0xffff, v1;
	v1 =	vld.idx.msk [tilespmem:v6+s17+$0x0], $0xffff  }
0x116: {  	v6 =	vor.u32 $0x1, v5;
	v9 =	vor.u32 s19, v0;
	s19 =	sadd.s32 $0x2, s18;
	[tilespmem:v11+s10+$0x0] =	vst.idx.msk $0xffff, v2;
	v2 =	vld.idx.msk [tilespmem:v10+s17+$0x0], $0xffff  }
0x117: {  	s16 =	sadd.s32 $0x40, s16;
	s18 =	sadd.s32 $0x3, s18;
	v10 =	vor.u32 $0x2, v5;
	v11 =	vor.u32 s19, v0;
	[tilespmem:v13+s10+$0x0] =	vst.idx.msk $0xffff, v4;
	v4 =	vld.idx.msk [tilespmem:v12+s17+$0x0], $0xffff  }
0x118: {  	_ =	sdelay $0x1  }
0x119: {  	v12 =	vor.u32 $0x3, v5  }
0x11a: {  	v13 =	vor.u32 s18, v0;
	v7 =	vshll.u32 v7, $0x2  }
0x11b: {  	v5 =	vld.idx.msk [tilespmem:v5+s17+$0x0], $0xffff;
	v14 =	vor.u32 s15, v0;
	s16 =	sadd.s32 $0x1, s15;
	v15 =	vor.u32 $0x1, v7  }
0x11c: {  	s19 =	sadd.s32 $0x2, s15;
	[tilespmem:v8+s10+$0x0] =	vst.idx.msk $0xffff, v3;
	v3 =	vld.idx.msk [tilespmem:v6+s17+$0x0], $0xffff;
	v6 =	vor.u32 s16, v0;
	v8 =	vor.u32 $0x2, v7  }
0x11d: {  	s16 =	sadd.s32 $0x3, s15;
	[tilespmem:v9+s10+$0x0] =	vst.idx.msk $0xffff, v1;
	v1 =	vld.idx.msk [tilespmem:v10+s17+$0x0], $0xffff;
	v9 =	vor.u32 s19, v0;
	v10 =	vor.u32 $0x3, v7  }
0x11e: {  	[tilespmem:v11+s10+$0x0] =	vst.idx.msk $0xffff, v2;
	v11 =	vor.u32 s16, v0;
	v2 =	vld.idx.msk [tilespmem:v12+s17+$0x0], $0xffff  }
0x11f: {  	s18 =	sadd.s32 $0x1, s14;
	[tilespmem:v13+s10+$0x0] =	vst.idx.msk $0xffff, v4;
	v4 =	vld.idx.msk [tilespmem:v7+s17+$0x0], $0xffff;
	v7 =	vor.u32 s14, v0  }
0x120: {  	v63 =	vor.u32 s18, v0;
	s19 =	sadd.s32 $0x2, s14;
	[tilespmem:v14+s10+$0x0] =	vst.idx.msk $0xffff, v5;
	v5 =	vld.idx.msk [tilespmem:v15+s17+$0x0], $0xffff  }
0x121: {  	s15 =	sadd.s32 $0x3, s14;
	[tilespmem:v6+s10+$0x0] =	vst.idx.msk $0xffff, v3;
	v3 =	vld.idx.msk [tilespmem:v8+s17+$0x0], $0xffff;
	v6 =	vor.u32 s19, v0  }
0x122: {  	v8 =	vor.u32 s15, v0;
	[tilespmem:v9+s10+$0x0] =	vst.idx.msk $0xffff, v1;
	v1 =	vld.idx.msk [tilespmem:v10+s17+$0x0], $0xffff  }
0x123: {  	[tilespmem:v11+s10+$0x0] =	vst.idx.msk $0xffff, v2  }
0x124: {  	[tilespmem:v7+s10+$0x0] =	vst.idx.msk $0xffff, v4  }
0x125: {  	[tilespmem:v63+s10+$0x0] =	vst.idx.msk $0xffff, v5  }
0x126: {  	[tilespmem:v6+s10+$0x0] =	vst.idx.msk $0xffff, v3  }
0x127: {  	s14 =	simm.s32 $0x0;
	[tilespmem:v8+s10+$0x0] =	vst.idx.msk $0xffff, v1  }
0x128: {  	[hbm4b:s23+s14] =	stream.linear.scatter [tilespmem:s10], [sflag:$0x5], $0x8000, $0x38;
	[tilespmem:$0x14400] =	vst v63  }
0x129: {  	s16 =	rddreg [dreg:$0xb]  }
0x12a: {  	[tilespmem:s6], [sflag:$0x3] =	stream.linear.gather [hbm4b:s16+s14], $0x2000, $0x38;
	[tilespmem:$0x14400] =	vst v63  }
0x12b: {  	_ =	swait.ge [sflag:s7], $0x2000  }
0x12c: {  	[sflag:s7] =	ssyncset.done $0x0  }
0x12d: {  	[sflag:s7] =	ssyncadd.s32 $0xFFFFE000  }
0x12e: {  	_ =	swait.ge [sflag:s11], $0x8000  }
0x12f: {  	[sflag:s11] =	ssyncset.done $0x0  }
0x130: {  	s18 =	simm.s32 $0x0;
	[sflag:s11] =	ssyncadd.s32 $0xFFFF8000  }
0x131: {  	v1 =	vld [tilespmem:s18+$0x400];
	_ =	sdelay $0x4  }
0x132: {  	s19 =	simm.s32 $0x10;
	v1 =	vshll.u32 v1, $0x2  }
0x133: {  	v2 =	vld [tilespmem:s19+$0x400];
	v4 =	vor.u32 $0x1, v1  }
0x134: {  	v9 =	vor.u32 $0x2, v1  }
0x135: {  	s16 =	simm.s32 $0x20;
	v11 =	vor.u32 $0x3, v1  }
0x136: {  	v7 =	vld [tilespmem:s16+$0x400]  }
0x137: {  	v3 =	vld.idx.msk [tilespmem:v1+s17+$0x0], $0xffff  }
0x138: {  	v5 =	vshll.u32 v2, $0x2;
	v1 =	vld.idx.msk [tilespmem:v4+s17+$0x0], $0xffff  }
0x139: {  	s15 =	simm.s32 $0x40;
	v8 =	vor.u32 s14, v0;
	s18 =	simm.s32 $0x1;
	s19 =	simm.s32 $0x2;
	v6 =	vor.u32 $0x1, v5;
	v2 =	vld.idx.msk [tilespmem:v9+s17+$0x0], $0xffff  }
0x13a: {  	s14 =	simm.s32 $0x80;
	s16 =	simm.s32 $0xC0;
	v10 =	vor.u32 $0x2, v5;
	v9 =	vor.u32 s18, v0;
	v4 =	vld.idx.msk [tilespmem:v11+s17+$0x0], $0xffff;
	v11 =	vor.u32 s19, v0;
	s18 =	simm.s32 $0x3  }
.LBB2_14:
0x13b: {  	s19 =	sshra.s32 s16, $0x2  }
0x13c: {  	v12 =	vor.u32 $0x3, v5;
	v13 =	vor.u32 s18, v0;
	v14 =	vmov v7;
	s18 =	smov.u32 s15;
	s15 =	smov.u32 s14;
	p0 =	sne.s32 s16, $0x7FC0  }
.Ltmp6:
0x13d: {  	s14 =	smov.u32 s16;
	v7 =	vld [tilespmem:s19+$0x400];
	(pc) =	sbr.rel @p0 .LBB2_14-.Ltmp6, $4  }
0x13e: {  	[tilespmem:v8+s8+$0x0] =	vst.idx.msk $0xffff, v3;
	v3 =	vld.idx.msk [tilespmem:v5+s17+$0x0], $0xffff  }
0x13f: {  	s19 =	sadd.s32 $0x1, s18;
	v5 =	vshll.u32 v14, $0x2;
	v8 =	vor.u32 s18, v0;
	[tilespmem:v9+s8+$0x0] =	vst.idx.msk $0xffff, v1;
	v1 =	vld.idx.msk [tilespmem:v6+s17+$0x0], $0xffff  }
0x140: {  	v6 =	vor.u32 $0x1, v5;
	v9 =	vor.u32 s19, v0;
	s19 =	sadd.s32 $0x2, s18;
	[tilespmem:v11+s8+$0x0] =	vst.idx.msk $0xffff, v2;
	v2 =	vld.idx.msk [tilespmem:v10+s17+$0x0], $0xffff  }
0x141: {  	s16 =	sadd.s32 $0x40, s16;
	s18 =	sadd.s32 $0x3, s18;
	v10 =	vor.u32 $0x2, v5;
	v11 =	vor.u32 s19, v0;
	[tilespmem:v13+s8+$0x0] =	vst.idx.msk $0xffff, v4;
	v4 =	vld.idx.msk [tilespmem:v12+s17+$0x0], $0xffff  }
0x142: {  	_ =	sdelay $0x1  }
0x143: {  	v12 =	vor.u32 $0x3, v5  }
0x144: {  	v13 =	vor.u32 s18, v0;
	v7 =	vshll.u32 v7, $0x2  }
0x145: {  	v5 =	vld.idx.msk [tilespmem:v5+s17+$0x0], $0xffff;
	v14 =	vor.u32 s15, v0;
	s16 =	sadd.s32 $0x1, s15;
	v15 =	vor.u32 $0x1, v7  }
0x146: {  	s19 =	sadd.s32 $0x2, s15;
	[tilespmem:v8+s8+$0x0] =	vst.idx.msk $0xffff, v3;
	v3 =	vld.idx.msk [tilespmem:v6+s17+$0x0], $0xffff;
	v6 =	vor.u32 s16, v0;
	v8 =	vor.u32 $0x2, v7  }
0x147: {  	s16 =	sadd.s32 $0x3, s15;
	[tilespmem:v9+s8+$0x0] =	vst.idx.msk $0xffff, v1;
	v1 =	vld.idx.msk [tilespmem:v10+s17+$0x0], $0xffff;
	v9 =	vor.u32 s19, v0;
	v10 =	vor.u32 $0x3, v7  }
0x148: {  	[tilespmem:v11+s8+$0x0] =	vst.idx.msk $0xffff, v2;
	v11 =	vor.u32 s16, v0;
	v2 =	vld.idx.msk [tilespmem:v12+s17+$0x0], $0xffff  }
0x149: {  	s18 =	sadd.s32 $0x1, s14;
	[tilespmem:v13+s8+$0x0] =	vst.idx.msk $0xffff, v4;
	v4 =	vld.idx.msk [tilespmem:v7+s17+$0x0], $0xffff;
	v7 =	vor.u32 s14, v0  }
0x14a: {  	v63 =	vor.u32 s18, v0;
	s19 =	sadd.s32 $0x2, s14;
	[tilespmem:v14+s8+$0x0] =	vst.idx.msk $0xffff, v5;
	v5 =	vld.idx.msk [tilespmem:v15+s17+$0x0], $0xffff  }
0x14b: {  	s15 =	sadd.s32 $0x3, s14;
	[tilespmem:v6+s8+$0x0] =	vst.idx.msk $0xffff, v3;
	v3 =	vld.idx.msk [tilespmem:v8+s17+$0x0], $0xffff;
	v6 =	vor.u32 s19, v0  }
0x14c: {  	v8 =	vor.u32 s15, v0;
	[tilespmem:v9+s8+$0x0] =	vst.idx.msk $0xffff, v1;
	v1 =	vld.idx.msk [tilespmem:v10+s17+$0x0], $0xffff  }
0x14d: {  	[tilespmem:v11+s8+$0x0] =	vst.idx.msk $0xffff, v2  }
0x14e: {  	[tilespmem:v7+s8+$0x0] =	vst.idx.msk $0xffff, v4  }
0x14f: {  	[tilespmem:v63+s8+$0x0] =	vst.idx.msk $0xffff, v5  }
0x150: {  	[tilespmem:v6+s8+$0x0] =	vst.idx.msk $0xffff, v3  }
0x151: {  	s14 =	simm.s32 $0x0;
	[tilespmem:v8+s8+$0x0] =	vst.idx.msk $0xffff, v1  }
0x152: {  	[hbm4b:s24+s14] =	stream.linear.scatter [tilespmem:s8], [sflag:$0x4], $0x8000, $0x38;
	[tilespmem:$0x14400] =	vst v63  }
0x153: {  	s16 =	rddreg [dreg:$0xc]  }
0x154: {  	[tilespmem:s5], [sflag:$0x2] =	stream.linear.gather [hbm4b:s16+s14], $0x2000, $0x38;
	[tilespmem:$0x14400] =	vst v63  }
0x155: {  	_ =	swait.ge [sflag:s9], $0x2000  }
0x156: {  	[sflag:s9] =	ssyncset.done $0x0  }
0x157: {  	[sflag:s9] =	ssyncadd.s32 $0xFFFFE000  }
0x158: {  	_ =	swait.ge [sflag:s12], $0x8000  }
0x159: {  	[sflag:s12] =	ssyncset.done $0x0  }
0x15a: {  	s18 =	simm.s32 $0x0;
	[sflag:s12] =	ssyncadd.s32 $0xFFFF8000  }
0x15b: {  	v1 =	vld [tilespmem:s18+$0x2400];
	_ =	sdelay $0x4  }
0x15c: {  	s19 =	simm.s32 $0x10;
	v1 =	vshll.u32 v1, $0x2  }
0x15d: {  	v2 =	vld [tilespmem:s19+$0x2400];
	v4 =	vor.u32 $0x1, v1  }
0x15e: {  	v9 =	vor.u32 $0x2, v1  }
0x15f: {  	s16 =	simm.s32 $0x20;
	v11 =	vor.u32 $0x3, v1  }
0x160: {  	v7 =	vld [tilespmem:s16+$0x2400]  }
0x161: {  	v3 =	vld.idx.msk [tilespmem:v1+s17+$0x0], $0xffff  }
0x162: {  	v5 =	vshll.u32 v2, $0x2;
	v1 =	vld.idx.msk [tilespmem:v4+s17+$0x0], $0xffff  }
0x163: {  	s15 =	simm.s32 $0x40;
	v8 =	vor.u32 s14, v0;
	s18 =	simm.s32 $0x1;
	s19 =	simm.s32 $0x2;
	v6 =	vor.u32 $0x1, v5;
	v2 =	vld.idx.msk [tilespmem:v9+s17+$0x0], $0xffff  }
0x164: {  	s14 =	simm.s32 $0x80;
	s16 =	simm.s32 $0xC0;
	v10 =	vor.u32 $0x2, v5;
	v9 =	vor.u32 s18, v0;
	v4 =	vld.idx.msk [tilespmem:v11+s17+$0x0], $0xffff;
	v11 =	vor.u32 s19, v0;
	s18 =	simm.s32 $0x3  }
.LBB2_16:
0x165: {  	s19 =	sshra.s32 s16, $0x2  }
0x166: {  	v12 =	vor.u32 $0x3, v5;
	v13 =	vor.u32 s18, v0;
	v14 =	vmov v7;
	s18 =	smov.u32 s15;
	s15 =	smov.u32 s14;
	p0 =	sne.s32 s16, $0x7FC0  }
.Ltmp7:
0x167: {  	s14 =	smov.u32 s16;
	v7 =	vld [tilespmem:s19+$0x2400];
	(pc) =	sbr.rel @p0 .LBB2_16-.Ltmp7, $4  }
0x168: {  	[tilespmem:v8+s10+$0x0] =	vst.idx.msk $0xffff, v3;
	v3 =	vld.idx.msk [tilespmem:v5+s17+$0x0], $0xffff  }
0x169: {  	s19 =	sadd.s32 $0x1, s18;
	v5 =	vshll.u32 v14, $0x2;
	v8 =	vor.u32 s18, v0;
	[tilespmem:v9+s10+$0x0] =	vst.idx.msk $0xffff, v1;
	v1 =	vld.idx.msk [tilespmem:v6+s17+$0x0], $0xffff  }
0x16a: {  	v6 =	vor.u32 $0x1, v5;
	v9 =	vor.u32 s19, v0;
	s19 =	sadd.s32 $0x2, s18;
	[tilespmem:v11+s10+$0x0] =	vst.idx.msk $0xffff, v2;
	v2 =	vld.idx.msk [tilespmem:v10+s17+$0x0], $0xffff  }
0x16b: {  	s16 =	sadd.s32 $0x40, s16;
	s18 =	sadd.s32 $0x3, s18;
	v10 =	vor.u32 $0x2, v5;
	v11 =	vor.u32 s19, v0;
	[tilespmem:v13+s10+$0x0] =	vst.idx.msk $0xffff, v4;
	v4 =	vld.idx.msk [tilespmem:v12+s17+$0x0], $0xffff  }
0x16c: {  	_ =	sdelay $0x1  }
0x16d: {  	v12 =	vor.u32 $0x3, v5  }
0x16e: {  	v13 =	vor.u32 s18, v0;
	v7 =	vshll.u32 v7, $0x2  }
0x16f: {  	v5 =	vld.idx.msk [tilespmem:v5+s17+$0x0], $0xffff;
	v14 =	vor.u32 s15, v0;
	s16 =	sadd.s32 $0x1, s15;
	v15 =	vor.u32 $0x1, v7  }
0x170: {  	s19 =	sadd.s32 $0x2, s15;
	[tilespmem:v8+s10+$0x0] =	vst.idx.msk $0xffff, v3;
	v3 =	vld.idx.msk [tilespmem:v6+s17+$0x0], $0xffff;
	v6 =	vor.u32 s16, v0;
	v8 =	vor.u32 $0x2, v7  }
0x171: {  	s16 =	sadd.s32 $0x3, s15;
	[tilespmem:v9+s10+$0x0] =	vst.idx.msk $0xffff, v1;
	v1 =	vld.idx.msk [tilespmem:v10+s17+$0x0], $0xffff;
	v9 =	vor.u32 s19, v0;
	v10 =	vor.u32 $0x3, v7  }
0x172: {  	[tilespmem:v11+s10+$0x0] =	vst.idx.msk $0xffff, v2;
	v11 =	vor.u32 s16, v0;
	v2 =	vld.idx.msk [tilespmem:v12+s17+$0x0], $0xffff  }
0x173: {  	s18 =	sadd.s32 $0x1, s14;
	[tilespmem:v13+s10+$0x0] =	vst.idx.msk $0xffff, v4;
	v4 =	vld.idx.msk [tilespmem:v7+s17+$0x0], $0xffff;
	v7 =	vor.u32 s14, v0  }
0x174: {  	v63 =	vor.u32 s18, v0;
	s19 =	sadd.s32 $0x2, s14;
	[tilespmem:v14+s10+$0x0] =	vst.idx.msk $0xffff, v5;
	v5 =	vld.idx.msk [tilespmem:v15+s17+$0x0], $0xffff  }
0x175: {  	s15 =	sadd.s32 $0x3, s14;
	[tilespmem:v6+s10+$0x0] =	vst.idx.msk $0xffff, v3;
	v3 =	vld.idx.msk [tilespmem:v8+s17+$0x0], $0xffff;
	v6 =	vor.u32 s19, v0  }
0x176: {  	v8 =	vor.u32 s15, v0;
	[tilespmem:v9+s10+$0x0] =	vst.idx.msk $0xffff, v1;
	v1 =	vld.idx.msk [tilespmem:v10+s17+$0x0], $0xffff  }
0x177: {  	[tilespmem:v11+s10+$0x0] =	vst.idx.msk $0xffff, v2  }
0x178: {  	[tilespmem:v7+s10+$0x0] =	vst.idx.msk $0xffff, v4  }
0x179: {  	[tilespmem:v63+s10+$0x0] =	vst.idx.msk $0xffff, v5  }
0x17a: {  	[tilespmem:v6+s10+$0x0] =	vst.idx.msk $0xffff, v3  }
0x17b: {  	s14 =	simm.s32 $0x0;
	[tilespmem:v8+s10+$0x0] =	vst.idx.msk $0xffff, v1  }
0x17c: {  	[hbm4b:s25+s14] =	stream.linear.scatter [tilespmem:s10], [sflag:$0x5], $0x8000, $0x38;
	[tilespmem:$0x14400] =	vst v63  }
0x17d: {  	s16 =	rddreg [dreg:$0xd]  }
0x17e: {  	[tilespmem:s6], [sflag:$0x3] =	stream.linear.gather [hbm4b:s16+s14], $0x2000, $0x38;
	[tilespmem:$0x14400] =	vst v63  }
0x17f: {  	_ =	swait.ge [sflag:s7], $0x2000  }
0x180: {  	[sflag:s7] =	ssyncset.done $0x0  }
0x181: {  	[sflag:s7] =	ssyncadd.s32 $0xFFFFE000  }
0x182: {  	_ =	swait.ge [sflag:s11], $0x8000  }
0x183: {  	[sflag:s11] =	ssyncset.done $0x0  }
0x184: {  	s18 =	simm.s32 $0x0;
	[sflag:s11] =	ssyncadd.s32 $0xFFFF8000  }
0x185: {  	v1 =	vld [tilespmem:s18+$0x400];
	_ =	sdelay $0x4  }
0x186: {  	s19 =	simm.s32 $0x10;
	v1 =	vshll.u32 v1, $0x2  }
0x187: {  	v2 =	vld [tilespmem:s19+$0x400];
	v4 =	vor.u32 $0x1, v1  }
0x188: {  	v9 =	vor.u32 $0x2, v1  }
0x189: {  	s16 =	simm.s32 $0x20;
	v11 =	vor.u32 $0x3, v1  }
0x18a: {  	v7 =	vld [tilespmem:s16+$0x400]  }
0x18b: {  	v3 =	vld.idx.msk [tilespmem:v1+s17+$0x0], $0xffff  }
0x18c: {  	v5 =	vshll.u32 v2, $0x2;
	v1 =	vld.idx.msk [tilespmem:v4+s17+$0x0], $0xffff  }
0x18d: {  	s15 =	simm.s32 $0x40;
	v8 =	vor.u32 s14, v0;
	s18 =	simm.s32 $0x1;
	s19 =	simm.s32 $0x2;
	v6 =	vor.u32 $0x1, v5;
	v2 =	vld.idx.msk [tilespmem:v9+s17+$0x0], $0xffff  }
0x18e: {  	s14 =	simm.s32 $0x80;
	s16 =	simm.s32 $0xC0;
	v10 =	vor.u32 $0x2, v5;
	v9 =	vor.u32 s18, v0;
	v4 =	vld.idx.msk [tilespmem:v11+s17+$0x0], $0xffff;
	v11 =	vor.u32 s19, v0;
	s18 =	simm.s32 $0x3  }
.LBB2_18:
0x18f: {  	s19 =	sshra.s32 s16, $0x2  }
0x190: {  	v12 =	vor.u32 $0x3, v5;
	v13 =	vor.u32 s18, v0;
	v14 =	vmov v7;
	s18 =	smov.u32 s15;
	s15 =	smov.u32 s14;
	p0 =	sne.s32 s16, $0x7FC0  }
.Ltmp8:
0x191: {  	s14 =	smov.u32 s16;
	v7 =	vld [tilespmem:s19+$0x400];
	(pc) =	sbr.rel @p0 .LBB2_18-.Ltmp8, $4  }
0x192: {  	[tilespmem:v8+s8+$0x0] =	vst.idx.msk $0xffff, v3;
	v3 =	vld.idx.msk [tilespmem:v5+s17+$0x0], $0xffff  }
0x193: {  	s19 =	sadd.s32 $0x1, s18;
	v5 =	vshll.u32 v14, $0x2;
	v8 =	vor.u32 s18, v0;
	[tilespmem:v9+s8+$0x0] =	vst.idx.msk $0xffff, v1;
	v1 =	vld.idx.msk [tilespmem:v6+s17+$0x0], $0xffff  }
0x194: {  	v6 =	vor.u32 $0x1, v5;
	v9 =	vor.u32 s19, v0;
	s19 =	sadd.s32 $0x2, s18;
	[tilespmem:v11+s8+$0x0] =	vst.idx.msk $0xffff, v2;
	v2 =	vld.idx.msk [tilespmem:v10+s17+$0x0], $0xffff  }
0x195: {  	s16 =	sadd.s32 $0x40, s16;
	s18 =	sadd.s32 $0x3, s18;
	v10 =	vor.u32 $0x2, v5;
	v11 =	vor.u32 s19, v0;
	[tilespmem:v13+s8+$0x0] =	vst.idx.msk $0xffff, v4;
	v4 =	vld.idx.msk [tilespmem:v12+s17+$0x0], $0xffff  }
0x196: {  	_ =	sdelay $0x1  }
0x197: {  	v12 =	vor.u32 $0x3, v5  }
0x198: {  	v13 =	vor.u32 s18, v0;
	v7 =	vshll.u32 v7, $0x2  }
0x199: {  	v5 =	vld.idx.msk [tilespmem:v5+s17+$0x0], $0xffff;
	v14 =	vor.u32 s15, v0;
	s16 =	sadd.s32 $0x1, s15;
	v15 =	vor.u32 $0x1, v7  }
0x19a: {  	s19 =	sadd.s32 $0x2, s15;
	[tilespmem:v8+s8+$0x0] =	vst.idx.msk $0xffff, v3;
	v3 =	vld.idx.msk [tilespmem:v6+s17+$0x0], $0xffff;
	v6 =	vor.u32 s16, v0;
	v8 =	vor.u32 $0x2, v7  }
0x19b: {  	s16 =	sadd.s32 $0x3, s15;
	[tilespmem:v9+s8+$0x0] =	vst.idx.msk $0xffff, v1;
	v1 =	vld.idx.msk [tilespmem:v10+s17+$0x0], $0xffff;
	v9 =	vor.u32 s19, v0;
	v10 =	vor.u32 $0x3, v7  }
0x19c: {  	[tilespmem:v11+s8+$0x0] =	vst.idx.msk $0xffff, v2;
	v11 =	vor.u32 s16, v0;
	v2 =	vld.idx.msk [tilespmem:v12+s17+$0x0], $0xffff  }
0x19d: {  	s18 =	sadd.s32 $0x1, s14;
	[tilespmem:v13+s8+$0x0] =	vst.idx.msk $0xffff, v4;
	v4 =	vld.idx.msk [tilespmem:v7+s17+$0x0], $0xffff;
	v7 =	vor.u32 s14, v0  }
0x19e: {  	v63 =	vor.u32 s18, v0;
	s19 =	sadd.s32 $0x2, s14;
	[tilespmem:v14+s8+$0x0] =	vst.idx.msk $0xffff, v5;
	v5 =	vld.idx.msk [tilespmem:v15+s17+$0x0], $0xffff  }
0x19f: {  	s15 =	sadd.s32 $0x3, s14;
	[tilespmem:v6+s8+$0x0] =	vst.idx.msk $0xffff, v3;
	v3 =	vld.idx.msk [tilespmem:v8+s17+$0x0], $0xffff;
	v6 =	vor.u32 s19, v0  }
0x1a0: {  	v8 =	vor.u32 s15, v0;
	[tilespmem:v9+s8+$0x0] =	vst.idx.msk $0xffff, v1;
	v1 =	vld.idx.msk [tilespmem:v10+s17+$0x0], $0xffff  }
0x1a1: {  	[tilespmem:v11+s8+$0x0] =	vst.idx.msk $0xffff, v2  }
0x1a2: {  	[tilespmem:v7+s8+$0x0] =	vst.idx.msk $0xffff, v4  }
0x1a3: {  	[tilespmem:v63+s8+$0x0] =	vst.idx.msk $0xffff, v5  }
0x1a4: {  	[tilespmem:v6+s8+$0x0] =	vst.idx.msk $0xffff, v3  }
0x1a5: {  	s14 =	simm.s32 $0x0;
	[tilespmem:v8+s8+$0x0] =	vst.idx.msk $0xffff, v1  }
0x1a6: {  	[hbm4b:s26+s14] =	stream.linear.scatter [tilespmem:s8], [sflag:$0x4], $0x8000, $0x38;
	[tilespmem:$0x14400] =	vst v63  }
0x1a7: {  	s16 =	rddreg [dreg:$0xe]  }
0x1a8: {  	[tilespmem:s5], [sflag:$0x2] =	stream.linear.gather [hbm4b:s16+s14], $0x2000, $0x38;
	[tilespmem:$0x14400] =	vst v63  }
0x1a9: {  	_ =	swait.ge [sflag:s9], $0x2000  }
0x1aa: {  	[sflag:s9] =	ssyncset.done $0x0  }
0x1ab: {  	[sflag:s9] =	ssyncadd.s32 $0xFFFFE000  }
0x1ac: {  	_ =	swait.ge [sflag:s12], $0x8000  }
0x1ad: {  	[sflag:s12] =	ssyncset.done $0x0  }
0x1ae: {  	s18 =	simm.s32 $0x0;
	[sflag:s12] =	ssyncadd.s32 $0xFFFF8000  }
0x1af: {  	v1 =	vld [tilespmem:s18+$0x2400];
	_ =	sdelay $0x4  }
0x1b0: {  	s19 =	simm.s32 $0x10;
	v1 =	vshll.u32 v1, $0x2  }
0x1b1: {  	v2 =	vld [tilespmem:s19+$0x2400];
	v4 =	vor.u32 $0x1, v1  }
0x1b2: {  	v9 =	vor.u32 $0x2, v1  }
0x1b3: {  	s16 =	simm.s32 $0x20;
	v11 =	vor.u32 $0x3, v1  }
0x1b4: {  	v7 =	vld [tilespmem:s16+$0x2400]  }
0x1b5: {  	v3 =	vld.idx.msk [tilespmem:v1+s17+$0x0], $0xffff  }
0x1b6: {  	v5 =	vshll.u32 v2, $0x2;
	v1 =	vld.idx.msk [tilespmem:v4+s17+$0x0], $0xffff  }
0x1b7: {  	s15 =	simm.s32 $0x40;
	v8 =	vor.u32 s14, v0;
	s18 =	simm.s32 $0x1;
	s19 =	simm.s32 $0x2;
	v6 =	vor.u32 $0x1, v5;
	v2 =	vld.idx.msk [tilespmem:v9+s17+$0x0], $0xffff  }
0x1b8: {  	s14 =	simm.s32 $0x80;
	s16 =	simm.s32 $0xC0;
	v10 =	vor.u32 $0x2, v5;
	v9 =	vor.u32 s18, v0;
	v4 =	vld.idx.msk [tilespmem:v11+s17+$0x0], $0xffff;
	v11 =	vor.u32 s19, v0;
	s18 =	simm.s32 $0x3  }
.LBB2_20:
0x1b9: {  	s19 =	sshra.s32 s16, $0x2  }
0x1ba: {  	v12 =	vor.u32 $0x3, v5;
	v13 =	vor.u32 s18, v0;
	v14 =	vmov v7;
	s18 =	smov.u32 s15;
	s15 =	smov.u32 s14;
	p0 =	sne.s32 s16, $0x7FC0  }
.Ltmp9:
0x1bb: {  	s14 =	smov.u32 s16;
	v7 =	vld [tilespmem:s19+$0x2400];
	(pc) =	sbr.rel @p0 .LBB2_20-.Ltmp9, $4  }
0x1bc: {  	[tilespmem:v8+s10+$0x0] =	vst.idx.msk $0xffff, v3;
	v3 =	vld.idx.msk [tilespmem:v5+s17+$0x0], $0xffff  }
0x1bd: {  	s19 =	sadd.s32 $0x1, s18;
	v5 =	vshll.u32 v14, $0x2;
	v8 =	vor.u32 s18, v0;
	[tilespmem:v9+s10+$0x0] =	vst.idx.msk $0xffff, v1;
	v1 =	vld.idx.msk [tilespmem:v6+s17+$0x0], $0xffff  }
0x1be: {  	v6 =	vor.u32 $0x1, v5;
	v9 =	vor.u32 s19, v0;
	s19 =	sadd.s32 $0x2, s18;
	[tilespmem:v11+s10+$0x0] =	vst.idx.msk $0xffff, v2;
	v2 =	vld.idx.msk [tilespmem:v10+s17+$0x0], $0xffff  }
0x1bf: {  	s16 =	sadd.s32 $0x40, s16;
	s18 =	sadd.s32 $0x3, s18;
	v10 =	vor.u32 $0x2, v5;
	v11 =	vor.u32 s19, v0;
	[tilespmem:v13+s10+$0x0] =	vst.idx.msk $0xffff, v4;
	v4 =	vld.idx.msk [tilespmem:v12+s17+$0x0], $0xffff  }
0x1c0: {  	_ =	sdelay $0x1  }
0x1c1: {  	v12 =	vor.u32 $0x3, v5  }
0x1c2: {  	v13 =	vor.u32 s18, v0;
	v7 =	vshll.u32 v7, $0x2  }
0x1c3: {  	v5 =	vld.idx.msk [tilespmem:v5+s17+$0x0], $0xffff;
	v14 =	vor.u32 s15, v0;
	s16 =	sadd.s32 $0x1, s15;
	v15 =	vor.u32 $0x1, v7  }
0x1c4: {  	s19 =	sadd.s32 $0x2, s15;
	[tilespmem:v8+s10+$0x0] =	vst.idx.msk $0xffff, v3;
	v3 =	vld.idx.msk [tilespmem:v6+s17+$0x0], $0xffff;
	v6 =	vor.u32 s16, v0;
	v8 =	vor.u32 $0x2, v7  }
0x1c5: {  	s16 =	sadd.s32 $0x3, s15;
	[tilespmem:v9+s10+$0x0] =	vst.idx.msk $0xffff, v1;
	v1 =	vld.idx.msk [tilespmem:v10+s17+$0x0], $0xffff;
	v9 =	vor.u32 s19, v0;
	v10 =	vor.u32 $0x3, v7  }
0x1c6: {  	[tilespmem:v11+s10+$0x0] =	vst.idx.msk $0xffff, v2;
	v11 =	vor.u32 s16, v0;
	v2 =	vld.idx.msk [tilespmem:v12+s17+$0x0], $0xffff  }
0x1c7: {  	s18 =	sadd.s32 $0x1, s14;
	[tilespmem:v13+s10+$0x0] =	vst.idx.msk $0xffff, v4;
	v4 =	vld.idx.msk [tilespmem:v7+s17+$0x0], $0xffff;
	v7 =	vor.u32 s14, v0  }
0x1c8: {  	v63 =	vor.u32 s18, v0;
	s19 =	sadd.s32 $0x2, s14;
	[tilespmem:v14+s10+$0x0] =	vst.idx.msk $0xffff, v5;
	v5 =	vld.idx.msk [tilespmem:v15+s17+$0x0], $0xffff  }
0x1c9: {  	s15 =	sadd.s32 $0x3, s14;
	[tilespmem:v6+s10+$0x0] =	vst.idx.msk $0xffff, v3;
	v3 =	vld.idx.msk [tilespmem:v8+s17+$0x0], $0xffff;
	v6 =	vor.u32 s19, v0  }
0x1ca: {  	v8 =	vor.u32 s15, v0;
	[tilespmem:v9+s10+$0x0] =	vst.idx.msk $0xffff, v1;
	v1 =	vld.idx.msk [tilespmem:v10+s17+$0x0], $0xffff  }
0x1cb: {  	[tilespmem:v11+s10+$0x0] =	vst.idx.msk $0xffff, v2  }
0x1cc: {  	[tilespmem:v7+s10+$0x0] =	vst.idx.msk $0xffff, v4  }
0x1cd: {  	[tilespmem:v63+s10+$0x0] =	vst.idx.msk $0xffff, v5  }
0x1ce: {  	[tilespmem:v6+s10+$0x0] =	vst.idx.msk $0xffff, v3  }
0x1cf: {  	s14 =	simm.s32 $0x0;
	[tilespmem:v8+s10+$0x0] =	vst.idx.msk $0xffff, v1  }
0x1d0: {  	[hbm4b:s28+s14] =	stream.linear.scatter [tilespmem:s10], [sflag:$0x5], $0x8000, $0x38;
	[tilespmem:$0x14400] =	vst v63  }
0x1d1: {  	s16 =	rddreg [dreg:$0xf]  }
0x1d2: {  	[tilespmem:s6], [sflag:$0x3] =	stream.linear.gather [hbm4b:s16+s14], $0x2000, $0x38;
	[tilespmem:$0x14400] =	vst v63  }
0x1d3: {  	_ =	swait.ge [sflag:s7], $0x2000  }
0x1d4: {  	[sflag:s7] =	ssyncset.done $0x0  }
0x1d5: {  	[sflag:s7] =	ssyncadd.s32 $0xFFFFE000  }
0x1d6: {  	_ =	swait.ge [sflag:s11], $0x8000  }
0x1d7: {  	[sflag:s11] =	ssyncset.done $0x0  }
0x1d8: {  	s18 =	simm.s32 $0x0;
	[sflag:s11] =	ssyncadd.s32 $0xFFFF8000  }
0x1d9: {  	v1 =	vld [tilespmem:s18+$0x400];
	_ =	sdelay $0x4  }
0x1da: {  	s19 =	simm.s32 $0x10;
	v1 =	vshll.u32 v1, $0x2  }
0x1db: {  	v2 =	vld [tilespmem:s19+$0x400];
	v4 =	vor.u32 $0x1, v1  }
0x1dc: {  	v9 =	vor.u32 $0x2, v1  }
0x1dd: {  	s16 =	simm.s32 $0x20;
	v11 =	vor.u32 $0x3, v1  }
0x1de: {  	v7 =	vld [tilespmem:s16+$0x400]  }
0x1df: {  	v3 =	vld.idx.msk [tilespmem:v1+s17+$0x0], $0xffff  }
0x1e0: {  	v5 =	vshll.u32 v2, $0x2;
	v1 =	vld.idx.msk [tilespmem:v4+s17+$0x0], $0xffff  }
0x1e1: {  	s15 =	simm.s32 $0x40;
	v8 =	vor.u32 s14, v0;
	s18 =	simm.s32 $0x1;
	s19 =	simm.s32 $0x2;
	v6 =	vor.u32 $0x1, v5;
	v2 =	vld.idx.msk [tilespmem:v9+s17+$0x0], $0xffff  }
0x1e2: {  	s14 =	simm.s32 $0x80;
	s16 =	simm.s32 $0xC0;
	v10 =	vor.u32 $0x2, v5;
	v9 =	vor.u32 s18, v0;
	v4 =	vld.idx.msk [tilespmem:v11+s17+$0x0], $0xffff;
	v11 =	vor.u32 s19, v0;
	s18 =	simm.s32 $0x3  }
.LBB2_22:
0x1e3: {  	s19 =	sshra.s32 s16, $0x2  }
0x1e4: {  	v12 =	vor.u32 $0x3, v5;
	v13 =	vor.u32 s18, v0;
	v14 =	vmov v7;
	s18 =	smov.u32 s15;
	s15 =	smov.u32 s14;
	p0 =	sne.s32 s16, $0x7FC0  }
.Ltmp10:
0x1e5: {  	s14 =	smov.u32 s16;
	v7 =	vld [tilespmem:s19+$0x400];
	(pc) =	sbr.rel @p0 .LBB2_22-.Ltmp10, $4  }
0x1e6: {  	[tilespmem:v8+s8+$0x0] =	vst.idx.msk $0xffff, v3;
	v3 =	vld.idx.msk [tilespmem:v5+s17+$0x0], $0xffff  }
0x1e7: {  	s19 =	sadd.s32 $0x1, s18;
	v5 =	vshll.u32 v14, $0x2;
	v8 =	vor.u32 s18, v0;
	[tilespmem:v9+s8+$0x0] =	vst.idx.msk $0xffff, v1;
	v1 =	vld.idx.msk [tilespmem:v6+s17+$0x0], $0xffff  }
0x1e8: {  	v6 =	vor.u32 $0x1, v5;
	v9 =	vor.u32 s19, v0;
	s19 =	sadd.s32 $0x2, s18;
	[tilespmem:v11+s8+$0x0] =	vst.idx.msk $0xffff, v2;
	v2 =	vld.idx.msk [tilespmem:v10+s17+$0x0], $0xffff  }
0x1e9: {  	s16 =	sadd.s32 $0x40, s16;
	s18 =	sadd.s32 $0x3, s18;
	v10 =	vor.u32 $0x2, v5;
	v11 =	vor.u32 s19, v0;
	[tilespmem:v13+s8+$0x0] =	vst.idx.msk $0xffff, v4;
	v4 =	vld.idx.msk [tilespmem:v12+s17+$0x0], $0xffff  }
0x1ea: {  	_ =	sdelay $0x1  }
0x1eb: {  	v12 =	vor.u32 $0x3, v5  }
0x1ec: {  	v13 =	vor.u32 s18, v0;
	v7 =	vshll.u32 v7, $0x2  }
0x1ed: {  	v5 =	vld.idx.msk [tilespmem:v5+s17+$0x0], $0xffff;
	v14 =	vor.u32 s15, v0;
	s16 =	sadd.s32 $0x1, s15;
	v15 =	vor.u32 $0x1, v7  }
0x1ee: {  	s19 =	sadd.s32 $0x2, s15;
	[tilespmem:v8+s8+$0x0] =	vst.idx.msk $0xffff, v3;
	v3 =	vld.idx.msk [tilespmem:v6+s17+$0x0], $0xffff;
	v6 =	vor.u32 s16, v0;
	v8 =	vor.u32 $0x2, v7  }
0x1ef: {  	s16 =	sadd.s32 $0x3, s15;
	[tilespmem:v9+s8+$0x0] =	vst.idx.msk $0xffff, v1;
	v1 =	vld.idx.msk [tilespmem:v10+s17+$0x0], $0xffff;
	v9 =	vor.u32 s19, v0;
	v10 =	vor.u32 $0x3, v7  }
0x1f0: {  	[tilespmem:v11+s8+$0x0] =	vst.idx.msk $0xffff, v2;
	v11 =	vor.u32 s16, v0;
	v2 =	vld.idx.msk [tilespmem:v12+s17+$0x0], $0xffff  }
0x1f1: {  	s18 =	sadd.s32 $0x1, s14;
	[tilespmem:v13+s8+$0x0] =	vst.idx.msk $0xffff, v4;
	v4 =	vld.idx.msk [tilespmem:v7+s17+$0x0], $0xffff;
	v7 =	vor.u32 s14, v0  }
0x1f2: {  	v63 =	vor.u32 s18, v0;
	s19 =	sadd.s32 $0x2, s14;
	[tilespmem:v14+s8+$0x0] =	vst.idx.msk $0xffff, v5;
	v5 =	vld.idx.msk [tilespmem:v15+s17+$0x0], $0xffff  }
0x1f3: {  	s15 =	sadd.s32 $0x3, s14;
	[tilespmem:v6+s8+$0x0] =	vst.idx.msk $0xffff, v3;
	v3 =	vld.idx.msk [tilespmem:v8+s17+$0x0], $0xffff;
	v6 =	vor.u32 s19, v0  }
0x1f4: {  	v8 =	vor.u32 s15, v0;
	[tilespmem:v9+s8+$0x0] =	vst.idx.msk $0xffff, v1;
	v1 =	vld.idx.msk [tilespmem:v10+s17+$0x0], $0xffff  }
0x1f5: {  	[tilespmem:v11+s8+$0x0] =	vst.idx.msk $0xffff, v2  }
0x1f6: {  	[tilespmem:v7+s8+$0x0] =	vst.idx.msk $0xffff, v4  }
0x1f7: {  	[tilespmem:v63+s8+$0x0] =	vst.idx.msk $0xffff, v5  }
0x1f8: {  	[tilespmem:v6+s8+$0x0] =	vst.idx.msk $0xffff, v3  }
0x1f9: {  	s14 =	simm.s32 $0x0;
	[tilespmem:v8+s8+$0x0] =	vst.idx.msk $0xffff, v1  }
0x1fa: {  	[hbm4b:s29+s14] =	stream.linear.scatter [tilespmem:s8], [sflag:$0x4], $0x8000, $0x38;
	[tilespmem:$0x14400] =	vst v63  }
0x1fb: {  	s16 =	rddreg [dreg:$0x10]  }
0x1fc: {  	[tilespmem:s5], [sflag:$0x2] =	stream.linear.gather [hbm4b:s16+s14], $0x2000, $0x38;
	[tilespmem:$0x14400] =	vst v63  }
0x1fd: {  	_ =	swait.ge [sflag:s9], $0x2000  }
0x1fe: {  	[sflag:s9] =	ssyncset.done $0x0  }
0x1ff: {  	[sflag:s9] =	ssyncadd.s32 $0xFFFFE000  }
0x200: {  	_ =	swait.ge [sflag:s12], $0x8000  }
0x201: {  	[sflag:s12] =	ssyncset.done $0x0  }
0x202: {  	s18 =	simm.s32 $0x0;
	[sflag:s12] =	ssyncadd.s32 $0xFFFF8000  }
0x203: {  	v1 =	vld [tilespmem:s18+$0x2400];
	_ =	sdelay $0x4  }
0x204: {  	s19 =	simm.s32 $0x10;
	v1 =	vshll.u32 v1, $0x2  }
0x205: {  	v2 =	vld [tilespmem:s19+$0x2400];
	v4 =	vor.u32 $0x1, v1  }
0x206: {  	v9 =	vor.u32 $0x2, v1  }
0x207: {  	s16 =	simm.s32 $0x20;
	v11 =	vor.u32 $0x3, v1  }
0x208: {  	v7 =	vld [tilespmem:s16+$0x2400]  }
0x209: {  	v3 =	vld.idx.msk [tilespmem:v1+s17+$0x0], $0xffff  }
0x20a: {  	v5 =	vshll.u32 v2, $0x2;
	v1 =	vld.idx.msk [tilespmem:v4+s17+$0x0], $0xffff  }
0x20b: {  	s15 =	simm.s32 $0x40;
	v8 =	vor.u32 s14, v0;
	s18 =	simm.s32 $0x1;
	s19 =	simm.s32 $0x2;
	v6 =	vor.u32 $0x1, v5;
	v2 =	vld.idx.msk [tilespmem:v9+s17+$0x0], $0xffff  }
0x20c: {  	s14 =	simm.s32 $0x80;
	s16 =	simm.s32 $0xC0;
	v10 =	vor.u32 $0x2, v5;
	v9 =	vor.u32 s18, v0;
	v4 =	vld.idx.msk [tilespmem:v11+s17+$0x0], $0xffff;
	v11 =	vor.u32 s19, v0;
	s18 =	simm.s32 $0x3  }
.LBB2_24:
0x20d: {  	s19 =	sshra.s32 s16, $0x2  }
0x20e: {  	v12 =	vor.u32 $0x3, v5;
	v13 =	vor.u32 s18, v0;
	v14 =	vmov v7;
	s18 =	smov.u32 s15;
	s15 =	smov.u32 s14;
	p0 =	sne.s32 s16, $0x7FC0  }
.Ltmp11:
0x20f: {  	s14 =	smov.u32 s16;
	v7 =	vld [tilespmem:s19+$0x2400];
	(pc) =	sbr.rel @p0 .LBB2_24-.Ltmp11, $4  }
0x210: {  	[tilespmem:v8+s10+$0x0] =	vst.idx.msk $0xffff, v3;
	v3 =	vld.idx.msk [tilespmem:v5+s17+$0x0], $0xffff  }
0x211: {  	s19 =	sadd.s32 $0x1, s18;
	v5 =	vshll.u32 v14, $0x2;
	v8 =	vor.u32 s18, v0;
	[tilespmem:v9+s10+$0x0] =	vst.idx.msk $0xffff, v1;
	v1 =	vld.idx.msk [tilespmem:v6+s17+$0x0], $0xffff  }
0x212: {  	v6 =	vor.u32 $0x1, v5;
	v9 =	vor.u32 s19, v0;
	s19 =	sadd.s32 $0x2, s18;
	[tilespmem:v11+s10+$0x0] =	vst.idx.msk $0xffff, v2;
	v2 =	vld.idx.msk [tilespmem:v10+s17+$0x0], $0xffff  }
0x213: {  	s16 =	sadd.s32 $0x40, s16;
	s18 =	sadd.s32 $0x3, s18;
	v10 =	vor.u32 $0x2, v5;
	v11 =	vor.u32 s19, v0;
	[tilespmem:v13+s10+$0x0] =	vst.idx.msk $0xffff, v4;
	v4 =	vld.idx.msk [tilespmem:v12+s17+$0x0], $0xffff  }
0x214: {  	_ =	sdelay $0x1  }
0x215: {  	v12 =	vor.u32 $0x3, v5  }
0x216: {  	v13 =	vor.u32 s18, v0;
	v7 =	vshll.u32 v7, $0x2  }
0x217: {  	v5 =	vld.idx.msk [tilespmem:v5+s17+$0x0], $0xffff;
	v14 =	vor.u32 s15, v0;
	s16 =	sadd.s32 $0x1, s15;
	v15 =	vor.u32 $0x1, v7  }
0x218: {  	s19 =	sadd.s32 $0x2, s15;
	[tilespmem:v8+s10+$0x0] =	vst.idx.msk $0xffff, v3;
	v3 =	vld.idx.msk [tilespmem:v6+s17+$0x0], $0xffff;
	v6 =	vor.u32 s16, v0;
	v8 =	vor.u32 $0x2, v7  }
0x219: {  	s16 =	sadd.s32 $0x3, s15;
	[tilespmem:v9+s10+$0x0] =	vst.idx.msk $0xffff, v1;
	v1 =	vld.idx.msk [tilespmem:v10+s17+$0x0], $0xffff;
	v9 =	vor.u32 s19, v0;
	v10 =	vor.u32 $0x3, v7  }
0x21a: {  	[tilespmem:v11+s10+$0x0] =	vst.idx.msk $0xffff, v2;
	v11 =	vor.u32 s16, v0;
	v2 =	vld.idx.msk [tilespmem:v12+s17+$0x0], $0xffff  }
0x21b: {  	s18 =	sadd.s32 $0x1, s14;
	[tilespmem:v13+s10+$0x0] =	vst.idx.msk $0xffff, v4;
	v4 =	vld.idx.msk [tilespmem:v7+s17+$0x0], $0xffff;
	v7 =	vor.u32 s14, v0  }
0x21c: {  	v63 =	vor.u32 s18, v0;
	s19 =	sadd.s32 $0x2, s14;
	[tilespmem:v14+s10+$0x0] =	vst.idx.msk $0xffff, v5;
	v5 =	vld.idx.msk [tilespmem:v15+s17+$0x0], $0xffff  }
0x21d: {  	s15 =	sadd.s32 $0x3, s14;
	[tilespmem:v6+s10+$0x0] =	vst.idx.msk $0xffff, v3;
	v3 =	vld.idx.msk [tilespmem:v8+s17+$0x0], $0xffff;
	v6 =	vor.u32 s19, v0  }
0x21e: {  	v8 =	vor.u32 s15, v0;
	[tilespmem:v9+s10+$0x0] =	vst.idx.msk $0xffff, v1;
	v1 =	vld.idx.msk [tilespmem:v10+s17+$0x0], $0xffff  }
0x21f: {  	[tilespmem:v11+s10+$0x0] =	vst.idx.msk $0xffff, v2  }
0x220: {  	[tilespmem:v7+s10+$0x0] =	vst.idx.msk $0xffff, v4  }
0x221: {  	[tilespmem:v63+s10+$0x0] =	vst.idx.msk $0xffff, v5  }
0x222: {  	[tilespmem:v6+s10+$0x0] =	vst.idx.msk $0xffff, v3  }
0x223: {  	s14 =	simm.s32 $0x0;
	[tilespmem:v8+s10+$0x0] =	vst.idx.msk $0xffff, v1  }
0x224: {  	[hbm4b:s30+s14] =	stream.linear.scatter [tilespmem:s10], [sflag:$0x5], $0x8000, $0x38;
	[tilespmem:$0x14400] =	vst v63  }
0x225: {  	s16 =	rddreg [dreg:$0x11]  }
0x226: {  	[tilespmem:s6], [sflag:$0x3] =	stream.linear.gather [hbm4b:s16+s14], $0x2000, $0x38;
	[tilespmem:$0x14400] =	vst v63  }
0x227: {  	_ =	swait.ge [sflag:s7], $0x2000  }
0x228: {  	[sflag:s7] =	ssyncset.done $0x0  }
0x229: {  	[sflag:s7] =	ssyncadd.s32 $0xFFFFE000  }
0x22a: {  	_ =	swait.ge [sflag:s11], $0x8000  }
0x22b: {  	[sflag:s11] =	ssyncset.done $0x0  }
0x22c: {  	s18 =	simm.s32 $0x0;
	[sflag:s11] =	ssyncadd.s32 $0xFFFF8000  }
0x22d: {  	v1 =	vld [tilespmem:s18+$0x400];
	_ =	sdelay $0x4  }
0x22e: {  	s19 =	simm.s32 $0x10;
	v1 =	vshll.u32 v1, $0x2  }
0x22f: {  	v2 =	vld [tilespmem:s19+$0x400];
	v4 =	vor.u32 $0x1, v1  }
0x230: {  	v9 =	vor.u32 $0x2, v1  }
0x231: {  	s16 =	simm.s32 $0x20;
	v11 =	vor.u32 $0x3, v1  }
0x232: {  	v7 =	vld [tilespmem:s16+$0x400]  }
0x233: {  	v3 =	vld.idx.msk [tilespmem:v1+s17+$0x0], $0xffff  }
0x234: {  	v5 =	vshll.u32 v2, $0x2;
	v1 =	vld.idx.msk [tilespmem:v4+s17+$0x0], $0xffff  }
0x235: {  	s15 =	simm.s32 $0x40;
	v8 =	vor.u32 s14, v0;
	s18 =	simm.s32 $0x1;
	s19 =	simm.s32 $0x2;
	v6 =	vor.u32 $0x1, v5;
	v2 =	vld.idx.msk [tilespmem:v9+s17+$0x0], $0xffff  }
0x236: {  	s14 =	simm.s32 $0x80;
	s16 =	simm.s32 $0xC0;
	v10 =	vor.u32 $0x2, v5;
	v9 =	vor.u32 s18, v0;
	v4 =	vld.idx.msk [tilespmem:v11+s17+$0x0], $0xffff;
	v11 =	vor.u32 s19, v0;
	s18 =	simm.s32 $0x3  }
.LBB2_26:
0x237: {  	s19 =	sshra.s32 s16, $0x2  }
0x238: {  	v12 =	vor.u32 $0x3, v5;
	v13 =	vor.u32 s18, v0;
	v14 =	vmov v7;
	s18 =	smov.u32 s15;
	s15 =	smov.u32 s14;
	p0 =	sne.s32 s16, $0x7FC0  }
.Ltmp12:
0x239: {  	s14 =	smov.u32 s16;
	v7 =	vld [tilespmem:s19+$0x400];
	(pc) =	sbr.rel @p0 .LBB2_26-.Ltmp12, $4  }
0x23a: {  	[tilespmem:v8+s8+$0x0] =	vst.idx.msk $0xffff, v3;
	v3 =	vld.idx.msk [tilespmem:v5+s17+$0x0], $0xffff  }
0x23b: {  	s19 =	sadd.s32 $0x1, s18;
	v5 =	vshll.u32 v14, $0x2;
	v8 =	vor.u32 s18, v0;
	[tilespmem:v9+s8+$0x0] =	vst.idx.msk $0xffff, v1;
	v1 =	vld.idx.msk [tilespmem:v6+s17+$0x0], $0xffff  }
0x23c: {  	v6 =	vor.u32 $0x1, v5;
	v9 =	vor.u32 s19, v0;
	s19 =	sadd.s32 $0x2, s18;
	[tilespmem:v11+s8+$0x0] =	vst.idx.msk $0xffff, v2;
	v2 =	vld.idx.msk [tilespmem:v10+s17+$0x0], $0xffff  }
0x23d: {  	s16 =	sadd.s32 $0x40, s16;
	s18 =	sadd.s32 $0x3, s18;
	v10 =	vor.u32 $0x2, v5;
	v11 =	vor.u32 s19, v0;
	[tilespmem:v13+s8+$0x0] =	vst.idx.msk $0xffff, v4;
	v4 =	vld.idx.msk [tilespmem:v12+s17+$0x0], $0xffff  }
0x23e: {  	_ =	sdelay $0x1  }
0x23f: {  	v12 =	vor.u32 $0x3, v5  }
0x240: {  	v13 =	vor.u32 s18, v0;
	v7 =	vshll.u32 v7, $0x2  }
0x241: {  	v5 =	vld.idx.msk [tilespmem:v5+s17+$0x0], $0xffff;
	v14 =	vor.u32 s15, v0;
	s16 =	sadd.s32 $0x1, s15;
	v15 =	vor.u32 $0x1, v7  }
0x242: {  	s19 =	sadd.s32 $0x2, s15;
	[tilespmem:v8+s8+$0x0] =	vst.idx.msk $0xffff, v3;
	v3 =	vld.idx.msk [tilespmem:v6+s17+$0x0], $0xffff;
	v6 =	vor.u32 s16, v0;
	v8 =	vor.u32 $0x2, v7  }
0x243: {  	s16 =	sadd.s32 $0x3, s15;
	[tilespmem:v9+s8+$0x0] =	vst.idx.msk $0xffff, v1;
	v1 =	vld.idx.msk [tilespmem:v10+s17+$0x0], $0xffff;
	v9 =	vor.u32 s19, v0;
	v10 =	vor.u32 $0x3, v7  }
0x244: {  	[tilespmem:v11+s8+$0x0] =	vst.idx.msk $0xffff, v2;
	v11 =	vor.u32 s16, v0;
	v2 =	vld.idx.msk [tilespmem:v12+s17+$0x0], $0xffff  }
0x245: {  	s18 =	sadd.s32 $0x1, s14;
	[tilespmem:v13+s8+$0x0] =	vst.idx.msk $0xffff, v4;
	v4 =	vld.idx.msk [tilespmem:v7+s17+$0x0], $0xffff;
	v7 =	vor.u32 s14, v0  }
0x246: {  	v63 =	vor.u32 s18, v0;
	s19 =	sadd.s32 $0x2, s14;
	[tilespmem:v14+s8+$0x0] =	vst.idx.msk $0xffff, v5;
	v5 =	vld.idx.msk [tilespmem:v15+s17+$0x0], $0xffff  }
0x247: {  	s15 =	sadd.s32 $0x3, s14;
	[tilespmem:v6+s8+$0x0] =	vst.idx.msk $0xffff, v3;
	v3 =	vld.idx.msk [tilespmem:v8+s17+$0x0], $0xffff;
	v6 =	vor.u32 s19, v0  }
0x248: {  	v8 =	vor.u32 s15, v0;
	[tilespmem:v9+s8+$0x0] =	vst.idx.msk $0xffff, v1;
	v1 =	vld.idx.msk [tilespmem:v10+s17+$0x0], $0xffff  }
0x249: {  	[tilespmem:v11+s8+$0x0] =	vst.idx.msk $0xffff, v2  }
0x24a: {  	[tilespmem:v7+s8+$0x0] =	vst.idx.msk $0xffff, v4  }
0x24b: {  	[tilespmem:v63+s8+$0x0] =	vst.idx.msk $0xffff, v5  }
0x24c: {  	[tilespmem:v6+s8+$0x0] =	vst.idx.msk $0xffff, v3  }
0x24d: {  	s14 =	simm.s32 $0x0;
	[tilespmem:v8+s8+$0x0] =	vst.idx.msk $0xffff, v1  }
0x24e: {  	[hbm4b:s31+s14] =	stream.linear.scatter [tilespmem:s8], [sflag:$0x4], $0x8000, $0x38;
	[tilespmem:$0x14400] =	vst v63  }
0x24f: {  	s16 =	rddreg [dreg:$0x12]  }
0x250: {  	[tilespmem:s5], [sflag:$0x2] =	stream.linear.gather [hbm4b:s16+s14], $0x2000, $0x38;
	[tilespmem:$0x14400] =	vst v63  }
0x251: {  	_ =	swait.ge [sflag:s9], $0x2000  }
0x252: {  	[sflag:s9] =	ssyncset.done $0x0  }
0x253: {  	[sflag:s9] =	ssyncadd.s32 $0xFFFFE000  }
0x254: {  	_ =	swait.ge [sflag:s12], $0x8000  }
0x255: {  	[sflag:s12] =	ssyncset.done $0x0  }
0x256: {  	s18 =	simm.s32 $0x0;
	[sflag:s12] =	ssyncadd.s32 $0xFFFF8000  }
0x257: {  	v1 =	vld [tilespmem:s18+$0x2400];
	_ =	sdelay $0x4  }
0x258: {  	s19 =	simm.s32 $0x10;
	v1 =	vshll.u32 v1, $0x2  }
0x259: {  	v2 =	vld [tilespmem:s19+$0x2400];
	v4 =	vor.u32 $0x1, v1  }
0x25a: {  	v9 =	vor.u32 $0x2, v1  }
0x25b: {  	s16 =	simm.s32 $0x20;
	v11 =	vor.u32 $0x3, v1  }
0x25c: {  	v7 =	vld [tilespmem:s16+$0x2400]  }
0x25d: {  	v3 =	vld.idx.msk [tilespmem:v1+s17+$0x0], $0xffff  }
0x25e: {  	v5 =	vshll.u32 v2, $0x2;
	v1 =	vld.idx.msk [tilespmem:v4+s17+$0x0], $0xffff  }
0x25f: {  	s15 =	simm.s32 $0x40;
	v8 =	vor.u32 s14, v0;
	s18 =	simm.s32 $0x1;
	s19 =	simm.s32 $0x2;
	v6 =	vor.u32 $0x1, v5;
	v2 =	vld.idx.msk [tilespmem:v9+s17+$0x0], $0xffff  }
0x260: {  	s14 =	simm.s32 $0x80;
	s16 =	simm.s32 $0xC0;
	v10 =	vor.u32 $0x2, v5;
	v9 =	vor.u32 s18, v0;
	v4 =	vld.idx.msk [tilespmem:v11+s17+$0x0], $0xffff;
	v11 =	vor.u32 s19, v0;
	s18 =	simm.s32 $0x3  }
.LBB2_28:
0x261: {  	s19 =	sshra.s32 s16, $0x2  }
0x262: {  	v12 =	vor.u32 $0x3, v5;
	v13 =	vor.u32 s18, v0;
	v14 =	vmov v7;
	s18 =	smov.u32 s15;
	s15 =	smov.u32 s14;
	p0 =	sne.s32 s16, $0x7FC0  }
.Ltmp13:
0x263: {  	s14 =	smov.u32 s16;
	v7 =	vld [tilespmem:s19+$0x2400];
	(pc) =	sbr.rel @p0 .LBB2_28-.Ltmp13, $4  }
0x264: {  	[tilespmem:v8+s10+$0x0] =	vst.idx.msk $0xffff, v3;
	v3 =	vld.idx.msk [tilespmem:v5+s17+$0x0], $0xffff  }
0x265: {  	s19 =	sadd.s32 $0x1, s18;
	v5 =	vshll.u32 v14, $0x2;
	v8 =	vor.u32 s18, v0;
	[tilespmem:v9+s10+$0x0] =	vst.idx.msk $0xffff, v1;
	v1 =	vld.idx.msk [tilespmem:v6+s17+$0x0], $0xffff  }
0x266: {  	v6 =	vor.u32 $0x1, v5;
	v9 =	vor.u32 s19, v0;
	s19 =	sadd.s32 $0x2, s18;
	[tilespmem:v11+s10+$0x0] =	vst.idx.msk $0xffff, v2;
	v2 =	vld.idx.msk [tilespmem:v10+s17+$0x0], $0xffff  }
0x267: {  	s16 =	sadd.s32 $0x40, s16;
	s18 =	sadd.s32 $0x3, s18;
	v10 =	vor.u32 $0x2, v5;
	v11 =	vor.u32 s19, v0;
	[tilespmem:v13+s10+$0x0] =	vst.idx.msk $0xffff, v4;
	v4 =	vld.idx.msk [tilespmem:v12+s17+$0x0], $0xffff  }
0x268: {  	_ =	sdelay $0x1  }
0x269: {  	v12 =	vor.u32 $0x3, v5  }
0x26a: {  	v13 =	vor.u32 s18, v0;
	v7 =	vshll.u32 v7, $0x2  }
0x26b: {  	v5 =	vld.idx.msk [tilespmem:v5+s17+$0x0], $0xffff;
	v14 =	vor.u32 s15, v0;
	s16 =	sadd.s32 $0x1, s15;
	v15 =	vor.u32 $0x1, v7  }
0x26c: {  	s19 =	sadd.s32 $0x2, s15;
	[tilespmem:v8+s10+$0x0] =	vst.idx.msk $0xffff, v3;
	v3 =	vld.idx.msk [tilespmem:v6+s17+$0x0], $0xffff;
	v6 =	vor.u32 s16, v0;
	v8 =	vor.u32 $0x2, v7  }
0x26d: {  	s16 =	sadd.s32 $0x3, s15;
	[tilespmem:v9+s10+$0x0] =	vst.idx.msk $0xffff, v1;
	v1 =	vld.idx.msk [tilespmem:v10+s17+$0x0], $0xffff;
	v9 =	vor.u32 s19, v0;
	v10 =	vor.u32 $0x3, v7  }
0x26e: {  	[tilespmem:v11+s10+$0x0] =	vst.idx.msk $0xffff, v2;
	v11 =	vor.u32 s16, v0;
	v2 =	vld.idx.msk [tilespmem:v12+s17+$0x0], $0xffff  }
0x26f: {  	s18 =	sadd.s32 $0x1, s14;
	[tilespmem:v13+s10+$0x0] =	vst.idx.msk $0xffff, v4;
	v4 =	vld.idx.msk [tilespmem:v7+s17+$0x0], $0xffff;
	v7 =	vor.u32 s14, v0  }
0x270: {  	v63 =	vor.u32 s18, v0;
	s19 =	sadd.s32 $0x2, s14;
	[tilespmem:v14+s10+$0x0] =	vst.idx.msk $0xffff, v5;
	v5 =	vld.idx.msk [tilespmem:v15+s17+$0x0], $0xffff  }
0x271: {  	s15 =	sadd.s32 $0x3, s14;
	[tilespmem:v6+s10+$0x0] =	vst.idx.msk $0xffff, v3;
	v3 =	vld.idx.msk [tilespmem:v8+s17+$0x0], $0xffff;
	v6 =	vor.u32 s19, v0  }
0x272: {  	v8 =	vor.u32 s15, v0;
	[tilespmem:v9+s10+$0x0] =	vst.idx.msk $0xffff, v1;
	v1 =	vld.idx.msk [tilespmem:v10+s17+$0x0], $0xffff  }
0x273: {  	[tilespmem:v11+s10+$0x0] =	vst.idx.msk $0xffff, v2  }
0x274: {  	[tilespmem:v7+s10+$0x0] =	vst.idx.msk $0xffff, v4  }
0x275: {  	[tilespmem:v63+s10+$0x0] =	vst.idx.msk $0xffff, v5  }
0x276: {  	[tilespmem:v6+s10+$0x0] =	vst.idx.msk $0xffff, v3  }
0x277: {  	s14 =	simm.s32 $0x0;
	[tilespmem:v8+s10+$0x0] =	vst.idx.msk $0xffff, v1  }
0x278: {  	[hbm4b:s0+s14] =	stream.linear.scatter [tilespmem:s10], [sflag:$0x5], $0x8000, $0x38;
	[tilespmem:$0x14400] =	vst v63  }
0x279: {  	s16 =	rddreg [dreg:$0x13]  }
0x27a: {  	[tilespmem:s6], [sflag:$0x3] =	stream.linear.gather [hbm4b:s16+s14], $0x2000, $0x38;
	[tilespmem:$0x14400] =	vst v63  }
0x27b: {  	_ =	swait.ge [sflag:s7], $0x2000  }
0x27c: {  	[sflag:s7] =	ssyncset.done $0x0  }
0x27d: {  	[sflag:s7] =	ssyncadd.s32 $0xFFFFE000  }
0x27e: {  	_ =	swait.ge [sflag:s11], $0x8000  }
0x27f: {  	[sflag:s11] =	ssyncset.done $0x0  }
0x280: {  	s18 =	simm.s32 $0x0;
	[sflag:s11] =	ssyncadd.s32 $0xFFFF8000  }
0x281: {  	v1 =	vld [tilespmem:s18+$0x400];
	_ =	sdelay $0x4  }
0x282: {  	s19 =	simm.s32 $0x10;
	v1 =	vshll.u32 v1, $0x2  }
0x283: {  	v2 =	vld [tilespmem:s19+$0x400];
	v4 =	vor.u32 $0x1, v1  }
0x284: {  	v9 =	vor.u32 $0x2, v1  }
0x285: {  	s16 =	simm.s32 $0x20;
	v11 =	vor.u32 $0x3, v1  }
0x286: {  	v7 =	vld [tilespmem:s16+$0x400]  }
0x287: {  	v3 =	vld.idx.msk [tilespmem:v1+s17+$0x0], $0xffff  }
0x288: {  	v5 =	vshll.u32 v2, $0x2;
	v1 =	vld.idx.msk [tilespmem:v4+s17+$0x0], $0xffff  }
0x289: {  	s15 =	simm.s32 $0x40;
	v8 =	vor.u32 s14, v0;
	s18 =	simm.s32 $0x1;
	s19 =	simm.s32 $0x2;
	v6 =	vor.u32 $0x1, v5;
	v2 =	vld.idx.msk [tilespmem:v9+s17+$0x0], $0xffff  }
0x28a: {  	s14 =	simm.s32 $0x80;
	s16 =	simm.s32 $0xC0;
	v10 =	vor.u32 $0x2, v5;
	v9 =	vor.u32 s18, v0;
	v4 =	vld.idx.msk [tilespmem:v11+s17+$0x0], $0xffff;
	v11 =	vor.u32 s19, v0;
	s18 =	simm.s32 $0x3  }
.LBB2_30:
0x28b: {  	s19 =	sshra.s32 s16, $0x2  }
0x28c: {  	v12 =	vor.u32 $0x3, v5;
	v13 =	vor.u32 s18, v0;
	v14 =	vmov v7;
	s18 =	smov.u32 s15;
	s15 =	smov.u32 s14;
	p0 =	sne.s32 s16, $0x7FC0  }
.Ltmp14:
0x28d: {  	s14 =	smov.u32 s16;
	v7 =	vld [tilespmem:s19+$0x400];
	(pc) =	sbr.rel @p0 .LBB2_30-.Ltmp14, $4  }
0x28e: {  	[tilespmem:v8+s8+$0x0] =	vst.idx.msk $0xffff, v3;
	v3 =	vld.idx.msk [tilespmem:v5+s17+$0x0], $0xffff  }
0x28f: {  	s19 =	sadd.s32 $0x1, s18;
	v5 =	vshll.u32 v14, $0x2;
	v8 =	vor.u32 s18, v0;
	[tilespmem:v9+s8+$0x0] =	vst.idx.msk $0xffff, v1;
	v1 =	vld.idx.msk [tilespmem:v6+s17+$0x0], $0xffff  }
0x290: {  	v6 =	vor.u32 $0x1, v5;
	v9 =	vor.u32 s19, v0;
	s19 =	sadd.s32 $0x2, s18;
	[tilespmem:v11+s8+$0x0] =	vst.idx.msk $0xffff, v2;
	v2 =	vld.idx.msk [tilespmem:v10+s17+$0x0], $0xffff  }
0x291: {  	s16 =	sadd.s32 $0x40, s16;
	s18 =	sadd.s32 $0x3, s18;
	v10 =	vor.u32 $0x2, v5;
	v11 =	vor.u32 s19, v0;
	[tilespmem:v13+s8+$0x0] =	vst.idx.msk $0xffff, v4;
	v4 =	vld.idx.msk [tilespmem:v12+s17+$0x0], $0xffff  }
0x292: {  	_ =	sdelay $0x1  }
0x293: {  	v12 =	vor.u32 $0x3, v5  }
0x294: {  	v13 =	vor.u32 s18, v0;
	v7 =	vshll.u32 v7, $0x2  }
0x295: {  	v5 =	vld.idx.msk [tilespmem:v5+s17+$0x0], $0xffff;
	v14 =	vor.u32 s15, v0;
	s16 =	sadd.s32 $0x1, s15;
	v15 =	vor.u32 $0x1, v7  }
0x296: {  	s19 =	sadd.s32 $0x2, s15;
	[tilespmem:v8+s8+$0x0] =	vst.idx.msk $0xffff, v3;
	v3 =	vld.idx.msk [tilespmem:v6+s17+$0x0], $0xffff;
	v6 =	vor.u32 s16, v0;
	v8 =	vor.u32 $0x2, v7  }
0x297: {  	s16 =	sadd.s32 $0x3, s15;
	[tilespmem:v9+s8+$0x0] =	vst.idx.msk $0xffff, v1;
	v1 =	vld.idx.msk [tilespmem:v10+s17+$0x0], $0xffff;
	v9 =	vor.u32 s19, v0;
	v10 =	vor.u32 $0x3, v7  }
0x298: {  	[tilespmem:v11+s8+$0x0] =	vst.idx.msk $0xffff, v2;
	v11 =	vor.u32 s16, v0;
	v2 =	vld.idx.msk [tilespmem:v12+s17+$0x0], $0xffff  }
0x299: {  	s18 =	sadd.s32 $0x1, s14;
	[tilespmem:v13+s8+$0x0] =	vst.idx.msk $0xffff, v4;
	v4 =	vld.idx.msk [tilespmem:v7+s17+$0x0], $0xffff;
	v7 =	vor.u32 s14, v0  }
0x29a: {  	v63 =	vor.u32 s18, v0;
	s19 =	sadd.s32 $0x2, s14;
	[tilespmem:v14+s8+$0x0] =	vst.idx.msk $0xffff, v5;
	v5 =	vld.idx.msk [tilespmem:v15+s17+$0x0], $0xffff  }
0x29b: {  	s16 =	sadd.s32 $0x3, s14;
	[tilespmem:v6+s8+$0x0] =	vst.idx.msk $0xffff, v3;
	v3 =	vld.idx.msk [tilespmem:v8+s17+$0x0], $0xffff;
	v6 =	vor.u32 s19, v0  }
0x29c: {  	v8 =	vor.u32 s16, v0;
	[tilespmem:v9+s8+$0x0] =	vst.idx.msk $0xffff, v1;
	v1 =	vld.idx.msk [tilespmem:v10+s17+$0x0], $0xffff  }
0x29d: {  	[tilespmem:v11+s8+$0x0] =	vst.idx.msk $0xffff, v2  }
0x29e: {  	[tilespmem:v7+s8+$0x0] =	vst.idx.msk $0xffff, v4  }
0x29f: {  	[tilespmem:v63+s8+$0x0] =	vst.idx.msk $0xffff, v5  }
0x2a0: {  	[tilespmem:v6+s8+$0x0] =	vst.idx.msk $0xffff, v3  }
0x2a1: {  	s14 =	simm.s32 $0x0;
	[tilespmem:v8+s8+$0x0] =	vst.idx.msk $0xffff, v1  }
0x2a2: {  	[hbm4b:s1+s14] =	stream.linear.scatter [tilespmem:s8], [sflag:$0x4], $0x8000, $0x38;
	[tilespmem:$0x14400] =	vst v63  }
0x2a3: {  	_ =	swait.ge [sflag:s9], $0x2000  }
0x2a4: {  	[sflag:s9] =	ssyncset.done $0x0  }
0x2a5: {  	[sflag:s9] =	ssyncadd.s32 $0xFFFFE000  }
0x2a6: {  	_ =	swait.ge [sflag:s12], $0x8000  }
0x2a7: {  	[sflag:s12] =	ssyncset.done $0x0  }
0x2a8: {  	s18 =	simm.s32 $0x0;
	[sflag:s12] =	ssyncadd.s32 $0xFFFF8000  }
0x2a9: {  	v1 =	vld [tilespmem:s18+$0x2400];
	_ =	sdelay $0x4  }
0x2aa: {  	s19 =	simm.s32 $0x10;
	v1 =	vshll.u32 v1, $0x2  }
0x2ab: {  	v2 =	vld [tilespmem:s19+$0x2400];
	v4 =	vor.u32 $0x1, v1  }
0x2ac: {  	v9 =	vor.u32 $0x2, v1  }
0x2ad: {  	s16 =	simm.s32 $0x20;
	v11 =	vor.u32 $0x3, v1  }
0x2ae: {  	v7 =	vld [tilespmem:s16+$0x2400]  }
0x2af: {  	v3 =	vld.idx.msk [tilespmem:v1+s17+$0x0], $0xffff  }
0x2b0: {  	v5 =	vshll.u32 v2, $0x2;
	v1 =	vld.idx.msk [tilespmem:v4+s17+$0x0], $0xffff  }
0x2b1: {  	s15 =	simm.s32 $0x40;
	v8 =	vor.u32 s14, v0;
	s18 =	simm.s32 $0x1;
	s19 =	simm.s32 $0x2;
	v6 =	vor.u32 $0x1, v5;
	v2 =	vld.idx.msk [tilespmem:v9+s17+$0x0], $0xffff  }
0x2b2: {  	s14 =	simm.s32 $0x80;
	s16 =	simm.s32 $0xC0;
	v10 =	vor.u32 $0x2, v5;
	v9 =	vor.u32 s18, v0;
	v4 =	vld.idx.msk [tilespmem:v11+s17+$0x0], $0xffff;
	v11 =	vor.u32 s19, v0;
	s18 =	simm.s32 $0x3  }
.LBB2_32:
0x2b3: {  	s19 =	sshra.s32 s16, $0x2  }
0x2b4: {  	v12 =	vor.u32 $0x3, v5;
	v13 =	vor.u32 s18, v0;
	v14 =	vmov v7;
	s18 =	smov.u32 s15;
	s15 =	smov.u32 s14;
	p0 =	sne.s32 s16, $0x7FC0  }
.Ltmp15:
0x2b5: {  	s14 =	smov.u32 s16;
	v7 =	vld [tilespmem:s19+$0x2400];
	(pc) =	sbr.rel @p0 .LBB2_32-.Ltmp15, $4  }
0x2b6: {  	[tilespmem:v8+s10+$0x0] =	vst.idx.msk $0xffff, v3;
	v3 =	vld.idx.msk [tilespmem:v5+s17+$0x0], $0xffff  }
0x2b7: {  	s19 =	sadd.s32 $0x1, s18;
	v5 =	vshll.u32 v14, $0x2;
	v8 =	vor.u32 s18, v0;
	[tilespmem:v9+s10+$0x0] =	vst.idx.msk $0xffff, v1;
	v1 =	vld.idx.msk [tilespmem:v6+s17+$0x0], $0xffff  }
0x2b8: {  	v6 =	vor.u32 $0x1, v5;
	v9 =	vor.u32 s19, v0;
	s19 =	sadd.s32 $0x2, s18;
	[tilespmem:v11+s10+$0x0] =	vst.idx.msk $0xffff, v2;
	v2 =	vld.idx.msk [tilespmem:v10+s17+$0x0], $0xffff  }
0x2b9: {  	s16 =	sadd.s32 $0x40, s16;
	s18 =	sadd.s32 $0x3, s18;
	v10 =	vor.u32 $0x2, v5;
	v11 =	vor.u32 s19, v0;
	[tilespmem:v13+s10+$0x0] =	vst.idx.msk $0xffff, v4;
	v4 =	vld.idx.msk [tilespmem:v12+s17+$0x0], $0xffff  }
0x2ba: {  	_ =	sdelay $0x1  }
0x2bb: {  	v12 =	vor.u32 $0x3, v5  }
0x2bc: {  	v13 =	vor.u32 s18, v0;
	v7 =	vshll.u32 v7, $0x2  }
0x2bd: {  	v52 =	vld.idx.msk [tilespmem:v5+s17+$0x0], $0xffff;
	v14 =	vor.u32 s15, v0;
	s16 =	sadd.s32 $0x1, s15;
	v15 =	vor.u32 $0x1, v7  }
0x2be: {  	s18 =	sadd.s32 $0x2, s15;
	[tilespmem:v8+s10+$0x0] =	vst.idx.msk $0xffff, v3;
	v3 =	vld.idx.msk [tilespmem:v6+s17+$0x0], $0xffff;
	v53 =	vor.u32 s16, v0;
	v54 =	vor.u32 $0x2, v7  }
0x2bf: {  	s19 =	sadd.s32 $0x3, s15;
	v55 =	vor.u32 s18, v0;
	v56 =	vor.u32 $0x3, v7;
	[tilespmem:v9+s10+$0x0] =	vst.idx.msk $0xffff, v1;
	v1 =	vld.idx.msk [tilespmem:v10+s17+$0x0], $0xffff  }
0x2c0: {  	v57 =	vor.u32 s19, v0;
	[tilespmem:v11+s10+$0x0] =	vst.idx.msk $0xffff, v2;
	v2 =	vld.idx.msk [tilespmem:v12+s17+$0x0], $0xffff  }
0x2c1: {  	v59 =	vor.u32 s14, v0;
	s16 =	sadd.s32 $0x1, s14;
	[tilespmem:v13+s10+$0x0] =	vst.idx.msk $0xffff, v4;
	v58 =	vld.idx.msk [tilespmem:v7+s17+$0x0], $0xffff  }
0x2c2: {  	s18 =	sadd.s32 $0x2, s14;
	v61 =	vor.u32 s16, v0;
	[tilespmem:v14+s10+$0x0] =	vst.idx.msk $0xffff, v52;
	v60 =	vld.idx.msk [tilespmem:v15+s17+$0x0], $0xffff  }
0x2c3: {  	s19 =	sadd.s32 $0x3, s14;
	v62 =	vor.u32 s18, v0;
	[tilespmem:v53+s10+$0x0] =	vst.idx.msk $0xffff, v3;
	v3 =	vld.idx.msk [tilespmem:v54+s17+$0x0], $0xffff  }
0x2c4: {  	v63 =	vor.u32 s19, v0;
	[tilespmem:v55+s10+$0x0] =	vst.idx.msk $0xffff, v1;
	v1 =	vld.idx.msk [tilespmem:v56+s17+$0x0], $0xffff  }
0x2c5: {  	[tilespmem:v57+s10+$0x0] =	vst.idx.msk $0xffff, v2  }
0x2c6: {  	[tilespmem:v59+s10+$0x0] =	vst.idx.msk $0xffff, v58  }
0x2c7: {  	[tilespmem:v61+s10+$0x0] =	vst.idx.msk $0xffff, v60  }
0x2c8: {  	[tilespmem:v62+s10+$0x0] =	vst.idx.msk $0xffff, v3  }
0x2c9: {  	s13 =	sadd.s32 $0x1, s13;
	[tilespmem:v63+s10+$0x0] =	vst.idx.msk $0xffff, v1  }
0x2ca: {  	[hbm4b:s2+s17] =	stream.linear.scatter [tilespmem:s10], [sflag:$0x5], $0x8000, $0x38;
	[tilespmem:$0x14400] =	vst v63  }
0x2cb: {  	p0 =	sne.s32 s13, s3;
	_ =	swait.ge [sflag:s11], $0x8000  }
.Ltmp16:
0x2cc: {  	[sflag:s11] =	ssyncset.done $0x0;
	(pc) =	sbr.rel @p0 .LBB2_1-.Ltmp16, $4  }
0x2cd: {  	[sflag:s11] =	ssyncadd.s32 $0xFFFF8000  }
0x2ce: {  	_ =	swait.ge [sflag:s12], $0x8000  }
0x2cf: {  	[sflag:s12] =	ssyncset.done $0x0  }
0x2d0: {  	[sflag:s12] =	ssyncadd.s32 $0xFFFF8000  }
0x2d1: {  	_ =	sfence.sel $0x180000  }
0x2d2: {  	[bflag:$0x0] =	sbarrier.arrive $0xFFFF  }
0x2d3: {  	_ =	strace $0x90000047  }
0x2d4: {  	s0 =	stileid.u32;
	[bflag:$0x2] =	sbarrier.arrive $0xFFFF  }
0x2d5: {  	p0 =	sne.s32 s0, $0x0;
	s0 =	rddreg [dreg:$0x3]  }
0x2d6: {  	s0 =	sadd.s32 @!p0 $0x100000, s0  }
0x2d7: {  	[sflag:s0] =	ssyncadd.tile.s32 @!p0 $0x1;
	_ =	shalt  }
.Lfunc_end2:
_tile_overlayer_lowered:
.L_overlay_start_2:
0x2d8: {  	(tag) =	ssettag $0x2  }
0x2d9: {  	s0 =	rddreg [dreg:$0x0];
	s2 =	stileid.u32  }
0x2da: {  	s1 =	rddreg [dreg:$0x1];
	p0 =	sne.s32 s2, $0x0  }
0x2db: {  	s3 =	rddreg [dreg:$0x2];
	[bflag:$0x3] =	sbarrier.arrive $0xFFFF;
	s2 =	simm.s32 @!p0 $0x1C06  }
0x2dc: {  	[timem:s3], [sflag:s2] =	dma.local @!p0 [hbm:s0], s1  }
0x2dd: {  	s0 =	simm.s32 @!p0 $0x6  }
0x2de: {  	_ =	swait.ge @!p0 [sflag:s0], s1  }
0x2df: {  	s1 =	ssub.s32 @!p0 $0x0, s1;
	[sflag:s0] =	ssyncset.done @!p0 $0x0  }
0x2e0: {  	[sflag:s0] =	ssyncadd.s32 @!p0 s1  }
0x2e1: {  	[bflag:$0x3] =	sbarrier.arrive $0xFFFF  }
0x2e2: {  	_ =	shalt  }

</sc_bundles>
